<compile_context>
chip_gen: v7x
topology: tpu7x:2x2x1
jax: 0.10.2.dev20260603
libtpu: 0.0.44.dev20260713+nightly
codegen_flags: <defaults>
</compile_context>

<pallas_src>
import functools
import math

import jax
import jax.numpy as jnp
from jax import lax
from jax.experimental import pallas as pl
from jax.experimental.pallas import tpu as pltpu
from jax.experimental.pallas import tpu_sc as plsc

_SCALE = 8.0
_LANES = 16
_NBUF = 3


@functools.cache
def _build(B, V, D):
    NC, NS = 2, 16
    NW = NC * NS
    assert B % NW == 0
    b_per_w = B // NW
    C = 512
    assert b_per_w % C == 0 and C % 128 == 0
    n_chunks = b_per_w // C
    K = C // 128
    vecs_per_row = D // _LANES
    main_end = 1 + ((n_chunks - 3 - 1) // _NBUF) * _NBUF
    assert main_end >= 1 and (main_end - 1) % _NBUF == 0 and main_end + 2 <= n_chunks

    mesh = plsc.VectorSubcoreMesh(core_axis_name="c", subcore_axis_name="s")

    @functools.partial(
        pl.kernel,
        mesh=mesh,
        compiler_params=pltpu.CompilerParams(use_tc_tiling_on_sc=False),
        out_type=jax.ShapeDtypeStruct((B, D), jnp.float32),
        scratch_types=[
            [pltpu.VMEM((C,), jnp.int32) for _ in range(_NBUF)],
            [pltpu.VMEM((C, D), jnp.float32) for _ in range(_NBUF)],
            [pltpu.SemaphoreType.DMA for _ in range(_NBUF)],
            [pltpu.SemaphoreType.DMA for _ in range(_NBUF)],
        ],
    )
    def emb(x_hbm, lut_hbm, out_hbm, idx_v, rows_v, gsem, ssem):
        wid = lax.axis_index("s") * NC + lax.axis_index("c")
        base = wid * b_per_w

        def load_and_gather(c, b):
            pltpu.sync_copy(x_hbm.at[pl.ds(base + c * C, C)], idx_v[b])
            for j in range(K):
                sl = pl.ds(j * 128, 128)
                pltpu.async_copy(
                    lut_hbm.at[idx_v[b].at[sl]], rows_v[b].at[sl], gsem[b]
                )

        def drain_gather(b):
            pltpu.make_async_copy(
                lut_hbm.at[pl.ds(0, C)], rows_v[b], gsem[b]
            ).wait()

        def start_store(c, b):
            pltpu.async_copy(
                rows_v[b], out_hbm.at[pl.ds(base + c * C, C)], ssem[b]
            )

        def drain_store(b):
            pltpu.make_async_copy(
                rows_v[b], out_hbm.at[pl.ds(base, C)], ssem[b]
            ).wait()

        def scale(b):
            @plsc.parallel_loop(0, C, unroll=8)
            def _(r):
                for k in range(vecs_per_row):
                    sl = pl.ds(k * _LANES, _LANES)
                    rows_v[b][r, sl] = rows_v[b][r, sl] * _SCALE

        load_and_gather(0, 0)
        load_and_gather(1, 1)
        drain_gather(0)
        load_and_gather(2, 2)
        scale(0)
        start_store(0, 0)

        @pl.loop(1, main_end, step=_NBUF)
        def _(i):
            for b_off in range(_NBUF):
                c = i + b_off
                b = (1 + b_off) % _NBUF
                nb = (b + 2) % _NBUF
                drain_gather(b)
                drain_store(nb)
                load_and_gather(c + 2, nb)
                scale(b)
                start_store(c, b)

        for c in range(main_end, n_chunks):
            b = c % _NBUF
            nb = (b + 2) % _NBUF
            drain_gather(b)
            if c + 2 < n_chunks:
                drain_store(nb)
                load_and_gather(c + 2, nb)
            scale(b)
            start_store(c, b)
        for c in range(n_chunks - _NBUF, n_chunks):
            drain_store(c % _NBUF)

    return emb


def kernel(x, lut):
    B0, S = x.shape
    V, D = lut.shape
    B = B0 * S
    xf = x.reshape(B).astype(jnp.int32)
    out = _build(B, V, D)(xf, lut)
    return out.reshape(B0, S, D)

# --- scband reference (transcript-rebuilt; emitter-appended) ---
"""Pipeline reference for scband-embeddings-58926951301357 (READ-ONLY COPY).

The authoritative reference and input builder live on the scoring server;
editing this copy changes nothing except your own understanding.
"""

import jax, jax.numpy as jnp
import numpy as np
import math

VOCAB = 1000000
DIM_MODEL = 64

def setup_inputs(seed: int = 0) -> dict:
    key = jax.random.key(seed)
    k1, k2 = jax.random.split(key)
    x = jax.random.randint(k1, (16384, 50), 0, VOCAB, dtype=jnp.int64 if jax.config.jax_enable_x64 else jnp.int32)
    lut = jax.random.normal(k2, (VOCAB, DIM_MODEL), dtype=jnp.float32)
    return {"x": x, "lut": lut}

def reference(x, lut):
    # Embeddings.forward: self.lut(x) * sqrt(dim_model)
    emb = jnp.take(lut, x, axis=0)
    return emb * math.sqrt(DIM_MODEL)

if __name__ == "__main__":
    import jax
    _d = setup_inputs()
    print(jax.jit(kernel)(*tuple(_d.values())))

</pallas_src>

<mosaic_0001>
#map = affine_map<(d0, d1) -> (0)>
#map1 = affine_map<(d0, d1) -> (0, 0)>
module attributes {stable_mosaic.version = 14 : i64} {
  func.func @emb(%arg0: i32, %arg1: i32, %arg2: memref<819200xi32, #tpu.memory_space<hbm>>, %arg3: memref<1000000x64xf32, #tpu.memory_space<hbm>>, %arg4: memref<819200x64xf32, #tpu.memory_space<hbm>>, %arg5: memref<512xi32, #tpu.memory_space<vmem>>, %arg6: memref<512xi32, #tpu.memory_space<vmem>>, %arg7: memref<512xi32, #tpu.memory_space<vmem>>, %arg8: memref<512x64xf32, #tpu.memory_space<vmem>>, %arg9: memref<512x64xf32, #tpu.memory_space<vmem>>, %arg10: memref<512x64xf32, #tpu.memory_space<vmem>>, %arg11: memref<!tpu.dma_semaphore, #tpu.memory_space<semaphore_mem>>, %arg12: memref<!tpu.dma_semaphore, #tpu.memory_space<semaphore_mem>>, %arg13: memref<!tpu.dma_semaphore, #tpu.memory_space<semaphore_mem>>, %arg14: memref<!tpu.dma_semaphore, #tpu.memory_space<semaphore_mem>>, %arg15: memref<!tpu.dma_semaphore, #tpu.memory_space<semaphore_mem>>, %arg16: memref<!tpu.dma_semaphore, #tpu.memory_space<semaphore_mem>>) attributes {dimension_semantics = [#tpu.dimension_semantics<core_parallel>, #tpu.dimension_semantics<subcore_parallel>], iteration_bounds = array<i64: 2, 16>, scalar_prefetch = 0 : i64, scratch_operands = 12 : i64, tpu.core_type = #tpu.core_type<sc_vector_subcore>, window_params = [{transform_indices = #map}, {transform_indices = #map1}, {transform_indices = #map1}]} {
    %mul3A = arith.constant 2 : i32
    %mul3A_0 = arith.muli %arg1, %mul3A : i32
    %add3A = arith.addi %mul3A_0, %arg0 : i32
    %mul3A_1 = arith.constant 25600 : i32
    %mul3A_2 = arith.muli %add3A, %mul3A_1 : i32
    %add3A_3 = arith.constant 0 : i32
    %add3A_4 = arith.addi %mul3A_2, %add3A_3 : i32
    "tpu.region"() ({
      %run_scoped3A = tpu.sem_alloc : memref<!tpu.dma_semaphore, #tpu.memory_space<semaphore_mem>>
      %dma_start3A_269 = tpu.memref_slice %arg2[%add3A_4] : memref<819200xi32, #tpu.memory_space<hbm>> -> memref<512xi32, #tpu.memory_space<hbm>>
      %dma_start3A_270 = tpu.memref_slice %arg2[%add3A_4] : memref<819200xi32, #tpu.memory_space<hbm>> -> memref<512xi32, #tpu.memory_space<hbm>>
      tpu.enqueue_dma source(%dma_start3A_270 : memref<512xi32, #tpu.memory_space<hbm>>) target(%arg5 : memref<512xi32, #tpu.memory_space<vmem>>) target_semaphore(%run_scoped3A : memref<!tpu.dma_semaphore, #tpu.memory_space<semaphore_mem>>)
      %dma_wait3A_271 = tpu.memref_slice %arg2[%add3A_4] : memref<819200xi32, #tpu.memory_space<hbm>> -> memref<512xi32, #tpu.memory_space<hbm>>
      %dma_wait3A_272 = tpu.memref_slice %arg2[%add3A_4] : memref<819200xi32, #tpu.memory_space<hbm>> -> memref<512xi32, #tpu.memory_space<hbm>>
      tpu.wait_dma2 semaphore(%run_scoped3A : memref<!tpu.dma_semaphore, #tpu.memory_space<semaphore_mem>>) src(%dma_wait3A_272 : memref<512xi32, #tpu.memory_space<hbm>>) dst(%arg5 : memref<512xi32, #tpu.memory_space<vmem>>)
      tpu.yield
    }) : () -> ()
    %dma_start3A = arith.constant 0 : i32
    %dma_start3A_5 = arith.constant 0 : i32
    %dma_start3A_6 = tpu.memref_slice %arg8[%dma_start3A, %dma_start3A_5] : memref<512x64xf32, #tpu.memory_space<vmem>> -> memref<128x64xf32, #tpu.memory_space<vmem>>
    %dma_start3A_7 = arith.constant 0 : i32
    %dma_start3A_8 = tpu.memref_slice %arg5[%dma_start3A_7] : memref<512xi32, #tpu.memory_space<vmem>> -> memref<128xi32, #tpu.memory_space<vmem>>
    %dma_start3A_9 = arith.constant 0 : i32
    %dma_start3A_10 = arith.constant 0 : i32
    %dma_start3A_11 = tpu.memref_slice %arg3[%dma_start3A_9, %dma_start3A_10] : memref<1000000x64xf32, #tpu.memory_space<hbm>> -> memref<1000000x64xf32, #tpu.memory_space<hbm>>
    tpu.enqueue_indirect_dma source(%dma_start3A_11 : memref<1000000x64xf32, #tpu.memory_space<hbm>>) target(%dma_start3A_6 : memref<128x64xf32, #tpu.memory_space<vmem>>) offsets(%dma_start3A_8 : memref<128xi32, #tpu.memory_space<vmem>>) semaphore(%arg11 : memref<!tpu.dma_semaphore, #tpu.memory_space<semaphore_mem>>)
    %dma_start3A_12 = arith.constant 128 : i32
    %dma_start3A_13 = arith.constant 0 : i32
    %dma_start3A_14 = tpu.memref_slice %arg8[%dma_start3A_12, %dma_start3A_13] : memref<512x64xf32, #tpu.memory_space<vmem>> -> memref<128x64xf32, #tpu.memory_space<vmem>>
    %dma_start3A_15 = arith.constant 128 : i32
    %dma_start3A_16 = tpu.memref_slice %arg5[%dma_start3A_15] : memref<512xi32, #tpu.memory_space<vmem>> -> memref<128xi32, #tpu.memory_space<vmem>>
    %dma_start3A_17 = arith.constant 0 : i32
    %dma_start3A_18 = arith.constant 0 : i32
    %dma_start3A_19 = tpu.memref_slice %arg3[%dma_start3A_17, %dma_start3A_18] : memref<1000000x64xf32, #tpu.memory_space<hbm>> -> memref<1000000x64xf32, #tpu.memory_space<hbm>>
    tpu.enqueue_indirect_dma source(%dma_start3A_19 : memref<1000000x64xf32, #tpu.memory_space<hbm>>) target(%dma_start3A_14 : memref<128x64xf32, #tpu.memory_space<vmem>>) offsets(%dma_start3A_16 : memref<128xi32, #tpu.memory_space<vmem>>) semaphore(%arg11 : memref<!tpu.dma_semaphore, #tpu.memory_space<semaphore_mem>>)
    %dma_start3A_20 = arith.constant 256 : i32
    %dma_start3A_21 = arith.constant 0 : i32
    %dma_start3A_22 = tpu.memref_slice %arg8[%dma_start3A_20, %dma_start3A_21] : memref<512x64xf32, #tpu.memory_space<vmem>> -> memref<128x64xf32, #tpu.memory_space<vmem>>
    %dma_start3A_23 = arith.constant 256 : i32
    %dma_start3A_24 = tpu.memref_slice %arg5[%dma_start3A_23] : memref<512xi32, #tpu.memory_space<vmem>> -> memref<128xi32, #tpu.memory_space<vmem>>
    %dma_start3A_25 = arith.constant 0 : i32
    %dma_start3A_26 = arith.constant 0 : i32
    %dma_start3A_27 = tpu.memref_slice %arg3[%dma_start3A_25, %dma_start3A_26] : memref<1000000x64xf32, #tpu.memory_space<hbm>> -> memref<1000000x64xf32, #tpu.memory_space<hbm>>
    tpu.enqueue_indirect_dma source(%dma_start3A_27 : memref<1000000x64xf32, #tpu.memory_space<hbm>>) target(%dma_start3A_22 : memref<128x64xf32, #tpu.memory_space<vmem>>) offsets(%dma_start3A_24 : memref<128xi32, #tpu.memory_space<vmem>>) semaphore(%arg11 : memref<!tpu.dma_semaphore, #tpu.memory_space<semaphore_mem>>)
    %dma_start3A_28 = arith.constant 384 : i32
    %dma_start3A_29 = arith.constant 0 : i32
    %dma_start3A_30 = tpu.memref_slice %arg8[%dma_start3A_28, %dma_start3A_29] : memref<512x64xf32, #tpu.memory_space<vmem>> -> memref<128x64xf32, #tpu.memory_space<vmem>>
    %dma_start3A_31 = arith.constant 384 : i32
    %dma_start3A_32 = tpu.memref_slice %arg5[%dma_start3A_31] : memref<512xi32, #tpu.memory_space<vmem>> -> memref<128xi32, #tpu.memory_space<vmem>>
    %dma_start3A_33 = arith.constant 0 : i32
    %dma_start3A_34 = arith.constant 0 : i32
    %dma_start3A_35 = tpu.memref_slice %arg3[%dma_start3A_33, %dma_start3A_34] : memref<1000000x64xf32, #tpu.memory_space<hbm>> -> memref<1000000x64xf32, #tpu.memory_space<hbm>>
    tpu.enqueue_indirect_dma source(%dma_start3A_35 : memref<1000000x64xf32, #tpu.memory_space<hbm>>) target(%dma_start3A_30 : memref<128x64xf32, #tpu.memory_space<vmem>>) offsets(%dma_start3A_32 : memref<128xi32, #tpu.memory_space<vmem>>) semaphore(%arg11 : memref<!tpu.dma_semaphore, #tpu.memory_space<semaphore_mem>>)
    %add3A_36 = arith.constant 512 : i32
    %add3A_37 = arith.addi %mul3A_2, %add3A_36 : i32
    "tpu.region"() ({
      %run_scoped3A = tpu.sem_alloc : memref<!tpu.dma_semaphore, #tpu.memory_space<semaphore_mem>>
      %dma_start3A_269 = tpu.memref_slice %arg2[%add3A_37] : memref<819200xi32, #tpu.memory_space<hbm>> -> memref<512xi32, #tpu.memory_space<hbm>>
      %dma_start3A_270 = tpu.memref_slice %arg2[%add3A_37] : memref<819200xi32, #tpu.memory_space<hbm>> -> memref<512xi32, #tpu.memory_space<hbm>>
      tpu.enqueue_dma source(%dma_start3A_270 : memref<512xi32, #tpu.memory_space<hbm>>) target(%arg6 : memref<512xi32, #tpu.memory_space<vmem>>) target_semaphore(%run_scoped3A : memref<!tpu.dma_semaphore, #tpu.memory_space<semaphore_mem>>)
      %dma_wait3A_271 = tpu.memref_slice %arg2[%add3A_37] : memref<819200xi32, #tpu.memory_space<hbm>> -> memref<512xi32, #tpu.memory_space<hbm>>
      %dma_wait3A_272 = tpu.memref_slice %arg2[%add3A_37] : memref<819200xi32, #tpu.memory_space<hbm>> -> memref<512xi32, #tpu.memory_space<hbm>>
      tpu.wait_dma2 semaphore(%run_scoped3A : memref<!tpu.dma_semaphore, #tpu.memory_space<semaphore_mem>>) src(%dma_wait3A_272 : memref<512xi32, #tpu.memory_space<hbm>>) dst(%arg6 : memref<512xi32, #tpu.memory_space<vmem>>)
      tpu.yield
    }) : () -> ()
    %dma_start3A_38 = arith.constant 0 : i32
    %dma_start3A_39 = arith.constant 0 : i32
    %dma_start3A_40 = tpu.memref_slice %arg9[%dma_start3A_38, %dma_start3A_39] : memref<512x64xf32, #tpu.memory_space<vmem>> -> memref<128x64xf32, #tpu.memory_space<vmem>>
    %dma_start3A_41 = arith.constant 0 : i32
    %dma_start3A_42 = tpu.memref_slice %arg6[%dma_start3A_41] : memref<512xi32, #tpu.memory_space<vmem>> -> memref<128xi32, #tpu.memory_space<vmem>>
    %dma_start3A_43 = arith.constant 0 : i32
    %dma_start3A_44 = arith.constant 0 : i32
    %dma_start3A_45 = tpu.memref_slice %arg3[%dma_start3A_43, %dma_start3A_44] : memref<1000000x64xf32, #tpu.memory_space<hbm>> -> memref<1000000x64xf32, #tpu.memory_space<hbm>>
    tpu.enqueue_indirect_dma source(%dma_start3A_45 : memref<1000000x64xf32, #tpu.memory_space<hbm>>) target(%dma_start3A_40 : memref<128x64xf32, #tpu.memory_space<vmem>>) offsets(%dma_start3A_42 : memref<128xi32, #tpu.memory_space<vmem>>) semaphore(%arg12 : memref<!tpu.dma_semaphore, #tpu.memory_space<semaphore_mem>>)
    %dma_start3A_46 = arith.constant 128 : i32
    %dma_start3A_47 = arith.constant 0 : i32
    %dma_start3A_48 = tpu.memref_slice %arg9[%dma_start3A_46, %dma_start3A_47] : memref<512x64xf32, #tpu.memory_space<vmem>> -> memref<128x64xf32, #tpu.memory_space<vmem>>
    %dma_start3A_49 = arith.constant 128 : i32
    %dma_start3A_50 = tpu.memref_slice %arg6[%dma_start3A_49] : memref<512xi32, #tpu.memory_space<vmem>> -> memref<128xi32, #tpu.memory_space<vmem>>
    %dma_start3A_51 = arith.constant 0 : i32
    %dma_start3A_52 = arith.constant 0 : i32
    %dma_start3A_53 = tpu.memref_slice %arg3[%dma_start3A_51, %dma_start3A_52] : memref<1000000x64xf32, #tpu.memory_space<hbm>> -> memref<1000000x64xf32, #tpu.memory_space<hbm>>
    tpu.enqueue_indirect_dma source(%dma_start3A_53 : memref<1000000x64xf32, #tpu.memory_space<hbm>>) target(%dma_start3A_48 : memref<128x64xf32, #tpu.memory_space<vmem>>) offsets(%dma_start3A_50 : memref<128xi32, #tpu.memory_space<vmem>>) semaphore(%arg12 : memref<!tpu.dma_semaphore, #tpu.memory_space<semaphore_mem>>)
    %dma_start3A_54 = arith.constant 256 : i32
    %dma_start3A_55 = arith.constant 0 : i32
    %dma_start3A_56 = tpu.memref_slice %arg9[%dma_start3A_54, %dma_start3A_55] : memref<512x64xf32, #tpu.memory_space<vmem>> -> memref<128x64xf32, #tpu.memory_space<vmem>>
    %dma_start3A_57 = arith.constant 256 : i32
    %dma_start3A_58 = tpu.memref_slice %arg6[%dma_start3A_57] : memref<512xi32, #tpu.memory_space<vmem>> -> memref<128xi32, #tpu.memory_space<vmem>>
    %dma_start3A_59 = arith.constant 0 : i32
    %dma_start3A_60 = arith.constant 0 : i32
    %dma_start3A_61 = tpu.memref_slice %arg3[%dma_start3A_59, %dma_start3A_60] : memref<1000000x64xf32, #tpu.memory_space<hbm>> -> memref<1000000x64xf32, #tpu.memory_space<hbm>>
    tpu.enqueue_indirect_dma source(%dma_start3A_61 : memref<1000000x64xf32, #tpu.memory_space<hbm>>) target(%dma_start3A_56 : memref<128x64xf32, #tpu.memory_space<vmem>>) offsets(%dma_start3A_58 : memref<128xi32, #tpu.memory_space<vmem>>) semaphore(%arg12 : memref<!tpu.dma_semaphore, #tpu.memory_space<semaphore_mem>>)
    %dma_start3A_62 = arith.constant 384 : i32
    %dma_start3A_63 = arith.constant 0 : i32
    %dma_start3A_64 = tpu.memref_slice %arg9[%dma_start3A_62, %dma_start3A_63] : memref<512x64xf32, #tpu.memory_space<vmem>> -> memref<128x64xf32, #tpu.memory_space<vmem>>
    %dma_start3A_65 = arith.constant 384 : i32
    %dma_start3A_66 = tpu.memref_slice %arg6[%dma_start3A_65] : memref<512xi32, #tpu.memory_space<vmem>> -> memref<128xi32, #tpu.memory_space<vmem>>
    %dma_start3A_67 = arith.constant 0 : i32
    %dma_start3A_68 = arith.constant 0 : i32
    %dma_start3A_69 = tpu.memref_slice %arg3[%dma_start3A_67, %dma_start3A_68] : memref<1000000x64xf32, #tpu.memory_space<hbm>> -> memref<1000000x64xf32, #tpu.memory_space<hbm>>
    tpu.enqueue_indirect_dma source(%dma_start3A_69 : memref<1000000x64xf32, #tpu.memory_space<hbm>>) target(%dma_start3A_64 : memref<128x64xf32, #tpu.memory_space<vmem>>) offsets(%dma_start3A_66 : memref<128xi32, #tpu.memory_space<vmem>>) semaphore(%arg12 : memref<!tpu.dma_semaphore, #tpu.memory_space<semaphore_mem>>)
    %dma_wait3A = arith.constant 0 : i32
    %dma_wait3A_70 = arith.constant 0 : i32
    %dma_wait3A_71 = tpu.memref_slice %arg3[%dma_wait3A, %dma_wait3A_70] : memref<1000000x64xf32, #tpu.memory_space<hbm>> -> memref<512x64xf32, #tpu.memory_space<hbm>>
    %dma_wait3A_72 = arith.constant 0 : i32
    %dma_wait3A_73 = arith.constant 0 : i32
    %dma_wait3A_74 = tpu.memref_slice %arg3[%dma_wait3A_72, %dma_wait3A_73] : memref<1000000x64xf32, #tpu.memory_space<hbm>> -> memref<512x64xf32, #tpu.memory_space<hbm>>
    tpu.wait_dma2 semaphore(%arg11 : memref<!tpu.dma_semaphore, #tpu.memory_space<semaphore_mem>>) src(%dma_wait3A_74 : memref<512x64xf32, #tpu.memory_space<hbm>>) dst(%arg8 : memref<512x64xf32, #tpu.memory_space<vmem>>)
    %add3A_75 = arith.constant 1024 : i32
    %add3A_76 = arith.addi %mul3A_2, %add3A_75 : i32
    "tpu.region"() ({
      %run_scoped3A = tpu.sem_alloc : memref<!tpu.dma_semaphore, #tpu.memory_space<semaphore_mem>>
      %dma_start3A_269 = tpu.memref_slice %arg2[%add3A_76] : memref<819200xi32, #tpu.memory_space<hbm>> -> memref<512xi32, #tpu.memory_space<hbm>>
      %dma_start3A_270 = tpu.memref_slice %arg2[%add3A_76] : memref<819200xi32, #tpu.memory_space<hbm>> -> memref<512xi32, #tpu.memory_space<hbm>>
      tpu.enqueue_dma source(%dma_start3A_270 : memref<512xi32, #tpu.memory_space<hbm>>) target(%arg7 : memref<512xi32, #tpu.memory_space<vmem>>) target_semaphore(%run_scoped3A : memref<!tpu.dma_semaphore, #tpu.memory_space<semaphore_mem>>)
      %dma_wait3A_271 = tpu.memref_slice %arg2[%add3A_76] : memref<819200xi32, #tpu.memory_space<hbm>> -> memref<512xi32, #tpu.memory_space<hbm>>
      %dma_wait3A_272 = tpu.memref_slice %arg2[%add3A_76] : memref<819200xi32, #tpu.memory_space<hbm>> -> memref<512xi32, #tpu.memory_space<hbm>>
      tpu.wait_dma2 semaphore(%run_scoped3A : memref<!tpu.dma_semaphore, #tpu.memory_space<semaphore_mem>>) src(%dma_wait3A_272 : memref<512xi32, #tpu.memory_space<hbm>>) dst(%arg7 : memref<512xi32, #tpu.memory_space<vmem>>)
      tpu.yield
    }) : () -> ()
    %dma_start3A_77 = arith.constant 0 : i32
    %dma_start3A_78 = arith.constant 0 : i32
    %dma_start3A_79 = tpu.memref_slice %arg10[%dma_start3A_77, %dma_start3A_78] : memref<512x64xf32, #tpu.memory_space<vmem>> -> memref<128x64xf32, #tpu.memory_space<vmem>>
    %dma_start3A_80 = arith.constant 0 : i32
    %dma_start3A_81 = tpu.memref_slice %arg7[%dma_start3A_80] : memref<512xi32, #tpu.memory_space<vmem>> -> memref<128xi32, #tpu.memory_space<vmem>>
    %dma_start3A_82 = arith.constant 0 : i32
    %dma_start3A_83 = arith.constant 0 : i32
    %dma_start3A_84 = tpu.memref_slice %arg3[%dma_start3A_82, %dma_start3A_83] : memref<1000000x64xf32, #tpu.memory_space<hbm>> -> memref<1000000x64xf32, #tpu.memory_space<hbm>>
    tpu.enqueue_indirect_dma source(%dma_start3A_84 : memref<1000000x64xf32, #tpu.memory_space<hbm>>) target(%dma_start3A_79 : memref<128x64xf32, #tpu.memory_space<vmem>>) offsets(%dma_start3A_81 : memref<128xi32, #tpu.memory_space<vmem>>) semaphore(%arg13 : memref<!tpu.dma_semaphore, #tpu.memory_space<semaphore_mem>>)
    %dma_start3A_85 = arith.constant 128 : i32
    %dma_start3A_86 = arith.constant 0 : i32
    %dma_start3A_87 = tpu.memref_slice %arg10[%dma_start3A_85, %dma_start3A_86] : memref<512x64xf32, #tpu.memory_space<vmem>> -> memref<128x64xf32, #tpu.memory_space<vmem>>
    %dma_start3A_88 = arith.constant 128 : i32
    %dma_start3A_89 = tpu.memref_slice %arg7[%dma_start3A_88] : memref<512xi32, #tpu.memory_space<vmem>> -> memref<128xi32, #tpu.memory_space<vmem>>
    %dma_start3A_90 = arith.constant 0 : i32
    %dma_start3A_91 = arith.constant 0 : i32
    %dma_start3A_92 = tpu.memref_slice %arg3[%dma_start3A_90, %dma_start3A_91] : memref<1000000x64xf32, #tpu.memory_space<hbm>> -> memref<1000000x64xf32, #tpu.memory_space<hbm>>
    tpu.enqueue_indirect_dma source(%dma_start3A_92 : memref<1000000x64xf32, #tpu.memory_space<hbm>>) target(%dma_start3A_87 : memref<128x64xf32, #tpu.memory_space<vmem>>) offsets(%dma_start3A_89 : memref<128xi32, #tpu.memory_space<vmem>>) semaphore(%arg13 : memref<!tpu.dma_semaphore, #tpu.memory_space<semaphore_mem>>)
    %dma_start3A_93 = arith.constant 256 : i32
    %dma_start3A_94 = arith.constant 0 : i32
    %dma_start3A_95 = tpu.memref_slice %arg10[%dma_start3A_93, %dma_start3A_94] : memref<512x64xf32, #tpu.memory_space<vmem>> -> memref<128x64xf32, #tpu.memory_space<vmem>>
    %dma_start3A_96 = arith.constant 256 : i32
    %dma_start3A_97 = tpu.memref_slice %arg7[%dma_start3A_96] : memref<512xi32, #tpu.memory_space<vmem>> -> memref<128xi32, #tpu.memory_space<vmem>>
    %dma_start3A_98 = arith.constant 0 : i32
    %dma_start3A_99 = arith.constant 0 : i32
    %dma_start3A_100 = tpu.memref_slice %arg3[%dma_start3A_98, %dma_start3A_99] : memref<1000000x64xf32, #tpu.memory_space<hbm>> -> memref<1000000x64xf32, #tpu.memory_space<hbm>>
    tpu.enqueue_indirect_dma source(%dma_start3A_100 : memref<1000000x64xf32, #tpu.memory_space<hbm>>) target(%dma_start3A_95 : memref<128x64xf32, #tpu.memory_space<vmem>>) offsets(%dma_start3A_97 : memref<128xi32, #tpu.memory_space<vmem>>) semaphore(%arg13 : memref<!tpu.dma_semaphore, #tpu.memory_space<semaphore_mem>>)
    %dma_start3A_101 = arith.constant 384 : i32
    %dma_start3A_102 = arith.constant 0 : i32
    %dma_start3A_103 = tpu.memref_slice %arg10[%dma_start3A_101, %dma_start3A_102] : memref<512x64xf32, #tpu.memory_space<vmem>> -> memref<128x64xf32, #tpu.memory_space<vmem>>
    %dma_start3A_104 = arith.constant 384 : i32
    %dma_start3A_105 = tpu.memref_slice %arg7[%dma_start3A_104] : memref<512xi32, #tpu.memory_space<vmem>> -> memref<128xi32, #tpu.memory_space<vmem>>
    %dma_start3A_106 = arith.constant 0 : i32
    %dma_start3A_107 = arith.constant 0 : i32
    %dma_start3A_108 = tpu.memref_slice %arg3[%dma_start3A_106, %dma_start3A_107] : memref<1000000x64xf32, #tpu.memory_space<hbm>> -> memref<1000000x64xf32, #tpu.memory_space<hbm>>
    tpu.enqueue_indirect_dma source(%dma_start3A_108 : memref<1000000x64xf32, #tpu.memory_space<hbm>>) target(%dma_start3A_103 : memref<128x64xf32, #tpu.memory_space<vmem>>) offsets(%dma_start3A_105 : memref<128xi32, #tpu.memory_space<vmem>>) semaphore(%arg13 : memref<!tpu.dma_semaphore, #tpu.memory_space<semaphore_mem>>)
    %parallel_loop3A = arith.constant 0 : i32
    %parallel_loop3A_109 = arith.constant 512 : i32
    %parallel_loop3A_110 = arith.constant 1 : i32
    scf.for %parallel_loop3A_269 = %parallel_loop3A to %parallel_loop3A_109 step %parallel_loop3A_110  : i32 {
      %parallel_loop3A_270 = arith.index_cast %parallel_loop3A_269 : i32 to index
      %parallel_loop3A_271 = arith.constant 0 : index
      %parallel_loop3A_272 = tpu.vector_load %arg8[%parallel_loop3A_270, %parallel_loop3A_271] {strides = array<i32>} : memref<512x64xf32, #tpu.memory_space<vmem>>, vector<1x16xf32>,
      %parallel_loop3A_273 = vector.shape_cast %parallel_loop3A_272 : vector<1x16xf32> to vector<16xf32>
      %parallel_loop3A_274 = arith.constant 8.000000e+00 : f32
      %parallel_loop3A_275 = vector.broadcast %parallel_loop3A_274 : f32 to vector<16xf32>
      %parallel_loop3A_276 = arith.mulf %parallel_loop3A_273, %parallel_loop3A_275 : vector<16xf32>
      %parallel_loop3A_277 = arith.index_cast %parallel_loop3A_269 : i32 to index
      %parallel_loop3A_278 = arith.constant 0 : index
      %parallel_loop3A_279 = tpu.vector_load %arg8[%parallel_loop3A_277, %parallel_loop3A_278] {strides = array<i32>} : memref<512x64xf32, #tpu.memory_space<vmem>>, vector<1x16xf32>,
      %parallel_loop3A_280 = vector.shape_cast %parallel_loop3A_279 : vector<1x16xf32> to vector<16xf32>
      %parallel_loop3A_281 = vector.shape_cast %parallel_loop3A_276 : vector<16xf32> to vector<1x16xf32>
      tpu.vector_store %arg8[%parallel_loop3A_277, %parallel_loop3A_278], %parallel_loop3A_281 {strides = array<i32>} : memref<512x64xf32, #tpu.memory_space<vmem>>, vector<1x16xf32>,
      %parallel_loop3A_282 = arith.index_cast %parallel_loop3A_269 : i32 to index
      %parallel_loop3A_283 = arith.constant 16 : index
      %parallel_loop3A_284 = tpu.vector_load %arg8[%parallel_loop3A_282, %parallel_loop3A_283] {strides = array<i32>} : memref<512x64xf32, #tpu.memory_space<vmem>>, vector<1x16xf32>,
      %parallel_loop3A_285 = vector.shape_cast %parallel_loop3A_284 : vector<1x16xf32> to vector<16xf32>
      %parallel_loop3A_286 = arith.constant 8.000000e+00 : f32
      %parallel_loop3A_287 = vector.broadcast %parallel_loop3A_286 : f32 to vector<16xf32>
      %parallel_loop3A_288 = arith.mulf %parallel_loop3A_285, %parallel_loop3A_287 : vector<16xf32>
      %parallel_loop3A_289 = arith.index_cast %parallel_loop3A_269 : i32 to index
      %parallel_loop3A_290 = arith.constant 16 : index
      %parallel_loop3A_291 = tpu.vector_load %arg8[%parallel_loop3A_289, %parallel_loop3A_290] {strides = array<i32>} : memref<512x64xf32, #tpu.memory_space<vmem>>, vector<1x16xf32>,
      %parallel_loop3A_292 = vector.shape_cast %parallel_loop3A_291 : vector<1x16xf32> to vector<16xf32>
      %parallel_loop3A_293 = vector.shape_cast %parallel_loop3A_288 : vector<16xf32> to vector<1x16xf32>
      tpu.vector_store %arg8[%parallel_loop3A_289, %parallel_loop3A_290], %parallel_loop3A_293 {strides = array<i32>} : memref<512x64xf32, #tpu.memory_space<vmem>>, vector<1x16xf32>,
      %parallel_loop3A_294 = arith.index_cast %parallel_loop3A_269 : i32 to index
      %parallel_loop3A_295 = arith.constant 32 : index
      %parallel_loop3A_296 = tpu.vector_load %arg8[%parallel_loop3A_294, %parallel_loop3A_295] {strides = array<i32>} : memref<512x64xf32, #tpu.memory_space<vmem>>, vector<1x16xf32>,
      %parallel_loop3A_297 = vector.shape_cast %parallel_loop3A_296 : vector<1x16xf32> to vector<16xf32>
      %parallel_loop3A_298 = arith.constant 8.000000e+00 : f32
      %parallel_loop3A_299 = vector.broadcast %parallel_loop3A_298 : f32 to vector<16xf32>
      %parallel_loop3A_300 = arith.mulf %parallel_loop3A_297, %parallel_loop3A_299 : vector<16xf32>
      %parallel_loop3A_301 = arith.index_cast %parallel_loop3A_269 : i32 to index
      %parallel_loop3A_302 = arith.constant 32 : index
      %parallel_loop3A_303 = tpu.vector_load %arg8[%parallel_loop3A_301, %parallel_loop3A_302] {strides = array<i32>} : memref<512x64xf32, #tpu.memory_space<vmem>>, vector<1x16xf32>,
      %parallel_loop3A_304 = vector.shape_cast %parallel_loop3A_303 : vector<1x16xf32> to vector<16xf32>
      %parallel_loop3A_305 = vector.shape_cast %parallel_loop3A_300 : vector<16xf32> to vector<1x16xf32>
      tpu.vector_store %arg8[%parallel_loop3A_301, %parallel_loop3A_302], %parallel_loop3A_305 {strides = array<i32>} : memref<512x64xf32, #tpu.memory_space<vmem>>, vector<1x16xf32>,
      %parallel_loop3A_306 = arith.index_cast %parallel_loop3A_269 : i32 to index
      %parallel_loop3A_307 = arith.constant 48 : index
      %parallel_loop3A_308 = tpu.vector_load %arg8[%parallel_loop3A_306, %parallel_loop3A_307] {strides = array<i32>} : memref<512x64xf32, #tpu.memory_space<vmem>>, vector<1x16xf32>,
      %parallel_loop3A_309 = vector.shape_cast %parallel_loop3A_308 : vector<1x16xf32> to vector<16xf32>
      %parallel_loop3A_310 = arith.constant 8.000000e+00 : f32
      %parallel_loop3A_311 = vector.broadcast %parallel_loop3A_310 : f32 to vector<16xf32>
      %parallel_loop3A_312 = arith.mulf %parallel_loop3A_309, %parallel_loop3A_311 : vector<16xf32>
      %parallel_loop3A_313 = arith.index_cast %parallel_loop3A_269 : i32 to index
      %parallel_loop3A_314 = arith.constant 48 : index
      %parallel_loop3A_315 = tpu.vector_load %arg8[%parallel_loop3A_313, %parallel_loop3A_314] {strides = array<i32>} : memref<512x64xf32, #tpu.memory_space<vmem>>, vector<1x16xf32>,
      %parallel_loop3A_316 = vector.shape_cast %parallel_loop3A_315 : vector<1x16xf32> to vector<16xf32>
      %parallel_loop3A_317 = vector.shape_cast %parallel_loop3A_312 : vector<16xf32> to vector<1x16xf32>
      tpu.vector_store %arg8[%parallel_loop3A_313, %parallel_loop3A_314], %parallel_loop3A_317 {strides = array<i32>} : memref<512x64xf32, #tpu.memory_space<vmem>>, vector<1x16xf32>,
    } {sc.loop_unroll_factor = 8 : i64, sc.parallel_access}
    %add3A_111 = arith.constant 0 : i32
    %add3A_112 = arith.addi %mul3A_2, %add3A_111 : i32
    %dma_start3A_113 = arith.constant 0 : i32
    %dma_start3A_114 = tpu.memref_slice %arg4[%add3A_112, %dma_start3A_113] : memref<819200x64xf32, #tpu.memory_space<hbm>> -> memref<512x64xf32, #tpu.memory_space<hbm>>
    %dma_start3A_115 = arith.constant 0 : i32
    %dma_start3A_116 = tpu.memref_slice %arg4[%add3A_112, %dma_start3A_115] : memref<819200x64xf32, #tpu.memory_space<hbm>> -> memref<512x64xf32, #tpu.memory_space<hbm>>
    tpu.enqueue_dma source(%arg8 : memref<512x64xf32, #tpu.memory_space<vmem>>) target(%dma_start3A_116 : memref<512x64xf32, #tpu.memory_space<hbm>>) target_semaphore(%arg14 : memref<!tpu.dma_semaphore, #tpu.memory_space<semaphore_mem>>)
    %scan3A = arith.constant 0 : i32
    %scan3A_117 = arith.constant 15 : i32
    %scan3A_118 = arith.addi %scan3A, %scan3A_117 : i32
    %scan3A_119 = arith.constant 1 : i32
    scf.for %scan3A_269 = %scan3A to %scan3A_118 step %scan3A_119  : i32 {
      %mul3A_270 = arith.constant 3 : i32
      %mul3A_271 = arith.muli %scan3A_269, %mul3A_270 : i32
      %add3A_272 = arith.constant 1 : i32
      %add3A_273 = arith.addi %add3A_272, %mul3A_271 : i32
      %add3A_274 = arith.constant 0 : i32
      %add3A_275 = arith.addi %add3A_273, %add3A_274 : i32
      %dma_wait3A_276 = arith.constant 0 : i32
      %dma_wait3A_277 = arith.constant 0 : i32
      %dma_wait3A_278 = tpu.memref_slice %arg3[%dma_wait3A_276, %dma_wait3A_277] : memref<1000000x64xf32, #tpu.memory_space<hbm>> -> memref<512x64xf32, #tpu.memory_space<hbm>>
      %dma_wait3A_279 = arith.constant 0 : i32
      %dma_wait3A_280 = arith.constant 0 : i32
      %dma_wait3A_281 = tpu.memref_slice %arg3[%dma_wait3A_279, %dma_wait3A_280] : memref<1000000x64xf32, #tpu.memory_space<hbm>> -> memref<512x64xf32, #tpu.memory_space<hbm>>
      tpu.wait_dma2 semaphore(%arg12 : memref<!tpu.dma_semaphore, #tpu.memory_space<semaphore_mem>>) src(%dma_wait3A_281 : memref<512x64xf32, #tpu.memory_space<hbm>>) dst(%arg9 : memref<512x64xf32, #tpu.memory_space<vmem>>)
      %dma_wait3A_282 = arith.constant 0 : i32
      %dma_wait3A_283 = tpu.memref_slice %arg4[%mul3A_2, %dma_wait3A_282] : memref<819200x64xf32, #tpu.memory_space<hbm>> -> memref<512x64xf32, #tpu.memory_space<hbm>>
      %dma_wait3A_284 = arith.constant 0 : i32
      %dma_wait3A_285 = tpu.memref_slice %arg4[%mul3A_2, %dma_wait3A_284] : memref<819200x64xf32, #tpu.memory_space<hbm>> -> memref<512x64xf32, #tpu.memory_space<hbm>>
      tpu.wait_dma2 semaphore(%arg14 : memref<!tpu.dma_semaphore, #tpu.memory_space<semaphore_mem>>) src(%arg8 : memref<512x64xf32, #tpu.memory_space<vmem>>) dst(%dma_wait3A_285 : memref<512x64xf32, #tpu.memory_space<hbm>>)
      %add3A_286 = arith.constant 2 : i32
      %add3A_287 = arith.addi %add3A_275, %add3A_286 : i32
      %mul3A_288 = arith.constant 512 : i32
      %mul3A_289 = arith.muli %add3A_287, %mul3A_288 : i32
      %add3A_290 = arith.addi %mul3A_2, %mul3A_289 : i32
      "tpu.region"() ({
        %run_scoped3A = tpu.sem_alloc : memref<!tpu.dma_semaphore, #tpu.memory_space<semaphore_mem>>
        %dma_start3A_451 = tpu.memref_slice %arg2[%add3A_290] : memref<819200xi32, #tpu.memory_space<hbm>> -> memref<512xi32, #tpu.memory_space<hbm>>
        %dma_start3A_452 = tpu.memref_slice %arg2[%add3A_290] : memref<819200xi32, #tpu.memory_space<hbm>> -> memref<512xi32, #tpu.memory_space<hbm>>
        tpu.enqueue_dma source(%dma_start3A_452 : memref<512xi32, #tpu.memory_space<hbm>>) target(%arg5 : memref<512xi32, #tpu.memory_space<vmem>>) target_semaphore(%run_scoped3A : memref<!tpu.dma_semaphore, #tpu.memory_space<semaphore_mem>>)
        %dma_wait3A_453 = tpu.memref_slice %arg2[%add3A_290] : memref<819200xi32, #tpu.memory_space<hbm>> -> memref<512xi32, #tpu.memory_space<hbm>>
        %dma_wait3A_454 = tpu.memref_slice %arg2[%add3A_290] : memref<819200xi32, #tpu.memory_space<hbm>> -> memref<512xi32, #tpu.memory_space<hbm>>
        tpu.wait_dma2 semaphore(%run_scoped3A : memref<!tpu.dma_semaphore, #tpu.memory_space<semaphore_mem>>) src(%dma_wait3A_454 : memref<512xi32, #tpu.memory_space<hbm>>) dst(%arg5 : memref<512xi32, #tpu.memory_space<vmem>>)
        tpu.yield
      }) : () -> ()
      %dma_start3A_291 = arith.constant 0 : i32
      %dma_start3A_292 = arith.constant 0 : i32
      %dma_start3A_293 = tpu.memref_slice %arg8[%dma_start3A_291, %dma_start3A_292] : memref<512x64xf32, #tpu.memory_space<vmem>> -> memref<128x64xf32, #tpu.memory_space<vmem>>
      %dma_start3A_294 = arith.constant 0 : i32
      %dma_start3A_295 = tpu.memref_slice %arg5[%dma_start3A_294] : memref<512xi32, #tpu.memory_space<vmem>> -> memref<128xi32, #tpu.memory_space<vmem>>
      %dma_start3A_296 = arith.constant 0 : i32
      %dma_start3A_297 = arith.constant 0 : i32
      %dma_start3A_298 = tpu.memref_slice %arg3[%dma_start3A_296, %dma_start3A_297] : memref<1000000x64xf32, #tpu.memory_space<hbm>> -> memref<1000000x64xf32, #tpu.memory_space<hbm>>
      tpu.enqueue_indirect_dma source(%dma_start3A_298 : memref<1000000x64xf32, #tpu.memory_space<hbm>>) target(%dma_start3A_293 : memref<128x64xf32, #tpu.memory_space<vmem>>) offsets(%dma_start3A_295 : memref<128xi32, #tpu.memory_space<vmem>>) semaphore(%arg11 : memref<!tpu.dma_semaphore, #tpu.memory_space<semaphore_mem>>)
      %dma_start3A_299 = arith.constant 128 : i32
      %dma_start3A_300 = arith.constant 0 : i32
      %dma_start3A_301 = tpu.memref_slice %arg8[%dma_start3A_299, %dma_start3A_300] : memref<512x64xf32, #tpu.memory_space<vmem>> -> memref<128x64xf32, #tpu.memory_space<vmem>>
      %dma_start3A_302 = arith.constant 128 : i32
      %dma_start3A_303 = tpu.memref_slice %arg5[%dma_start3A_302] : memref<512xi32, #tpu.memory_space<vmem>> -> memref<128xi32, #tpu.memory_space<vmem>>
      %dma_start3A_304 = arith.constant 0 : i32
      %dma_start3A_305 = arith.constant 0 : i32
      %dma_start3A_306 = tpu.memref_slice %arg3[%dma_start3A_304, %dma_start3A_305] : memref<1000000x64xf32, #tpu.memory_space<hbm>> -> memref<1000000x64xf32, #tpu.memory_space<hbm>>
      tpu.enqueue_indirect_dma source(%dma_start3A_306 : memref<1000000x64xf32, #tpu.memory_space<hbm>>) target(%dma_start3A_301 : memref<128x64xf32, #tpu.memory_space<vmem>>) offsets(%dma_start3A_303 : memref<128xi32, #tpu.memory_space<vmem>>) semaphore(%arg11 : memref<!tpu.dma_semaphore, #tpu.memory_space<semaphore_mem>>)
      %dma_start3A_307 = arith.constant 256 : i32
      %dma_start3A_308 = arith.constant 0 : i32
      %dma_start3A_309 = tpu.memref_slice %arg8[%dma_start3A_307, %dma_start3A_308] : memref<512x64xf32, #tpu.memory_space<vmem>> -> memref<128x64xf32, #tpu.memory_space<vmem>>
      %dma_start3A_310 = arith.constant 256 : i32
      %dma_start3A_311 = tpu.memref_slice %arg5[%dma_start3A_310] : memref<512xi32, #tpu.memory_space<vmem>> -> memref<128xi32, #tpu.memory_space<vmem>>
      %dma_start3A_312 = arith.constant 0 : i32
      %dma_start3A_313 = arith.constant 0 : i32
      %dma_start3A_314 = tpu.memref_slice %arg3[%dma_start3A_312, %dma_start3A_313] : memref<1000000x64xf32, #tpu.memory_space<hbm>> -> memref<1000000x64xf32, #tpu.memory_space<hbm>>
      tpu.enqueue_indirect_dma source(%dma_start3A_314 : memref<1000000x64xf32, #tpu.memory_space<hbm>>) target(%dma_start3A_309 : memref<128x64xf32, #tpu.memory_space<vmem>>) offsets(%dma_start3A_311 : memref<128xi32, #tpu.memory_space<vmem>>) semaphore(%arg11 : memref<!tpu.dma_semaphore, #tpu.memory_space<semaphore_mem>>)
      %dma_start3A_315 = arith.constant 384 : i32
      %dma_start3A_316 = arith.constant 0 : i32
      %dma_start3A_317 = tpu.memref_slice %arg8[%dma_start3A_315, %dma_start3A_316] : memref<512x64xf32, #tpu.memory_space<vmem>> -> memref<128x64xf32, #tpu.memory_space<vmem>>
      %dma_start3A_318 = arith.constant 384 : i32
      %dma_start3A_319 = tpu.memref_slice %arg5[%dma_start3A_318] : memref<512xi32, #tpu.memory_space<vmem>> -> memref<128xi32, #tpu.memory_space<vmem>>
      %dma_start3A_320 = arith.constant 0 : i32
      %dma_start3A_321 = arith.constant 0 : i32
      %dma_start3A_322 = tpu.memref_slice %arg3[%dma_start3A_320, %dma_start3A_321] : memref<1000000x64xf32, #tpu.memory_space<hbm>> -> memref<1000000x64xf32, #tpu.memory_space<hbm>>
      tpu.enqueue_indirect_dma source(%dma_start3A_322 : memref<1000000x64xf32, #tpu.memory_space<hbm>>) target(%dma_start3A_317 : memref<128x64xf32, #tpu.memory_space<vmem>>) offsets(%dma_start3A_319 : memref<128xi32, #tpu.memory_space<vmem>>) semaphore(%arg11 : memref<!tpu.dma_semaphore, #tpu.memory_space<semaphore_mem>>)
      %parallel_loop3A_323 = arith.constant 0 : i32
      %parallel_loop3A_324 = arith.constant 512 : i32
      %parallel_loop3A_325 = arith.constant 1 : i32
      scf.for %parallel_loop3A_451 = %parallel_loop3A_323 to %parallel_loop3A_324 step %parallel_loop3A_325  : i32 {
        %parallel_loop3A_452 = arith.index_cast %parallel_loop3A_451 : i32 to index
        %parallel_loop3A_453 = arith.constant 0 : index
        %parallel_loop3A_454 = tpu.vector_load %arg9[%parallel_loop3A_452, %parallel_loop3A_453] {strides = array<i32>} : memref<512x64xf32, #tpu.memory_space<vmem>>, vector<1x16xf32>,
        %parallel_loop3A_455 = vector.shape_cast %parallel_loop3A_454 : vector<1x16xf32> to vector<16xf32>
        %parallel_loop3A_456 = arith.constant 8.000000e+00 : f32
        %parallel_loop3A_457 = vector.broadcast %parallel_loop3A_456 : f32 to vector<16xf32>
        %parallel_loop3A_458 = arith.mulf %parallel_loop3A_455, %parallel_loop3A_457 : vector<16xf32>
        %parallel_loop3A_459 = arith.index_cast %parallel_loop3A_451 : i32 to index
        %parallel_loop3A_460 = arith.constant 0 : index
        %parallel_loop3A_461 = tpu.vector_load %arg9[%parallel_loop3A_459, %parallel_loop3A_460] {strides = array<i32>} : memref<512x64xf32, #tpu.memory_space<vmem>>, vector<1x16xf32>,
        %parallel_loop3A_462 = vector.shape_cast %parallel_loop3A_461 : vector<1x16xf32> to vector<16xf32>
        %parallel_loop3A_463 = vector.shape_cast %parallel_loop3A_458 : vector<16xf32> to vector<1x16xf32>
        tpu.vector_store %arg9[%parallel_loop3A_459, %parallel_loop3A_460], %parallel_loop3A_463 {strides = array<i32>} : memref<512x64xf32, #tpu.memory_space<vmem>>, vector<1x16xf32>,
        %parallel_loop3A_464 = arith.index_cast %parallel_loop3A_451 : i32 to index
        %parallel_loop3A_465 = arith.constant 16 : index
        %parallel_loop3A_466 = tpu.vector_load %arg9[%parallel_loop3A_464, %parallel_loop3A_465] {strides = array<i32>} : memref<512x64xf32, #tpu.memory_space<vmem>>, vector<1x16xf32>,
        %parallel_loop3A_467 = vector.shape_cast %parallel_loop3A_466 : vector<1x16xf32> to vector<16xf32>
        %parallel_loop3A_468 = arith.constant 8.000000e+00 : f32
        %parallel_loop3A_469 = vector.broadcast %parallel_loop3A_468 : f32 to vector<16xf32>
        %parallel_loop3A_470 = arith.mulf %parallel_loop3A_467, %parallel_loop3A_469 : vector<16xf32>
        %parallel_loop3A_471 = arith.index_cast %parallel_loop3A_451 : i32 to index
        %parallel_loop3A_472 = arith.constant 16 : index
        %parallel_loop3A_473 = tpu.vector_load %arg9[%parallel_loop3A_471, %parallel_loop3A_472] {strides = array<i32>} : memref<512x64xf32, #tpu.memory_space<vmem>>, vector<1x16xf32>,
        %parallel_loop3A_474 = vector.shape_cast %parallel_loop3A_473 : vector<1x16xf32> to vector<16xf32>
        %parallel_loop3A_475 = vector.shape_cast %parallel_loop3A_470 : vector<16xf32> to vector<1x16xf32>
        tpu.vector_store %arg9[%parallel_loop3A_471, %parallel_loop3A_472], %parallel_loop3A_475 {strides = array<i32>} : memref<512x64xf32, #tpu.memory_space<vmem>>, vector<1x16xf32>,
        %parallel_loop3A_476 = arith.index_cast %parallel_loop3A_451 : i32 to index
        %parallel_loop3A_477 = arith.constant 32 : index
        %parallel_loop3A_478 = tpu.vector_load %arg9[%parallel_loop3A_476, %parallel_loop3A_477] {strides = array<i32>} : memref<512x64xf32, #tpu.memory_space<vmem>>, vector<1x16xf32>,
        %parallel_loop3A_479 = vector.shape_cast %parallel_loop3A_478 : vector<1x16xf32> to vector<16xf32>
        %parallel_loop3A_480 = arith.constant 8.000000e+00 : f32
        %parallel_loop3A_481 = vector.broadcast %parallel_loop3A_480 : f32 to vector<16xf32>
        %parallel_loop3A_482 = arith.mulf %parallel_loop3A_479, %parallel_loop3A_481 : vector<16xf32>
        %parallel_loop3A_483 = arith.index_cast %parallel_loop3A_451 : i32 to index
        %parallel_loop3A_484 = arith.constant 32 : index
        %parallel_loop3A_485 = tpu.vector_load %arg9[%parallel_loop3A_483, %parallel_loop3A_484] {strides = array<i32>} : memref<512x64xf32, #tpu.memory_space<vmem>>, vector<1x16xf32>,
        %parallel_loop3A_486 = vector.shape_cast %parallel_loop3A_485 : vector<1x16xf32> to vector<16xf32>
        %parallel_loop3A_487 = vector.shape_cast %parallel_loop3A_482 : vector<16xf32> to vector<1x16xf32>
        tpu.vector_store %arg9[%parallel_loop3A_483, %parallel_loop3A_484], %parallel_loop3A_487 {strides = array<i32>} : memref<512x64xf32, #tpu.memory_space<vmem>>, vector<1x16xf32>,
        %parallel_loop3A_488 = arith.index_cast %parallel_loop3A_451 : i32 to index
        %parallel_loop3A_489 = arith.constant 48 : index
        %parallel_loop3A_490 = tpu.vector_load %arg9[%parallel_loop3A_488, %parallel_loop3A_489] {strides = array<i32>} : memref<512x64xf32, #tpu.memory_space<vmem>>, vector<1x16xf32>,
        %parallel_loop3A_491 = vector.shape_cast %parallel_loop3A_490 : vector<1x16xf32> to vector<16xf32>
        %parallel_loop3A_492 = arith.constant 8.000000e+00 : f32
        %parallel_loop3A_493 = vector.broadcast %parallel_loop3A_492 : f32 to vector<16xf32>
        %parallel_loop3A_494 = arith.mulf %parallel_loop3A_491, %parallel_loop3A_493 : vector<16xf32>
        %parallel_loop3A_495 = arith.index_cast %parallel_loop3A_451 : i32 to index
        %parallel_loop3A_496 = arith.constant 48 : index
        %parallel_loop3A_497 = tpu.vector_load %arg9[%parallel_loop3A_495, %parallel_loop3A_496] {strides = array<i32>} : memref<512x64xf32, #tpu.memory_space<vmem>>, vector<1x16xf32>,
        %parallel_loop3A_498 = vector.shape_cast %parallel_loop3A_497 : vector<1x16xf32> to vector<16xf32>
        %parallel_loop3A_499 = vector.shape_cast %parallel_loop3A_494 : vector<16xf32> to vector<1x16xf32>
        tpu.vector_store %arg9[%parallel_loop3A_495, %parallel_loop3A_496], %parallel_loop3A_499 {strides = array<i32>} : memref<512x64xf32, #tpu.memory_space<vmem>>, vector<1x16xf32>,
      } {sc.loop_unroll_factor = 8 : i64, sc.parallel_access}
      %mul3A_326 = arith.constant 512 : i32
      %mul3A_327 = arith.muli %add3A_275, %mul3A_326 : i32
      %add3A_328 = arith.addi %mul3A_2, %mul3A_327 : i32
      %dma_start3A_329 = arith.constant 0 : i32
      %dma_start3A_330 = tpu.memref_slice %arg4[%add3A_328, %dma_start3A_329] : memref<819200x64xf32, #tpu.memory_space<hbm>> -> memref<512x64xf32, #tpu.memory_space<hbm>>
      %dma_start3A_331 = arith.constant 0 : i32
      %dma_start3A_332 = tpu.memref_slice %arg4[%add3A_328, %dma_start3A_331] : memref<819200x64xf32, #tpu.memory_space<hbm>> -> memref<512x64xf32, #tpu.memory_space<hbm>>
      tpu.enqueue_dma source(%arg9 : memref<512x64xf32, #tpu.memory_space<vmem>>) target(%dma_start3A_332 : memref<512x64xf32, #tpu.memory_space<hbm>>) target_semaphore(%arg15 : memref<!tpu.dma_semaphore, #tpu.memory_space<semaphore_mem>>)
      %add3A_333 = arith.constant 1 : i32
      %add3A_334 = arith.addi %add3A_273, %add3A_333 : i32
      %dma_wait3A_335 = arith.constant 0 : i32
      %dma_wait3A_336 = arith.constant 0 : i32
      %dma_wait3A_337 = tpu.memref_slice %arg3[%dma_wait3A_335, %dma_wait3A_336] : memref<1000000x64xf32, #tpu.memory_space<hbm>> -> memref<512x64xf32, #tpu.memory_space<hbm>>
      %dma_wait3A_338 = arith.constant 0 : i32
      %dma_wait3A_339 = arith.constant 0 : i32
      %dma_wait3A_340 = tpu.memref_slice %arg3[%dma_wait3A_338, %dma_wait3A_339] : memref<1000000x64xf32, #tpu.memory_space<hbm>> -> memref<512x64xf32, #tpu.memory_space<hbm>>
      tpu.wait_dma2 semaphore(%arg13 : memref<!tpu.dma_semaphore, #tpu.memory_space<semaphore_mem>>) src(%dma_wait3A_340 : memref<512x64xf32, #tpu.memory_space<hbm>>) dst(%arg10 : memref<512x64xf32, #tpu.memory_space<vmem>>)
      %dma_wait3A_341 = arith.constant 0 : i32
      %dma_wait3A_342 = tpu.memref_slice %arg4[%mul3A_2, %dma_wait3A_341] : memref<819200x64xf32, #tpu.memory_space<hbm>> -> memref<512x64xf32, #tpu.memory_space<hbm>>
      %dma_wait3A_343 = arith.constant 0 : i32
      %dma_wait3A_344 = tpu.memref_slice %arg4[%mul3A_2, %dma_wait3A_343] : memref<819200x64xf32, #tpu.memory_space<hbm>> -> memref<512x64xf32, #tpu.memory_space<hbm>>
      tpu.wait_dma2 semaphore(%arg15 : memref<!tpu.dma_semaphore, #tpu.memory_space<semaphore_mem>>) src(%arg9 : memref<512x64xf32, #tpu.memory_space<vmem>>) dst(%dma_wait3A_344 : memref<512x64xf32, #tpu.memory_space<hbm>>)
      %add3A_345 = arith.constant 2 : i32
      %add3A_346 = arith.addi %add3A_334, %add3A_345 : i32
      %mul3A_347 = arith.constant 512 : i32
      %mul3A_348 = arith.muli %add3A_346, %mul3A_347 : i32
      %add3A_349 = arith.addi %mul3A_2, %mul3A_348 : i32
      "tpu.region"() ({
        %run_scoped3A = tpu.sem_alloc : memref<!tpu.dma_semaphore, #tpu.memory_space<semaphore_mem>>
        %dma_start3A_451 = tpu.memref_slice %arg2[%add3A_349] : memref<819200xi32, #tpu.memory_space<hbm>> -> memref<512xi32, #tpu.memory_space<hbm>>
        %dma_start3A_452 = tpu.memref_slice %arg2[%add3A_349] : memref<819200xi32, #tpu.memory_space<hbm>> -> memref<512xi32, #tpu.memory_space<hbm>>
        tpu.enqueue_dma source(%dma_start3A_452 : memref<512xi32, #tpu.memory_space<hbm>>) target(%arg6 : memref<512xi32, #tpu.memory_space<vmem>>) target_semaphore(%run_scoped3A : memref<!tpu.dma_semaphore, #tpu.memory_space<semaphore_mem>>)
        %dma_wait3A_453 = tpu.memref_slice %arg2[%add3A_349] : memref<819200xi32, #tpu.memory_space<hbm>> -> memref<512xi32, #tpu.memory_space<hbm>>
        %dma_wait3A_454 = tpu.memref_slice %arg2[%add3A_349] : memref<819200xi32, #tpu.memory_space<hbm>> -> memref<512xi32, #tpu.memory_space<hbm>>
        tpu.wait_dma2 semaphore(%run_scoped3A : memref<!tpu.dma_semaphore, #tpu.memory_space<semaphore_mem>>) src(%dma_wait3A_454 : memref<512xi32, #tpu.memory_space<hbm>>) dst(%arg6 : memref<512xi32, #tpu.memory_space<vmem>>)
        tpu.yield
      }) : () -> ()
      %dma_start3A_350 = arith.constant 0 : i32
      %dma_start3A_351 = arith.constant 0 : i32
      %dma_start3A_352 = tpu.memref_slice %arg9[%dma_start3A_350, %dma_start3A_351] : memref<512x64xf32, #tpu.memory_space<vmem>> -> memref<128x64xf32, #tpu.memory_space<vmem>>
      %dma_start3A_353 = arith.constant 0 : i32
      %dma_start3A_354 = tpu.memref_slice %arg6[%dma_start3A_353] : memref<512xi32, #tpu.memory_space<vmem>> -> memref<128xi32, #tpu.memory_space<vmem>>
      %dma_start3A_355 = arith.constant 0 : i32
      %dma_start3A_356 = arith.constant 0 : i32
      %dma_start3A_357 = tpu.memref_slice %arg3[%dma_start3A_355, %dma_start3A_356] : memref<1000000x64xf32, #tpu.memory_space<hbm>> -> memref<1000000x64xf32, #tpu.memory_space<hbm>>
      tpu.enqueue_indirect_dma source(%dma_start3A_357 : memref<1000000x64xf32, #tpu.memory_space<hbm>>) target(%dma_start3A_352 : memref<128x64xf32, #tpu.memory_space<vmem>>) offsets(%dma_start3A_354 : memref<128xi32, #tpu.memory_space<vmem>>) semaphore(%arg12 : memref<!tpu.dma_semaphore, #tpu.memory_space<semaphore_mem>>)
      %dma_start3A_358 = arith.constant 128 : i32
      %dma_start3A_359 = arith.constant 0 : i32
      %dma_start3A_360 = tpu.memref_slice %arg9[%dma_start3A_358, %dma_start3A_359] : memref<512x64xf32, #tpu.memory_space<vmem>> -> memref<128x64xf32, #tpu.memory_space<vmem>>
      %dma_start3A_361 = arith.constant 128 : i32
      %dma_start3A_362 = tpu.memref_slice %arg6[%dma_start3A_361] : memref<512xi32, #tpu.memory_space<vmem>> -> memref<128xi32, #tpu.memory_space<vmem>>
      %dma_start3A_363 = arith.constant 0 : i32
      %dma_start3A_364 = arith.constant 0 : i32
      %dma_start3A_365 = tpu.memref_slice %arg3[%dma_start3A_363, %dma_start3A_364] : memref<1000000x64xf32, #tpu.memory_space<hbm>> -> memref<1000000x64xf32, #tpu.memory_space<hbm>>
      tpu.enqueue_indirect_dma source(%dma_start3A_365 : memref<1000000x64xf32, #tpu.memory_space<hbm>>) target(%dma_start3A_360 : memref<128x64xf32, #tpu.memory_space<vmem>>) offsets(%dma_start3A_362 : memref<128xi32, #tpu.memory_space<vmem>>) semaphore(%arg12 : memref<!tpu.dma_semaphore, #tpu.memory_space<semaphore_mem>>)
      %dma_start3A_366 = arith.constant 256 : i32
      %dma_start3A_367 = arith.constant 0 : i32
      %dma_start3A_368 = tpu.memref_slice %arg9[%dma_start3A_366, %dma_start3A_367] : memref<512x64xf32, #tpu.memory_space<vmem>> -> memref<128x64xf32, #tpu.memory_space<vmem>>
      %dma_start3A_369 = arith.constant 256 : i32
      %dma_start3A_370 = tpu.memref_slice %arg6[%dma_start3A_369] : memref<512xi32, #tpu.memory_space<vmem>> -> memref<128xi32, #tpu.memory_space<vmem>>
      %dma_start3A_371 = arith.constant 0 : i32
      %dma_start3A_372 = arith.constant 0 : i32
      %dma_start3A_373 = tpu.memref_slice %arg3[%dma_start3A_371, %dma_start3A_372] : memref<1000000x64xf32, #tpu.memory_space<hbm>> -> memref<1000000x64xf32, #tpu.memory_space<hbm>>
      tpu.enqueue_indirect_dma source(%dma_start3A_373 : memref<1000000x64xf32, #tpu.memory_space<hbm>>) target(%dma_start3A_368 : memref<128x64xf32, #tpu.memory_space<vmem>>) offsets(%dma_start3A_370 : memref<128xi32, #tpu.memory_space<vmem>>) semaphore(%arg12 : memref<!tpu.dma_semaphore, #tpu.memory_space<semaphore_mem>>)
      %dma_start3A_374 = arith.constant 384 : i32
      %dma_start3A_375 = arith.constant 0 : i32
      %dma_start3A_376 = tpu.memref_slice %arg9[%dma_start3A_374, %dma_start3A_375] : memref<512x64xf32, #tpu.memory_space<vmem>> -> memref<128x64xf32, #tpu.memory_space<vmem>>
      %dma_start3A_377 = arith.constant 384 : i32
      %dma_start3A_378 = tpu.memref_slice %arg6[%dma_start3A_377] : memref<512xi32, #tpu.memory_space<vmem>> -> memref<128xi32, #tpu.memory_space<vmem>>
      %dma_start3A_379 = arith.constant 0 : i32
      %dma_start3A_380 = arith.constant 0 : i32
      %dma_start3A_381 = tpu.memref_slice %arg3[%dma_start3A_379, %dma_start3A_380] : memref<1000000x64xf32, #tpu.memory_space<hbm>> -> memref<1000000x64xf32, #tpu.memory_space<hbm>>
      tpu.enqueue_indirect_dma source(%dma_start3A_381 : memref<1000000x64xf32, #tpu.memory_space<hbm>>) target(%dma_start3A_376 : memref<128x64xf32, #tpu.memory_space<vmem>>) offsets(%dma_start3A_378 : memref<128xi32, #tpu.memory_space<vmem>>) semaphore(%arg12 : memref<!tpu.dma_semaphore, #tpu.memory_space<semaphore_mem>>)
      %parallel_loop3A_382 = arith.constant 0 : i32
      %parallel_loop3A_383 = arith.constant 512 : i32
      %parallel_loop3A_384 = arith.constant 1 : i32
      scf.for %parallel_loop3A_451 = %parallel_loop3A_382 to %parallel_loop3A_383 step %parallel_loop3A_384  : i32 {
        %parallel_loop3A_452 = arith.index_cast %parallel_loop3A_451 : i32 to index
        %parallel_loop3A_453 = arith.constant 0 : index
        %parallel_loop3A_454 = tpu.vector_load %arg10[%parallel_loop3A_452, %parallel_loop3A_453] {strides = array<i32>} : memref<512x64xf32, #tpu.memory_space<vmem>>, vector<1x16xf32>,
        %parallel_loop3A_455 = vector.shape_cast %parallel_loop3A_454 : vector<1x16xf32> to vector<16xf32>
        %parallel_loop3A_456 = arith.constant 8.000000e+00 : f32
        %parallel_loop3A_457 = vector.broadcast %parallel_loop3A_456 : f32 to vector<16xf32>
        %parallel_loop3A_458 = arith.mulf %parallel_loop3A_455, %parallel_loop3A_457 : vector<16xf32>
        %parallel_loop3A_459 = arith.index_cast %parallel_loop3A_451 : i32 to index
        %parallel_loop3A_460 = arith.constant 0 : index
        %parallel_loop3A_461 = tpu.vector_load %arg10[%parallel_loop3A_459, %parallel_loop3A_460] {strides = array<i32>} : memref<512x64xf32, #tpu.memory_space<vmem>>, vector<1x16xf32>,
        %parallel_loop3A_462 = vector.shape_cast %parallel_loop3A_461 : vector<1x16xf32> to vector<16xf32>
        %parallel_loop3A_463 = vector.shape_cast %parallel_loop3A_458 : vector<16xf32> to vector<1x16xf32>
        tpu.vector_store %arg10[%parallel_loop3A_459, %parallel_loop3A_460], %parallel_loop3A_463 {strides = array<i32>} : memref<512x64xf32, #tpu.memory_space<vmem>>, vector<1x16xf32>,
        %parallel_loop3A_464 = arith.index_cast %parallel_loop3A_451 : i32 to index
        %parallel_loop3A_465 = arith.constant 16 : index
        %parallel_loop3A_466 = tpu.vector_load %arg10[%parallel_loop3A_464, %parallel_loop3A_465] {strides = array<i32>} : memref<512x64xf32, #tpu.memory_space<vmem>>, vector<1x16xf32>,
        %parallel_loop3A_467 = vector.shape_cast %parallel_loop3A_466 : vector<1x16xf32> to vector<16xf32>
        %parallel_loop3A_468 = arith.constant 8.000000e+00 : f32
        %parallel_loop3A_469 = vector.broadcast %parallel_loop3A_468 : f32 to vector<16xf32>
        %parallel_loop3A_470 = arith.mulf %parallel_loop3A_467, %parallel_loop3A_469 : vector<16xf32>
        %parallel_loop3A_471 = arith.index_cast %parallel_loop3A_451 : i32 to index
        %parallel_loop3A_472 = arith.constant 16 : index
        %parallel_loop3A_473 = tpu.vector_load %arg10[%parallel_loop3A_471, %parallel_loop3A_472] {strides = array<i32>} : memref<512x64xf32, #tpu.memory_space<vmem>>, vector<1x16xf32>,
        %parallel_loop3A_474 = vector.shape_cast %parallel_loop3A_473 : vector<1x16xf32> to vector<16xf32>
        %parallel_loop3A_475 = vector.shape_cast %parallel_loop3A_470 : vector<16xf32> to vector<1x16xf32>
        tpu.vector_store %arg10[%parallel_loop3A_471, %parallel_loop3A_472], %parallel_loop3A_475 {strides = array<i32>} : memref<512x64xf32, #tpu.memory_space<vmem>>, vector<1x16xf32>,
        %parallel_loop3A_476 = arith.index_cast %parallel_loop3A_451 : i32 to index
        %parallel_loop3A_477 = arith.constant 32 : index
        %parallel_loop3A_478 = tpu.vector_load %arg10[%parallel_loop3A_476, %parallel_loop3A_477] {strides = array<i32>} : memref<512x64xf32, #tpu.memory_space<vmem>>, vector<1x16xf32>,
        %parallel_loop3A_479 = vector.shape_cast %parallel_loop3A_478 : vector<1x16xf32> to vector<16xf32>
        %parallel_loop3A_480 = arith.constant 8.000000e+00 : f32
        %parallel_loop3A_481 = vector.broadcast %parallel_loop3A_480 : f32 to vector<16xf32>
        %parallel_loop3A_482 = arith.mulf %parallel_loop3A_479, %parallel_loop3A_481 : vector<16xf32>
        %parallel_loop3A_483 = arith.index_cast %parallel_loop3A_451 : i32 to index
        %parallel_loop3A_484 = arith.constant 32 : index
        %parallel_loop3A_485 = tpu.vector_load %arg10[%parallel_loop3A_483, %parallel_loop3A_484] {strides = array<i32>} : memref<512x64xf32, #tpu.memory_space<vmem>>, vector<1x16xf32>,
        %parallel_loop3A_486 = vector.shape_cast %parallel_loop3A_485 : vector<1x16xf32> to vector<16xf32>
        %parallel_loop3A_487 = vector.shape_cast %parallel_loop3A_482 : vector<16xf32> to vector<1x16xf32>
        tpu.vector_store %arg10[%parallel_loop3A_483, %parallel_loop3A_484], %parallel_loop3A_487 {strides = array<i32>} : memref<512x64xf32, #tpu.memory_space<vmem>>, vector<1x16xf32>,
        %parallel_loop3A_488 = arith.index_cast %parallel_loop3A_451 : i32 to index
        %parallel_loop3A_489 = arith.constant 48 : index
        %parallel_loop3A_490 = tpu.vector_load %arg10[%parallel_loop3A_488, %parallel_loop3A_489] {strides = array<i32>} : memref<512x64xf32, #tpu.memory_space<vmem>>, vector<1x16xf32>,
        %parallel_loop3A_491 = vector.shape_cast %parallel_loop3A_490 : vector<1x16xf32> to vector<16xf32>
        %parallel_loop3A_492 = arith.constant 8.000000e+00 : f32
        %parallel_loop3A_493 = vector.broadcast %parallel_loop3A_492 : f32 to vector<16xf32>
        %parallel_loop3A_494 = arith.mulf %parallel_loop3A_491, %parallel_loop3A_493 : vector<16xf32>
        %parallel_loop3A_495 = arith.index_cast %parallel_loop3A_451 : i32 to index
        %parallel_loop3A_496 = arith.constant 48 : index
        %parallel_loop3A_497 = tpu.vector_load %arg10[%parallel_loop3A_495, %parallel_loop3A_496] {strides = array<i32>} : memref<512x64xf32, #tpu.memory_space<vmem>>, vector<1x16xf32>,
        %parallel_loop3A_498 = vector.shape_cast %parallel_loop3A_497 : vector<1x16xf32> to vector<16xf32>
        %parallel_loop3A_499 = vector.shape_cast %parallel_loop3A_494 : vector<16xf32> to vector<1x16xf32>
        tpu.vector_store %arg10[%parallel_loop3A_495, %parallel_loop3A_496], %parallel_loop3A_499 {strides = array<i32>} : memref<512x64xf32, #tpu.memory_space<vmem>>, vector<1x16xf32>,
      } {sc.loop_unroll_factor = 8 : i64, sc.parallel_access}
      %mul3A_385 = arith.constant 512 : i32
      %mul3A_386 = arith.muli %add3A_334, %mul3A_385 : i32
      %add3A_387 = arith.addi %mul3A_2, %mul3A_386 : i32
      %dma_start3A_388 = arith.constant 0 : i32
      %dma_start3A_389 = tpu.memref_slice %arg4[%add3A_387, %dma_start3A_388] : memref<819200x64xf32, #tpu.memory_space<hbm>> -> memref<512x64xf32, #tpu.memory_space<hbm>>
      %dma_start3A_390 = arith.constant 0 : i32
      %dma_start3A_391 = tpu.memref_slice %arg4[%add3A_387, %dma_start3A_390] : memref<819200x64xf32, #tpu.memory_space<hbm>> -> memref<512x64xf32, #tpu.memory_space<hbm>>
      tpu.enqueue_dma source(%arg10 : memref<512x64xf32, #tpu.memory_space<vmem>>) target(%dma_start3A_391 : memref<512x64xf32, #tpu.memory_space<hbm>>) target_semaphore(%arg16 : memref<!tpu.dma_semaphore, #tpu.memory_space<semaphore_mem>>)
      %add3A_392 = arith.constant 2 : i32
      %add3A_393 = arith.addi %add3A_273, %add3A_392 : i32
      %dma_wait3A_394 = arith.constant 0 : i32
      %dma_wait3A_395 = arith.constant 0 : i32
      %dma_wait3A_396 = tpu.memref_slice %arg3[%dma_wait3A_394, %dma_wait3A_395] : memref<1000000x64xf32, #tpu.memory_space<hbm>> -> memref<512x64xf32, #tpu.memory_space<hbm>>
      %dma_wait3A_397 = arith.constant 0 : i32
      %dma_wait3A_398 = arith.constant 0 : i32
      %dma_wait3A_399 = tpu.memref_slice %arg3[%dma_wait3A_397, %dma_wait3A_398] : memref<1000000x64xf32, #tpu.memory_space<hbm>> -> memref<512x64xf32, #tpu.memory_space<hbm>>
      tpu.wait_dma2 semaphore(%arg11 : memref<!tpu.dma_semaphore, #tpu.memory_space<semaphore_mem>>) src(%dma_wait3A_399 : memref<512x64xf32, #tpu.memory_space<hbm>>) dst(%arg8 : memref<512x64xf32, #tpu.memory_space<vmem>>)
      %dma_wait3A_400 = arith.constant 0 : i32
      %dma_wait3A_401 = tpu.memref_slice %arg4[%mul3A_2, %dma_wait3A_400] : memref<819200x64xf32, #tpu.memory_space<hbm>> -> memref<512x64xf32, #tpu.memory_space<hbm>>
      %dma_wait3A_402 = arith.constant 0 : i32
      %dma_wait3A_403 = tpu.memref_slice %arg4[%mul3A_2, %dma_wait3A_402] : memref<819200x64xf32, #tpu.memory_space<hbm>> -> memref<512x64xf32, #tpu.memory_space<hbm>>
      tpu.wait_dma2 semaphore(%arg16 : memref<!tpu.dma_semaphore, #tpu.memory_space<semaphore_mem>>) src(%arg10 : memref<512x64xf32, #tpu.memory_space<vmem>>) dst(%dma_wait3A_403 : memref<512x64xf32, #tpu.memory_space<hbm>>)
      %add3A_404 = arith.constant 2 : i32
      %add3A_405 = arith.addi %add3A_393, %add3A_404 : i32
      %mul3A_406 = arith.constant 512 : i32
      %mul3A_407 = arith.muli %add3A_405, %mul3A_406 : i32
      %add3A_408 = arith.addi %mul3A_2, %mul3A_407 : i32
      "tpu.region"() ({
        %run_scoped3A = tpu.sem_alloc : memref<!tpu.dma_semaphore, #tpu.memory_space<semaphore_mem>>
        %dma_start3A_451 = tpu.memref_slice %arg2[%add3A_408] : memref<819200xi32, #tpu.memory_space<hbm>> -> memref<512xi32, #tpu.memory_space<hbm>>
        %dma_start3A_452 = tpu.memref_slice %arg2[%add3A_408] : memref<819200xi32, #tpu.memory_space<hbm>> -> memref<512xi32, #tpu.memory_space<hbm>>
        tpu.enqueue_dma source(%dma_start3A_452 : memref<512xi32, #tpu.memory_space<hbm>>) target(%arg7 : memref<512xi32, #tpu.memory_space<vmem>>) target_semaphore(%run_scoped3A : memref<!tpu.dma_semaphore, #tpu.memory_space<semaphore_mem>>)
        %dma_wait3A_453 = tpu.memref_slice %arg2[%add3A_408] : memref<819200xi32, #tpu.memory_space<hbm>> -> memref<512xi32, #tpu.memory_space<hbm>>
        %dma_wait3A_454 = tpu.memref_slice %arg2[%add3A_408] : memref<819200xi32, #tpu.memory_space<hbm>> -> memref<512xi32, #tpu.memory_space<hbm>>
        tpu.wait_dma2 semaphore(%run_scoped3A : memref<!tpu.dma_semaphore, #tpu.memory_space<semaphore_mem>>) src(%dma_wait3A_454 : memref<512xi32, #tpu.memory_space<hbm>>) dst(%arg7 : memref<512xi32, #tpu.memory_space<vmem>>)
        tpu.yield
      }) : () -> ()
      %dma_start3A_409 = arith.constant 0 : i32
      %dma_start3A_410 = arith.constant 0 : i32
      %dma_start3A_411 = tpu.memref_slice %arg10[%dma_start3A_409, %dma_start3A_410] : memref<512x64xf32, #tpu.memory_space<vmem>> -> memref<128x64xf32, #tpu.memory_space<vmem>>
      %dma_start3A_412 = arith.constant 0 : i32
      %dma_start3A_413 = tpu.memref_slice %arg7[%dma_start3A_412] : memref<512xi32, #tpu.memory_space<vmem>> -> memref<128xi32, #tpu.memory_space<vmem>>
      %dma_start3A_414 = arith.constant 0 : i32
      %dma_start3A_415 = arith.constant 0 : i32
      %dma_start3A_416 = tpu.memref_slice %arg3[%dma_start3A_414, %dma_start3A_415] : memref<1000000x64xf32, #tpu.memory_space<hbm>> -> memref<1000000x64xf32, #tpu.memory_space<hbm>>
      tpu.enqueue_indirect_dma source(%dma_start3A_416 : memref<1000000x64xf32, #tpu.memory_space<hbm>>) target(%dma_start3A_411 : memref<128x64xf32, #tpu.memory_space<vmem>>) offsets(%dma_start3A_413 : memref<128xi32, #tpu.memory_space<vmem>>) semaphore(%arg13 : memref<!tpu.dma_semaphore, #tpu.memory_space<semaphore_mem>>)
      %dma_start3A_417 = arith.constant 128 : i32
      %dma_start3A_418 = arith.constant 0 : i32
      %dma_start3A_419 = tpu.memref_slice %arg10[%dma_start3A_417, %dma_start3A_418] : memref<512x64xf32, #tpu.memory_space<vmem>> -> memref<128x64xf32, #tpu.memory_space<vmem>>
      %dma_start3A_420 = arith.constant 128 : i32
      %dma_start3A_421 = tpu.memref_slice %arg7[%dma_start3A_420] : memref<512xi32, #tpu.memory_space<vmem>> -> memref<128xi32, #tpu.memory_space<vmem>>
      %dma_start3A_422 = arith.constant 0 : i32
      %dma_start3A_423 = arith.constant 0 : i32
      %dma_start3A_424 = tpu.memref_slice %arg3[%dma_start3A_422, %dma_start3A_423] : memref<1000000x64xf32, #tpu.memory_space<hbm>> -> memref<1000000x64xf32, #tpu.memory_space<hbm>>
      tpu.enqueue_indirect_dma source(%dma_start3A_424 : memref<1000000x64xf32, #tpu.memory_space<hbm>>) target(%dma_start3A_419 : memref<128x64xf32, #tpu.memory_space<vmem>>) offsets(%dma_start3A_421 : memref<128xi32, #tpu.memory_space<vmem>>) semaphore(%arg13 : memref<!tpu.dma_semaphore, #tpu.memory_space<semaphore_mem>>)
      %dma_start3A_425 = arith.constant 256 : i32
      %dma_start3A_426 = arith.constant 0 : i32
      %dma_start3A_427 = tpu.memref_slice %arg10[%dma_start3A_425, %dma_start3A_426] : memref<512x64xf32, #tpu.memory_space<vmem>> -> memref<128x64xf32, #tpu.memory_space<vmem>>
      %dma_start3A_428 = arith.constant 256 : i32
      %dma_start3A_429 = tpu.memref_slice %arg7[%dma_start3A_428] : memref<512xi32, #tpu.memory_space<vmem>> -> memref<128xi32, #tpu.memory_space<vmem>>
      %dma_start3A_430 = arith.constant 0 : i32
      %dma_start3A_431 = arith.constant 0 : i32
      %dma_start3A_432 = tpu.memref_slice %arg3[%dma_start3A_430, %dma_start3A_431] : memref<1000000x64xf32, #tpu.memory_space<hbm>> -> memref<1000000x64xf32, #tpu.memory_space<hbm>>
      tpu.enqueue_indirect_dma source(%dma_start3A_432 : memref<1000000x64xf32, #tpu.memory_space<hbm>>) target(%dma_start3A_427 : memref<128x64xf32, #tpu.memory_space<vmem>>) offsets(%dma_start3A_429 : memref<128xi32, #tpu.memory_space<vmem>>) semaphore(%arg13 : memref<!tpu.dma_semaphore, #tpu.memory_space<semaphore_mem>>)
      %dma_start3A_433 = arith.constant 384 : i32
      %dma_start3A_434 = arith.constant 0 : i32
      %dma_start3A_435 = tpu.memref_slice %arg10[%dma_start3A_433, %dma_start3A_434] : memref<512x64xf32, #tpu.memory_space<vmem>> -> memref<128x64xf32, #tpu.memory_space<vmem>>
      %dma_start3A_436 = arith.constant 384 : i32
      %dma_start3A_437 = tpu.memref_slice %arg7[%dma_start3A_436] : memref<512xi32, #tpu.memory_space<vmem>> -> memref<128xi32, #tpu.memory_space<vmem>>
      %dma_start3A_438 = arith.constant 0 : i32
      %dma_start3A_439 = arith.constant 0 : i32
      %dma_start3A_440 = tpu.memref_slice %arg3[%dma_start3A_438, %dma_start3A_439] : memref<1000000x64xf32, #tpu.memory_space<hbm>> -> memref<1000000x64xf32, #tpu.memory_space<hbm>>
      tpu.enqueue_indirect_dma source(%dma_start3A_440 : memref<1000000x64xf32, #tpu.memory_space<hbm>>) target(%dma_start3A_435 : memref<128x64xf32, #tpu.memory_space<vmem>>) offsets(%dma_start3A_437 : memref<128xi32, #tpu.memory_space<vmem>>) semaphore(%arg13 : memref<!tpu.dma_semaphore, #tpu.memory_space<semaphore_mem>>)
      %parallel_loop3A_441 = arith.constant 0 : i32
      %parallel_loop3A_442 = arith.constant 512 : i32
      %parallel_loop3A_443 = arith.constant 1 : i32
      scf.for %parallel_loop3A_451 = %parallel_loop3A_441 to %parallel_loop3A_442 step %parallel_loop3A_443  : i32 {
        %parallel_loop3A_452 = arith.index_cast %parallel_loop3A_451 : i32 to index
        %parallel_loop3A_453 = arith.constant 0 : index
        %parallel_loop3A_454 = tpu.vector_load %arg8[%parallel_loop3A_452, %parallel_loop3A_453] {strides = array<i32>} : memref<512x64xf32, #tpu.memory_space<vmem>>, vector<1x16xf32>,
        %parallel_loop3A_455 = vector.shape_cast %parallel_loop3A_454 : vector<1x16xf32> to vector<16xf32>
        %parallel_loop3A_456 = arith.constant 8.000000e+00 : f32
        %parallel_loop3A_457 = vector.broadcast %parallel_loop3A_456 : f32 to vector<16xf32>
        %parallel_loop3A_458 = arith.mulf %parallel_loop3A_455, %parallel_loop3A_457 : vector<16xf32>
        %parallel_loop3A_459 = arith.index_cast %parallel_loop3A_451 : i32 to index
        %parallel_loop3A_460 = arith.constant 0 : index
        %parallel_loop3A_461 = tpu.vector_load %arg8[%parallel_loop3A_459, %parallel_loop3A_460] {strides = array<i32>} : memref<512x64xf32, #tpu.memory_space<vmem>>, vector<1x16xf32>,
        %parallel_loop3A_462 = vector.shape_cast %parallel_loop3A_461 : vector<1x16xf32> to vector<16xf32>
        %parallel_loop3A_463 = vector.shape_cast %parallel_loop3A_458 : vector<16xf32> to vector<1x16xf32>
        tpu.vector_store %arg8[%parallel_loop3A_459, %parallel_loop3A_460], %parallel_loop3A_463 {strides = array<i32>} : memref<512x64xf32, #tpu.memory_space<vmem>>, vector<1x16xf32>,
        %parallel_loop3A_464 = arith.index_cast %parallel_loop3A_451 : i32 to index
        %parallel_loop3A_465 = arith.constant 16 : index
        %parallel_loop3A_466 = tpu.vector_load %arg8[%parallel_loop3A_464, %parallel_loop3A_465] {strides = array<i32>} : memref<512x64xf32, #tpu.memory_space<vmem>>, vector<1x16xf32>,
        %parallel_loop3A_467 = vector.shape_cast %parallel_loop3A_466 : vector<1x16xf32> to vector<16xf32>
        %parallel_loop3A_468 = arith.constant 8.000000e+00 : f32
        %parallel_loop3A_469 = vector.broadcast %parallel_loop3A_468 : f32 to vector<16xf32>
        %parallel_loop3A_470 = arith.mulf %parallel_loop3A_467, %parallel_loop3A_469 : vector<16xf32>
        %parallel_loop3A_471 = arith.index_cast %parallel_loop3A_451 : i32 to index
        %parallel_loop3A_472 = arith.constant 16 : index
        %parallel_loop3A_473 = tpu.vector_load %arg8[%parallel_loop3A_471, %parallel_loop3A_472] {strides = array<i32>} : memref<512x64xf32, #tpu.memory_space<vmem>>, vector<1x16xf32>,
        %parallel_loop3A_474 = vector.shape_cast %parallel_loop3A_473 : vector<1x16xf32> to vector<16xf32>
        %parallel_loop3A_475 = vector.shape_cast %parallel_loop3A_470 : vector<16xf32> to vector<1x16xf32>
        tpu.vector_store %arg8[%parallel_loop3A_471, %parallel_loop3A_472], %parallel_loop3A_475 {strides = array<i32>} : memref<512x64xf32, #tpu.memory_space<vmem>>, vector<1x16xf32>,
        %parallel_loop3A_476 = arith.index_cast %parallel_loop3A_451 : i32 to index
        %parallel_loop3A_477 = arith.constant 32 : index
        %parallel_loop3A_478 = tpu.vector_load %arg8[%parallel_loop3A_476, %parallel_loop3A_477] {strides = array<i32>} : memref<512x64xf32, #tpu.memory_space<vmem>>, vector<1x16xf32>,
        %parallel_loop3A_479 = vector.shape_cast %parallel_loop3A_478 : vector<1x16xf32> to vector<16xf32>
        %parallel_loop3A_480 = arith.constant 8.000000e+00 : f32
        %parallel_loop3A_481 = vector.broadcast %parallel_loop3A_480 : f32 to vector<16xf32>
        %parallel_loop3A_482 = arith.mulf %parallel_loop3A_479, %parallel_loop3A_481 : vector<16xf32>
        %parallel_loop3A_483 = arith.index_cast %parallel_loop3A_451 : i32 to index
        %parallel_loop3A_484 = arith.constant 32 : index
        %parallel_loop3A_485 = tpu.vector_load %arg8[%parallel_loop3A_483, %parallel_loop3A_484] {strides = array<i32>} : memref<512x64xf32, #tpu.memory_space<vmem>>, vector<1x16xf32>,
        %parallel_loop3A_486 = vector.shape_cast %parallel_loop3A_485 : vector<1x16xf32> to vector<16xf32>
        %parallel_loop3A_487 = vector.shape_cast %parallel_loop3A_482 : vector<16xf32> to vector<1x16xf32>
        tpu.vector_store %arg8[%parallel_loop3A_483, %parallel_loop3A_484], %parallel_loop3A_487 {strides = array<i32>} : memref<512x64xf32, #tpu.memory_space<vmem>>, vector<1x16xf32>,
        %parallel_loop3A_488 = arith.index_cast %parallel_loop3A_451 : i32 to index
        %parallel_loop3A_489 = arith.constant 48 : index
        %parallel_loop3A_490 = tpu.vector_load %arg8[%parallel_loop3A_488, %parallel_loop3A_489] {strides = array<i32>} : memref<512x64xf32, #tpu.memory_space<vmem>>, vector<1x16xf32>,
        %parallel_loop3A_491 = vector.shape_cast %parallel_loop3A_490 : vector<1x16xf32> to vector<16xf32>
        %parallel_loop3A_492 = arith.constant 8.000000e+00 : f32
        %parallel_loop3A_493 = vector.broadcast %parallel_loop3A_492 : f32 to vector<16xf32>
        %parallel_loop3A_494 = arith.mulf %parallel_loop3A_491, %parallel_loop3A_493 : vector<16xf32>
        %parallel_loop3A_495 = arith.index_cast %parallel_loop3A_451 : i32 to index
        %parallel_loop3A_496 = arith.constant 48 : index
        %parallel_loop3A_497 = tpu.vector_load %arg8[%parallel_loop3A_495, %parallel_loop3A_496] {strides = array<i32>} : memref<512x64xf32, #tpu.memory_space<vmem>>, vector<1x16xf32>,
        %parallel_loop3A_498 = vector.shape_cast %parallel_loop3A_497 : vector<1x16xf32> to vector<16xf32>
        %parallel_loop3A_499 = vector.shape_cast %parallel_loop3A_494 : vector<16xf32> to vector<1x16xf32>
        tpu.vector_store %arg8[%parallel_loop3A_495, %parallel_loop3A_496], %parallel_loop3A_499 {strides = array<i32>} : memref<512x64xf32, #tpu.memory_space<vmem>>, vector<1x16xf32>,
      } {sc.loop_unroll_factor = 8 : i64, sc.parallel_access}
      %mul3A_444 = arith.constant 512 : i32
      %mul3A_445 = arith.muli %add3A_393, %mul3A_444 : i32
      %add3A_446 = arith.addi %mul3A_2, %mul3A_445 : i32
      %dma_start3A_447 = arith.constant 0 : i32
      %dma_start3A_448 = tpu.memref_slice %arg4[%add3A_446, %dma_start3A_447] : memref<819200x64xf32, #tpu.memory_space<hbm>> -> memref<512x64xf32, #tpu.memory_space<hbm>>
      %dma_start3A_449 = arith.constant 0 : i32
      %dma_start3A_450 = tpu.memref_slice %arg4[%add3A_446, %dma_start3A_449] : memref<819200x64xf32, #tpu.memory_space<hbm>> -> memref<512x64xf32, #tpu.memory_space<hbm>>
      tpu.enqueue_dma source(%arg8 : memref<512x64xf32, #tpu.memory_space<vmem>>) target(%dma_start3A_450 : memref<512x64xf32, #tpu.memory_space<hbm>>) target_semaphore(%arg14 : memref<!tpu.dma_semaphore, #tpu.memory_space<semaphore_mem>>)
    }
    %scan3A_120 = arith.constant 15 : i32
    %dma_wait3A_121 = arith.constant 0 : i32
    %dma_wait3A_122 = arith.constant 0 : i32
    %dma_wait3A_123 = tpu.memref_slice %arg3[%dma_wait3A_121, %dma_wait3A_122] : memref<1000000x64xf32, #tpu.memory_space<hbm>> -> memref<512x64xf32, #tpu.memory_space<hbm>>
    %dma_wait3A_124 = arith.constant 0 : i32
    %dma_wait3A_125 = arith.constant 0 : i32
    %dma_wait3A_126 = tpu.memref_slice %arg3[%dma_wait3A_124, %dma_wait3A_125] : memref<1000000x64xf32, #tpu.memory_space<hbm>> -> memref<512x64xf32, #tpu.memory_space<hbm>>
    tpu.wait_dma2 semaphore(%arg12 : memref<!tpu.dma_semaphore, #tpu.memory_space<semaphore_mem>>) src(%dma_wait3A_126 : memref<512x64xf32, #tpu.memory_space<hbm>>) dst(%arg9 : memref<512x64xf32, #tpu.memory_space<vmem>>)
    %dma_wait3A_127 = arith.constant 0 : i32
    %dma_wait3A_128 = tpu.memref_slice %arg4[%mul3A_2, %dma_wait3A_127] : memref<819200x64xf32, #tpu.memory_space<hbm>> -> memref<512x64xf32, #tpu.memory_space<hbm>>
    %dma_wait3A_129 = arith.constant 0 : i32
    %dma_wait3A_130 = tpu.memref_slice %arg4[%mul3A_2, %dma_wait3A_129] : memref<819200x64xf32, #tpu.memory_space<hbm>> -> memref<512x64xf32, #tpu.memory_space<hbm>>
    tpu.wait_dma2 semaphore(%arg14 : memref<!tpu.dma_semaphore, #tpu.memory_space<semaphore_mem>>) src(%arg8 : memref<512x64xf32, #tpu.memory_space<vmem>>) dst(%dma_wait3A_130 : memref<512x64xf32, #tpu.memory_space<hbm>>)
    %add3A_131 = arith.constant 24576 : i32
    %add3A_132 = arith.addi %mul3A_2, %add3A_131 : i32
    "tpu.region"() ({
      %run_scoped3A = tpu.sem_alloc : memref<!tpu.dma_semaphore, #tpu.memory_space<semaphore_mem>>
      %dma_start3A_269 = tpu.memref_slice %arg2[%add3A_132] : memref<819200xi32, #tpu.memory_space<hbm>> -> memref<512xi32, #tpu.memory_space<hbm>>
      %dma_start3A_270 = tpu.memref_slice %arg2[%add3A_132] : memref<819200xi32, #tpu.memory_space<hbm>> -> memref<512xi32, #tpu.memory_space<hbm>>
      tpu.enqueue_dma source(%dma_start3A_270 : memref<512xi32, #tpu.memory_space<hbm>>) target(%arg5 : memref<512xi32, #tpu.memory_space<vmem>>) target_semaphore(%run_scoped3A : memref<!tpu.dma_semaphore, #tpu.memory_space<semaphore_mem>>)
      %dma_wait3A_271 = tpu.memref_slice %arg2[%add3A_132] : memref<819200xi32, #tpu.memory_space<hbm>> -> memref<512xi32, #tpu.memory_space<hbm>>
      %dma_wait3A_272 = tpu.memref_slice %arg2[%add3A_132] : memref<819200xi32, #tpu.memory_space<hbm>> -> memref<512xi32, #tpu.memory_space<hbm>>
      tpu.wait_dma2 semaphore(%run_scoped3A : memref<!tpu.dma_semaphore, #tpu.memory_space<semaphore_mem>>) src(%dma_wait3A_272 : memref<512xi32, #tpu.memory_space<hbm>>) dst(%arg5 : memref<512xi32, #tpu.memory_space<vmem>>)
      tpu.yield
    }) : () -> ()
    %dma_start3A_133 = arith.constant 0 : i32
    %dma_start3A_134 = arith.constant 0 : i32
    %dma_start3A_135 = tpu.memref_slice %arg8[%dma_start3A_133, %dma_start3A_134] : memref<512x64xf32, #tpu.memory_space<vmem>> -> memref<128x64xf32, #tpu.memory_space<vmem>>
    %dma_start3A_136 = arith.constant 0 : i32
    %dma_start3A_137 = tpu.memref_slice %arg5[%dma_start3A_136] : memref<512xi32, #tpu.memory_space<vmem>> -> memref<128xi32, #tpu.memory_space<vmem>>
    %dma_start3A_138 = arith.constant 0 : i32
    %dma_start3A_139 = arith.constant 0 : i32
    %dma_start3A_140 = tpu.memref_slice %arg3[%dma_start3A_138, %dma_start3A_139] : memref<1000000x64xf32, #tpu.memory_space<hbm>> -> memref<1000000x64xf32, #tpu.memory_space<hbm>>
    tpu.enqueue_indirect_dma source(%dma_start3A_140 : memref<1000000x64xf32, #tpu.memory_space<hbm>>) target(%dma_start3A_135 : memref<128x64xf32, #tpu.memory_space<vmem>>) offsets(%dma_start3A_137 : memref<128xi32, #tpu.memory_space<vmem>>) semaphore(%arg11 : memref<!tpu.dma_semaphore, #tpu.memory_space<semaphore_mem>>)
    %dma_start3A_141 = arith.constant 128 : i32
    %dma_start3A_142 = arith.constant 0 : i32
    %dma_start3A_143 = tpu.memref_slice %arg8[%dma_start3A_141, %dma_start3A_142] : memref<512x64xf32, #tpu.memory_space<vmem>> -> memref<128x64xf32, #tpu.memory_space<vmem>>
    %dma_start3A_144 = arith.constant 128 : i32
    %dma_start3A_145 = tpu.memref_slice %arg5[%dma_start3A_144] : memref<512xi32, #tpu.memory_space<vmem>> -> memref<128xi32, #tpu.memory_space<vmem>>
    %dma_start3A_146 = arith.constant 0 : i32
    %dma_start3A_147 = arith.constant 0 : i32
    %dma_start3A_148 = tpu.memref_slice %arg3[%dma_start3A_146, %dma_start3A_147] : memref<1000000x64xf32, #tpu.memory_space<hbm>> -> memref<1000000x64xf32, #tpu.memory_space<hbm>>
    tpu.enqueue_indirect_dma source(%dma_start3A_148 : memref<1000000x64xf32, #tpu.memory_space<hbm>>) target(%dma_start3A_143 : memref<128x64xf32, #tpu.memory_space<vmem>>) offsets(%dma_start3A_145 : memref<128xi32, #tpu.memory_space<vmem>>) semaphore(%arg11 : memref<!tpu.dma_semaphore, #tpu.memory_space<semaphore_mem>>)
    %dma_start3A_149 = arith.constant 256 : i32
    %dma_start3A_150 = arith.constant 0 : i32
    %dma_start3A_151 = tpu.memref_slice %arg8[%dma_start3A_149, %dma_start3A_150] : memref<512x64xf32, #tpu.memory_space<vmem>> -> memref<128x64xf32, #tpu.memory_space<vmem>>
    %dma_start3A_152 = arith.constant 256 : i32
    %dma_start3A_153 = tpu.memref_slice %arg5[%dma_start3A_152] : memref<512xi32, #tpu.memory_space<vmem>> -> memref<128xi32, #tpu.memory_space<vmem>>
    %dma_start3A_154 = arith.constant 0 : i32
    %dma_start3A_155 = arith.constant 0 : i32
    %dma_start3A_156 = tpu.memref_slice %arg3[%dma_start3A_154, %dma_start3A_155] : memref<1000000x64xf32, #tpu.memory_space<hbm>> -> memref<1000000x64xf32, #tpu.memory_space<hbm>>
    tpu.enqueue_indirect_dma source(%dma_start3A_156 : memref<1000000x64xf32, #tpu.memory_space<hbm>>) target(%dma_start3A_151 : memref<128x64xf32, #tpu.memory_space<vmem>>) offsets(%dma_start3A_153 : memref<128xi32, #tpu.memory_space<vmem>>) semaphore(%arg11 : memref<!tpu.dma_semaphore, #tpu.memory_space<semaphore_mem>>)
    %dma_start3A_157 = arith.constant 384 : i32
    %dma_start3A_158 = arith.constant 0 : i32
    %dma_start3A_159 = tpu.memref_slice %arg8[%dma_start3A_157, %dma_start3A_158] : memref<512x64xf32, #tpu.memory_space<vmem>> -> memref<128x64xf32, #tpu.memory_space<vmem>>
    %dma_start3A_160 = arith.constant 384 : i32
    %dma_start3A_161 = tpu.memref_slice %arg5[%dma_start3A_160] : memref<512xi32, #tpu.memory_space<vmem>> -> memref<128xi32, #tpu.memory_space<vmem>>
    %dma_start3A_162 = arith.constant 0 : i32
    %dma_start3A_163 = arith.constant 0 : i32
    %dma_start3A_164 = tpu.memref_slice %arg3[%dma_start3A_162, %dma_start3A_163] : memref<1000000x64xf32, #tpu.memory_space<hbm>> -> memref<1000000x64xf32, #tpu.memory_space<hbm>>
    tpu.enqueue_indirect_dma source(%dma_start3A_164 : memref<1000000x64xf32, #tpu.memory_space<hbm>>) target(%dma_start3A_159 : memref<128x64xf32, #tpu.memory_space<vmem>>) offsets(%dma_start3A_161 : memref<128xi32, #tpu.memory_space<vmem>>) semaphore(%arg11 : memref<!tpu.dma_semaphore, #tpu.memory_space<semaphore_mem>>)
    %parallel_loop3A_165 = arith.constant 0 : i32
    %parallel_loop3A_166 = arith.constant 512 : i32
    %parallel_loop3A_167 = arith.constant 1 : i32
    scf.for %parallel_loop3A_269 = %parallel_loop3A_165 to %parallel_loop3A_166 step %parallel_loop3A_167  : i32 {
      %parallel_loop3A_270 = arith.index_cast %parallel_loop3A_269 : i32 to index
      %parallel_loop3A_271 = arith.constant 0 : index
      %parallel_loop3A_272 = tpu.vector_load %arg9[%parallel_loop3A_270, %parallel_loop3A_271] {strides = array<i32>} : memref<512x64xf32, #tpu.memory_space<vmem>>, vector<1x16xf32>,
      %parallel_loop3A_273 = vector.shape_cast %parallel_loop3A_272 : vector<1x16xf32> to vector<16xf32>
      %parallel_loop3A_274 = arith.constant 8.000000e+00 : f32
      %parallel_loop3A_275 = vector.broadcast %parallel_loop3A_274 : f32 to vector<16xf32>
      %parallel_loop3A_276 = arith.mulf %parallel_loop3A_273, %parallel_loop3A_275 : vector<16xf32>
      %parallel_loop3A_277 = arith.index_cast %parallel_loop3A_269 : i32 to index
      %parallel_loop3A_278 = arith.constant 0 : index
      %parallel_loop3A_279 = tpu.vector_load %arg9[%parallel_loop3A_277, %parallel_loop3A_278] {strides = array<i32>} : memref<512x64xf32, #tpu.memory_space<vmem>>, vector<1x16xf32>,
      %parallel_loop3A_280 = vector.shape_cast %parallel_loop3A_279 : vector<1x16xf32> to vector<16xf32>
      %parallel_loop3A_281 = vector.shape_cast %parallel_loop3A_276 : vector<16xf32> to vector<1x16xf32>
      tpu.vector_store %arg9[%parallel_loop3A_277, %parallel_loop3A_278], %parallel_loop3A_281 {strides = array<i32>} : memref<512x64xf32, #tpu.memory_space<vmem>>, vector<1x16xf32>,
      %parallel_loop3A_282 = arith.index_cast %parallel_loop3A_269 : i32 to index
      %parallel_loop3A_283 = arith.constant 16 : index
      %parallel_loop3A_284 = tpu.vector_load %arg9[%parallel_loop3A_282, %parallel_loop3A_283] {strides = array<i32>} : memref<512x64xf32, #tpu.memory_space<vmem>>, vector<1x16xf32>,
      %parallel_loop3A_285 = vector.shape_cast %parallel_loop3A_284 : vector<1x16xf32> to vector<16xf32>
      %parallel_loop3A_286 = arith.constant 8.000000e+00 : f32
      %parallel_loop3A_287 = vector.broadcast %parallel_loop3A_286 : f32 to vector<16xf32>
      %parallel_loop3A_288 = arith.mulf %parallel_loop3A_285, %parallel_loop3A_287 : vector<16xf32>
      %parallel_loop3A_289 = arith.index_cast %parallel_loop3A_269 : i32 to index
      %parallel_loop3A_290 = arith.constant 16 : index
      %parallel_loop3A_291 = tpu.vector_load %arg9[%parallel_loop3A_289, %parallel_loop3A_290] {strides = array<i32>} : memref<512x64xf32, #tpu.memory_space<vmem>>, vector<1x16xf32>,
      %parallel_loop3A_292 = vector.shape_cast %parallel_loop3A_291 : vector<1x16xf32> to vector<16xf32>
      %parallel_loop3A_293 = vector.shape_cast %parallel_loop3A_288 : vector<16xf32> to vector<1x16xf32>
      tpu.vector_store %arg9[%parallel_loop3A_289, %parallel_loop3A_290], %parallel_loop3A_293 {strides = array<i32>} : memref<512x64xf32, #tpu.memory_space<vmem>>, vector<1x16xf32>,
      %parallel_loop3A_294 = arith.index_cast %parallel_loop3A_269 : i32 to index
      %parallel_loop3A_295 = arith.constant 32 : index
      %parallel_loop3A_296 = tpu.vector_load %arg9[%parallel_loop3A_294, %parallel_loop3A_295] {strides = array<i32>} : memref<512x64xf32, #tpu.memory_space<vmem>>, vector<1x16xf32>,
      %parallel_loop3A_297 = vector.shape_cast %parallel_loop3A_296 : vector<1x16xf32> to vector<16xf32>
      %parallel_loop3A_298 = arith.constant 8.000000e+00 : f32
      %parallel_loop3A_299 = vector.broadcast %parallel_loop3A_298 : f32 to vector<16xf32>
      %parallel_loop3A_300 = arith.mulf %parallel_loop3A_297, %parallel_loop3A_299 : vector<16xf32>
      %parallel_loop3A_301 = arith.index_cast %parallel_loop3A_269 : i32 to index
      %parallel_loop3A_302 = arith.constant 32 : index
      %parallel_loop3A_303 = tpu.vector_load %arg9[%parallel_loop3A_301, %parallel_loop3A_302] {strides = array<i32>} : memref<512x64xf32, #tpu.memory_space<vmem>>, vector<1x16xf32>,
      %parallel_loop3A_304 = vector.shape_cast %parallel_loop3A_303 : vector<1x16xf32> to vector<16xf32>
      %parallel_loop3A_305 = vector.shape_cast %parallel_loop3A_300 : vector<16xf32> to vector<1x16xf32>
      tpu.vector_store %arg9[%parallel_loop3A_301, %parallel_loop3A_302], %parallel_loop3A_305 {strides = array<i32>} : memref<512x64xf32, #tpu.memory_space<vmem>>, vector<1x16xf32>,
      %parallel_loop3A_306 = arith.index_cast %parallel_loop3A_269 : i32 to index
      %parallel_loop3A_307 = arith.constant 48 : index
      %parallel_loop3A_308 = tpu.vector_load %arg9[%parallel_loop3A_306, %parallel_loop3A_307] {strides = array<i32>} : memref<512x64xf32, #tpu.memory_space<vmem>>, vector<1x16xf32>,
      %parallel_loop3A_309 = vector.shape_cast %parallel_loop3A_308 : vector<1x16xf32> to vector<16xf32>
      %parallel_loop3A_310 = arith.constant 8.000000e+00 : f32
      %parallel_loop3A_311 = vector.broadcast %parallel_loop3A_310 : f32 to vector<16xf32>
      %parallel_loop3A_312 = arith.mulf %parallel_loop3A_309, %parallel_loop3A_311 : vector<16xf32>
      %parallel_loop3A_313 = arith.index_cast %parallel_loop3A_269 : i32 to index
      %parallel_loop3A_314 = arith.constant 48 : index
      %parallel_loop3A_315 = tpu.vector_load %arg9[%parallel_loop3A_313, %parallel_loop3A_314] {strides = array<i32>} : memref<512x64xf32, #tpu.memory_space<vmem>>, vector<1x16xf32>,
      %parallel_loop3A_316 = vector.shape_cast %parallel_loop3A_315 : vector<1x16xf32> to vector<16xf32>
      %parallel_loop3A_317 = vector.shape_cast %parallel_loop3A_312 : vector<16xf32> to vector<1x16xf32>
      tpu.vector_store %arg9[%parallel_loop3A_313, %parallel_loop3A_314], %parallel_loop3A_317 {strides = array<i32>} : memref<512x64xf32, #tpu.memory_space<vmem>>, vector<1x16xf32>,
    } {sc.loop_unroll_factor = 8 : i64, sc.parallel_access}
    %add3A_168 = arith.constant 23552 : i32
    %add3A_169 = arith.addi %mul3A_2, %add3A_168 : i32
    %dma_start3A_170 = arith.constant 0 : i32
    %dma_start3A_171 = tpu.memref_slice %arg4[%add3A_169, %dma_start3A_170] : memref<819200x64xf32, #tpu.memory_space<hbm>> -> memref<512x64xf32, #tpu.memory_space<hbm>>
    %dma_start3A_172 = arith.constant 0 : i32
    %dma_start3A_173 = tpu.memref_slice %arg4[%add3A_169, %dma_start3A_172] : memref<819200x64xf32, #tpu.memory_space<hbm>> -> memref<512x64xf32, #tpu.memory_space<hbm>>
    tpu.enqueue_dma source(%arg9 : memref<512x64xf32, #tpu.memory_space<vmem>>) target(%dma_start3A_173 : memref<512x64xf32, #tpu.memory_space<hbm>>) target_semaphore(%arg15 : memref<!tpu.dma_semaphore, #tpu.memory_space<semaphore_mem>>)
    %dma_wait3A_174 = arith.constant 0 : i32
    %dma_wait3A_175 = arith.constant 0 : i32
    %dma_wait3A_176 = tpu.memref_slice %arg3[%dma_wait3A_174, %dma_wait3A_175] : memref<1000000x64xf32, #tpu.memory_space<hbm>> -> memref<512x64xf32, #tpu.memory_space<hbm>>
    %dma_wait3A_177 = arith.constant 0 : i32
    %dma_wait3A_178 = arith.constant 0 : i32
    %dma_wait3A_179 = tpu.memref_slice %arg3[%dma_wait3A_177, %dma_wait3A_178] : memref<1000000x64xf32, #tpu.memory_space<hbm>> -> memref<512x64xf32, #tpu.memory_space<hbm>>
    tpu.wait_dma2 semaphore(%arg13 : memref<!tpu.dma_semaphore, #tpu.memory_space<semaphore_mem>>) src(%dma_wait3A_179 : memref<512x64xf32, #tpu.memory_space<hbm>>) dst(%arg10 : memref<512x64xf32, #tpu.memory_space<vmem>>)
    %dma_wait3A_180 = arith.constant 0 : i32
    %dma_wait3A_181 = tpu.memref_slice %arg4[%mul3A_2, %dma_wait3A_180] : memref<819200x64xf32, #tpu.memory_space<hbm>> -> memref<512x64xf32, #tpu.memory_space<hbm>>
    %dma_wait3A_182 = arith.constant 0 : i32
    %dma_wait3A_183 = tpu.memref_slice %arg4[%mul3A_2, %dma_wait3A_182] : memref<819200x64xf32, #tpu.memory_space<hbm>> -> memref<512x64xf32, #tpu.memory_space<hbm>>
    tpu.wait_dma2 semaphore(%arg15 : memref<!tpu.dma_semaphore, #tpu.memory_space<semaphore_mem>>) src(%arg9 : memref<512x64xf32, #tpu.memory_space<vmem>>) dst(%dma_wait3A_183 : memref<512x64xf32, #tpu.memory_space<hbm>>)
    %add3A_184 = arith.constant 25088 : i32
    %add3A_185 = arith.addi %mul3A_2, %add3A_184 : i32
    "tpu.region"() ({
      %run_scoped3A = tpu.sem_alloc : memref<!tpu.dma_semaphore, #tpu.memory_space<semaphore_mem>>
      %dma_start3A_269 = tpu.memref_slice %arg2[%add3A_185] : memref<819200xi32, #tpu.memory_space<hbm>> -> memref<512xi32, #tpu.memory_space<hbm>>
      %dma_start3A_270 = tpu.memref_slice %arg2[%add3A_185] : memref<819200xi32, #tpu.memory_space<hbm>> -> memref<512xi32, #tpu.memory_space<hbm>>
      tpu.enqueue_dma source(%dma_start3A_270 : memref<512xi32, #tpu.memory_space<hbm>>) target(%arg6 : memref<512xi32, #tpu.memory_space<vmem>>) target_semaphore(%run_scoped3A : memref<!tpu.dma_semaphore, #tpu.memory_space<semaphore_mem>>)
      %dma_wait3A_271 = tpu.memref_slice %arg2[%add3A_185] : memref<819200xi32, #tpu.memory_space<hbm>> -> memref<512xi32, #tpu.memory_space<hbm>>
      %dma_wait3A_272 = tpu.memref_slice %arg2[%add3A_185] : memref<819200xi32, #tpu.memory_space<hbm>> -> memref<512xi32, #tpu.memory_space<hbm>>
      tpu.wait_dma2 semaphore(%run_scoped3A : memref<!tpu.dma_semaphore, #tpu.memory_space<semaphore_mem>>) src(%dma_wait3A_272 : memref<512xi32, #tpu.memory_space<hbm>>) dst(%arg6 : memref<512xi32, #tpu.memory_space<vmem>>)
      tpu.yield
    }) : () -> ()
    %dma_start3A_186 = arith.constant 0 : i32
    %dma_start3A_187 = arith.constant 0 : i32
    %dma_start3A_188 = tpu.memref_slice %arg9[%dma_start3A_186, %dma_start3A_187] : memref<512x64xf32, #tpu.memory_space<vmem>> -> memref<128x64xf32, #tpu.memory_space<vmem>>
    %dma_start3A_189 = arith.constant 0 : i32
    %dma_start3A_190 = tpu.memref_slice %arg6[%dma_start3A_189] : memref<512xi32, #tpu.memory_space<vmem>> -> memref<128xi32, #tpu.memory_space<vmem>>
    %dma_start3A_191 = arith.constant 0 : i32
    %dma_start3A_192 = arith.constant 0 : i32
    %dma_start3A_193 = tpu.memref_slice %arg3[%dma_start3A_191, %dma_start3A_192] : memref<1000000x64xf32, #tpu.memory_space<hbm>> -> memref<1000000x64xf32, #tpu.memory_space<hbm>>
    tpu.enqueue_indirect_dma source(%dma_start3A_193 : memref<1000000x64xf32, #tpu.memory_space<hbm>>) target(%dma_start3A_188 : memref<128x64xf32, #tpu.memory_space<vmem>>) offsets(%dma_start3A_190 : memref<128xi32, #tpu.memory_space<vmem>>) semaphore(%arg12 : memref<!tpu.dma_semaphore, #tpu.memory_space<semaphore_mem>>)
    %dma_start3A_194 = arith.constant 128 : i32
    %dma_start3A_195 = arith.constant 0 : i32
    %dma_start3A_196 = tpu.memref_slice %arg9[%dma_start3A_194, %dma_start3A_195] : memref<512x64xf32, #tpu.memory_space<vmem>> -> memref<128x64xf32, #tpu.memory_space<vmem>>
    %dma_start3A_197 = arith.constant 128 : i32
    %dma_start3A_198 = tpu.memref_slice %arg6[%dma_start3A_197] : memref<512xi32, #tpu.memory_space<vmem>> -> memref<128xi32, #tpu.memory_space<vmem>>
    %dma_start3A_199 = arith.constant 0 : i32
    %dma_start3A_200 = arith.constant 0 : i32
    %dma_start3A_201 = tpu.memref_slice %arg3[%dma_start3A_199, %dma_start3A_200] : memref<1000000x64xf32, #tpu.memory_space<hbm>> -> memref<1000000x64xf32, #tpu.memory_space<hbm>>
    tpu.enqueue_indirect_dma source(%dma_start3A_201 : memref<1000000x64xf32, #tpu.memory_space<hbm>>) target(%dma_start3A_196 : memref<128x64xf32, #tpu.memory_space<vmem>>) offsets(%dma_start3A_198 : memref<128xi32, #tpu.memory_space<vmem>>) semaphore(%arg12 : memref<!tpu.dma_semaphore, #tpu.memory_space<semaphore_mem>>)
    %dma_start3A_202 = arith.constant 256 : i32
    %dma_start3A_203 = arith.constant 0 : i32
    %dma_start3A_204 = tpu.memref_slice %arg9[%dma_start3A_202, %dma_start3A_203] : memref<512x64xf32, #tpu.memory_space<vmem>> -> memref<128x64xf32, #tpu.memory_space<vmem>>
    %dma_start3A_205 = arith.constant 256 : i32
    %dma_start3A_206 = tpu.memref_slice %arg6[%dma_start3A_205] : memref<512xi32, #tpu.memory_space<vmem>> -> memref<128xi32, #tpu.memory_space<vmem>>
    %dma_start3A_207 = arith.constant 0 : i32
    %dma_start3A_208 = arith.constant 0 : i32
    %dma_start3A_209 = tpu.memref_slice %arg3[%dma_start3A_207, %dma_start3A_208] : memref<1000000x64xf32, #tpu.memory_space<hbm>> -> memref<1000000x64xf32, #tpu.memory_space<hbm>>
    tpu.enqueue_indirect_dma source(%dma_start3A_209 : memref<1000000x64xf32, #tpu.memory_space<hbm>>) target(%dma_start3A_204 : memref<128x64xf32, #tpu.memory_space<vmem>>) offsets(%dma_start3A_206 : memref<128xi32, #tpu.memory_space<vmem>>) semaphore(%arg12 : memref<!tpu.dma_semaphore, #tpu.memory_space<semaphore_mem>>)
    %dma_start3A_210 = arith.constant 384 : i32
    %dma_start3A_211 = arith.constant 0 : i32
    %dma_start3A_212 = tpu.memref_slice %arg9[%dma_start3A_210, %dma_start3A_211] : memref<512x64xf32, #tpu.memory_space<vmem>> -> memref<128x64xf32, #tpu.memory_space<vmem>>
    %dma_start3A_213 = arith.constant 384 : i32
    %dma_start3A_214 = tpu.memref_slice %arg6[%dma_start3A_213] : memref<512xi32, #tpu.memory_space<vmem>> -> memref<128xi32, #tpu.memory_space<vmem>>
    %dma_start3A_215 = arith.constant 0 : i32
    %dma_start3A_216 = arith.constant 0 : i32
    %dma_start3A_217 = tpu.memref_slice %arg3[%dma_start3A_215, %dma_start3A_216] : memref<1000000x64xf32, #tpu.memory_space<hbm>> -> memref<1000000x64xf32, #tpu.memory_space<hbm>>
    tpu.enqueue_indirect_dma source(%dma_start3A_217 : memref<1000000x64xf32, #tpu.memory_space<hbm>>) target(%dma_start3A_212 : memref<128x64xf32, #tpu.memory_space<vmem>>) offsets(%dma_start3A_214 : memref<128xi32, #tpu.memory_space<vmem>>) semaphore(%arg12 : memref<!tpu.dma_semaphore, #tpu.memory_space<semaphore_mem>>)
    %parallel_loop3A_218 = arith.constant 0 : i32
    %parallel_loop3A_219 = arith.constant 512 : i32
    %parallel_loop3A_220 = arith.constant 1 : i32
    scf.for %parallel_loop3A_269 = %parallel_loop3A_218 to %parallel_loop3A_219 step %parallel_loop3A_220  : i32 {
      %parallel_loop3A_270 = arith.index_cast %parallel_loop3A_269 : i32 to index
      %parallel_loop3A_271 = arith.constant 0 : index
      %parallel_loop3A_272 = tpu.vector_load %arg10[%parallel_loop3A_270, %parallel_loop3A_271] {strides = array<i32>} : memref<512x64xf32, #tpu.memory_space<vmem>>, vector<1x16xf32>,
      %parallel_loop3A_273 = vector.shape_cast %parallel_loop3A_272 : vector<1x16xf32> to vector<16xf32>
      %parallel_loop3A_274 = arith.constant 8.000000e+00 : f32
      %parallel_loop3A_275 = vector.broadcast %parallel_loop3A_274 : f32 to vector<16xf32>
      %parallel_loop3A_276 = arith.mulf %parallel_loop3A_273, %parallel_loop3A_275 : vector<16xf32>
      %parallel_loop3A_277 = arith.index_cast %parallel_loop3A_269 : i32 to index
      %parallel_loop3A_278 = arith.constant 0 : index
      %parallel_loop3A_279 = tpu.vector_load %arg10[%parallel_loop3A_277, %parallel_loop3A_278] {strides = array<i32>} : memref<512x64xf32, #tpu.memory_space<vmem>>, vector<1x16xf32>,
      %parallel_loop3A_280 = vector.shape_cast %parallel_loop3A_279 : vector<1x16xf32> to vector<16xf32>
      %parallel_loop3A_281 = vector.shape_cast %parallel_loop3A_276 : vector<16xf32> to vector<1x16xf32>
      tpu.vector_store %arg10[%parallel_loop3A_277, %parallel_loop3A_278], %parallel_loop3A_281 {strides = array<i32>} : memref<512x64xf32, #tpu.memory_space<vmem>>, vector<1x16xf32>,
      %parallel_loop3A_282 = arith.index_cast %parallel_loop3A_269 : i32 to index
      %parallel_loop3A_283 = arith.constant 16 : index
      %parallel_loop3A_284 = tpu.vector_load %arg10[%parallel_loop3A_282, %parallel_loop3A_283] {strides = array<i32>} : memref<512x64xf32, #tpu.memory_space<vmem>>, vector<1x16xf32>,
      %parallel_loop3A_285 = vector.shape_cast %parallel_loop3A_284 : vector<1x16xf32> to vector<16xf32>
      %parallel_loop3A_286 = arith.constant 8.000000e+00 : f32
      %parallel_loop3A_287 = vector.broadcast %parallel_loop3A_286 : f32 to vector<16xf32>
      %parallel_loop3A_288 = arith.mulf %parallel_loop3A_285, %parallel_loop3A_287 : vector<16xf32>
      %parallel_loop3A_289 = arith.index_cast %parallel_loop3A_269 : i32 to index
      %parallel_loop3A_290 = arith.constant 16 : index
      %parallel_loop3A_291 = tpu.vector_load %arg10[%parallel_loop3A_289, %parallel_loop3A_290] {strides = array<i32>} : memref<512x64xf32, #tpu.memory_space<vmem>>, vector<1x16xf32>,
      %parallel_loop3A_292 = vector.shape_cast %parallel_loop3A_291 : vector<1x16xf32> to vector<16xf32>
      %parallel_loop3A_293 = vector.shape_cast %parallel_loop3A_288 : vector<16xf32> to vector<1x16xf32>
      tpu.vector_store %arg10[%parallel_loop3A_289, %parallel_loop3A_290], %parallel_loop3A_293 {strides = array<i32>} : memref<512x64xf32, #tpu.memory_space<vmem>>, vector<1x16xf32>,
      %parallel_loop3A_294 = arith.index_cast %parallel_loop3A_269 : i32 to index
      %parallel_loop3A_295 = arith.constant 32 : index
      %parallel_loop3A_296 = tpu.vector_load %arg10[%parallel_loop3A_294, %parallel_loop3A_295] {strides = array<i32>} : memref<512x64xf32, #tpu.memory_space<vmem>>, vector<1x16xf32>,
      %parallel_loop3A_297 = vector.shape_cast %parallel_loop3A_296 : vector<1x16xf32> to vector<16xf32>
      %parallel_loop3A_298 = arith.constant 8.000000e+00 : f32
      %parallel_loop3A_299 = vector.broadcast %parallel_loop3A_298 : f32 to vector<16xf32>
      %parallel_loop3A_300 = arith.mulf %parallel_loop3A_297, %parallel_loop3A_299 : vector<16xf32>
      %parallel_loop3A_301 = arith.index_cast %parallel_loop3A_269 : i32 to index
      %parallel_loop3A_302 = arith.constant 32 : index
      %parallel_loop3A_303 = tpu.vector_load %arg10[%parallel_loop3A_301, %parallel_loop3A_302] {strides = array<i32>} : memref<512x64xf32, #tpu.memory_space<vmem>>, vector<1x16xf32>,
      %parallel_loop3A_304 = vector.shape_cast %parallel_loop3A_303 : vector<1x16xf32> to vector<16xf32>
      %parallel_loop3A_305 = vector.shape_cast %parallel_loop3A_300 : vector<16xf32> to vector<1x16xf32>
      tpu.vector_store %arg10[%parallel_loop3A_301, %parallel_loop3A_302], %parallel_loop3A_305 {strides = array<i32>} : memref<512x64xf32, #tpu.memory_space<vmem>>, vector<1x16xf32>,
      %parallel_loop3A_306 = arith.index_cast %parallel_loop3A_269 : i32 to index
      %parallel_loop3A_307 = arith.constant 48 : index
      %parallel_loop3A_308 = tpu.vector_load %arg10[%parallel_loop3A_306, %parallel_loop3A_307] {strides = array<i32>} : memref<512x64xf32, #tpu.memory_space<vmem>>, vector<1x16xf32>,
      %parallel_loop3A_309 = vector.shape_cast %parallel_loop3A_308 : vector<1x16xf32> to vector<16xf32>
      %parallel_loop3A_310 = arith.constant 8.000000e+00 : f32
      %parallel_loop3A_311 = vector.broadcast %parallel_loop3A_310 : f32 to vector<16xf32>
      %parallel_loop3A_312 = arith.mulf %parallel_loop3A_309, %parallel_loop3A_311 : vector<16xf32>
      %parallel_loop3A_313 = arith.index_cast %parallel_loop3A_269 : i32 to index
      %parallel_loop3A_314 = arith.constant 48 : index
      %parallel_loop3A_315 = tpu.vector_load %arg10[%parallel_loop3A_313, %parallel_loop3A_314] {strides = array<i32>} : memref<512x64xf32, #tpu.memory_space<vmem>>, vector<1x16xf32>,
      %parallel_loop3A_316 = vector.shape_cast %parallel_loop3A_315 : vector<1x16xf32> to vector<16xf32>
      %parallel_loop3A_317 = vector.shape_cast %parallel_loop3A_312 : vector<16xf32> to vector<1x16xf32>
      tpu.vector_store %arg10[%parallel_loop3A_313, %parallel_loop3A_314], %parallel_loop3A_317 {strides = array<i32>} : memref<512x64xf32, #tpu.memory_space<vmem>>, vector<1x16xf32>,
    } {sc.loop_unroll_factor = 8 : i64, sc.parallel_access}
    %add3A_221 = arith.constant 24064 : i32
    %add3A_222 = arith.addi %mul3A_2, %add3A_221 : i32
    %dma_start3A_223 = arith.constant 0 : i32
    %dma_start3A_224 = tpu.memref_slice %arg4[%add3A_222, %dma_start3A_223] : memref<819200x64xf32, #tpu.memory_space<hbm>> -> memref<512x64xf32, #tpu.memory_space<hbm>>
    %dma_start3A_225 = arith.constant 0 : i32
    %dma_start3A_226 = tpu.memref_slice %arg4[%add3A_222, %dma_start3A_225] : memref<819200x64xf32, #tpu.memory_space<hbm>> -> memref<512x64xf32, #tpu.memory_space<hbm>>
    tpu.enqueue_dma source(%arg10 : memref<512x64xf32, #tpu.memory_space<vmem>>) target(%dma_start3A_226 : memref<512x64xf32, #tpu.memory_space<hbm>>) target_semaphore(%arg16 : memref<!tpu.dma_semaphore, #tpu.memory_space<semaphore_mem>>)
    %dma_wait3A_227 = arith.constant 0 : i32
    %dma_wait3A_228 = arith.constant 0 : i32
    %dma_wait3A_229 = tpu.memref_slice %arg3[%dma_wait3A_227, %dma_wait3A_228] : memref<1000000x64xf32, #tpu.memory_space<hbm>> -> memref<512x64xf32, #tpu.memory_space<hbm>>
    %dma_wait3A_230 = arith.constant 0 : i32
    %dma_wait3A_231 = arith.constant 0 : i32
    %dma_wait3A_232 = tpu.memref_slice %arg3[%dma_wait3A_230, %dma_wait3A_231] : memref<1000000x64xf32, #tpu.memory_space<hbm>> -> memref<512x64xf32, #tpu.memory_space<hbm>>
    tpu.wait_dma2 semaphore(%arg11 : memref<!tpu.dma_semaphore, #tpu.memory_space<semaphore_mem>>) src(%dma_wait3A_232 : memref<512x64xf32, #tpu.memory_space<hbm>>) dst(%arg8 : memref<512x64xf32, #tpu.memory_space<vmem>>)
    %parallel_loop3A_233 = arith.constant 0 : i32
    %parallel_loop3A_234 = arith.constant 512 : i32
    %parallel_loop3A_235 = arith.constant 1 : i32
    scf.for %parallel_loop3A_269 = %parallel_loop3A_233 to %parallel_loop3A_234 step %parallel_loop3A_235  : i32 {
      %parallel_loop3A_270 = arith.index_cast %parallel_loop3A_269 : i32 to index
      %parallel_loop3A_271 = arith.constant 0 : index
      %parallel_loop3A_272 = tpu.vector_load %arg8[%parallel_loop3A_270, %parallel_loop3A_271] {strides = array<i32>} : memref<512x64xf32, #tpu.memory_space<vmem>>, vector<1x16xf32>,
      %parallel_loop3A_273 = vector.shape_cast %parallel_loop3A_272 : vector<1x16xf32> to vector<16xf32>
      %parallel_loop3A_274 = arith.constant 8.000000e+00 : f32
      %parallel_loop3A_275 = vector.broadcast %parallel_loop3A_274 : f32 to vector<16xf32>
      %parallel_loop3A_276 = arith.mulf %parallel_loop3A_273, %parallel_loop3A_275 : vector<16xf32>
      %parallel_loop3A_277 = arith.index_cast %parallel_loop3A_269 : i32 to index
      %parallel_loop3A_278 = arith.constant 0 : index
      %parallel_loop3A_279 = tpu.vector_load %arg8[%parallel_loop3A_277, %parallel_loop3A_278] {strides = array<i32>} : memref<512x64xf32, #tpu.memory_space<vmem>>, vector<1x16xf32>,
      %parallel_loop3A_280 = vector.shape_cast %parallel_loop3A_279 : vector<1x16xf32> to vector<16xf32>
      %parallel_loop3A_281 = vector.shape_cast %parallel_loop3A_276 : vector<16xf32> to vector<1x16xf32>
      tpu.vector_store %arg8[%parallel_loop3A_277, %parallel_loop3A_278], %parallel_loop3A_281 {strides = array<i32>} : memref<512x64xf32, #tpu.memory_space<vmem>>, vector<1x16xf32>,
      %parallel_loop3A_282 = arith.index_cast %parallel_loop3A_269 : i32 to index
      %parallel_loop3A_283 = arith.constant 16 : index
      %parallel_loop3A_284 = tpu.vector_load %arg8[%parallel_loop3A_282, %parallel_loop3A_283] {strides = array<i32>} : memref<512x64xf32, #tpu.memory_space<vmem>>, vector<1x16xf32>,
      %parallel_loop3A_285 = vector.shape_cast %parallel_loop3A_284 : vector<1x16xf32> to vector<16xf32>
      %parallel_loop3A_286 = arith.constant 8.000000e+00 : f32
      %parallel_loop3A_287 = vector.broadcast %parallel_loop3A_286 : f32 to vector<16xf32>
      %parallel_loop3A_288 = arith.mulf %parallel_loop3A_285, %parallel_loop3A_287 : vector<16xf32>
      %parallel_loop3A_289 = arith.index_cast %parallel_loop3A_269 : i32 to index
      %parallel_loop3A_290 = arith.constant 16 : index
      %parallel_loop3A_291 = tpu.vector_load %arg8[%parallel_loop3A_289, %parallel_loop3A_290] {strides = array<i32>} : memref<512x64xf32, #tpu.memory_space<vmem>>, vector<1x16xf32>,
      %parallel_loop3A_292 = vector.shape_cast %parallel_loop3A_291 : vector<1x16xf32> to vector<16xf32>
      %parallel_loop3A_293 = vector.shape_cast %parallel_loop3A_288 : vector<16xf32> to vector<1x16xf32>
      tpu.vector_store %arg8[%parallel_loop3A_289, %parallel_loop3A_290], %parallel_loop3A_293 {strides = array<i32>} : memref<512x64xf32, #tpu.memory_space<vmem>>, vector<1x16xf32>,
      %parallel_loop3A_294 = arith.index_cast %parallel_loop3A_269 : i32 to index
      %parallel_loop3A_295 = arith.constant 32 : index
      %parallel_loop3A_296 = tpu.vector_load %arg8[%parallel_loop3A_294, %parallel_loop3A_295] {strides = array<i32>} : memref<512x64xf32, #tpu.memory_space<vmem>>, vector<1x16xf32>,
      %parallel_loop3A_297 = vector.shape_cast %parallel_loop3A_296 : vector<1x16xf32> to vector<16xf32>
      %parallel_loop3A_298 = arith.constant 8.000000e+00 : f32
      %parallel_loop3A_299 = vector.broadcast %parallel_loop3A_298 : f32 to vector<16xf32>
      %parallel_loop3A_300 = arith.mulf %parallel_loop3A_297, %parallel_loop3A_299 : vector<16xf32>
      %parallel_loop3A_301 = arith.index_cast %parallel_loop3A_269 : i32 to index
      %parallel_loop3A_302 = arith.constant 32 : index
      %parallel_loop3A_303 = tpu.vector_load %arg8[%parallel_loop3A_301, %parallel_loop3A_302] {strides = array<i32>} : memref<512x64xf32, #tpu.memory_space<vmem>>, vector<1x16xf32>,
      %parallel_loop3A_304 = vector.shape_cast %parallel_loop3A_303 : vector<1x16xf32> to vector<16xf32>
      %parallel_loop3A_305 = vector.shape_cast %parallel_loop3A_300 : vector<16xf32> to vector<1x16xf32>
      tpu.vector_store %arg8[%parallel_loop3A_301, %parallel_loop3A_302], %parallel_loop3A_305 {strides = array<i32>} : memref<512x64xf32, #tpu.memory_space<vmem>>, vector<1x16xf32>,
      %parallel_loop3A_306 = arith.index_cast %parallel_loop3A_269 : i32 to index
      %parallel_loop3A_307 = arith.constant 48 : index
      %parallel_loop3A_308 = tpu.vector_load %arg8[%parallel_loop3A_306, %parallel_loop3A_307] {strides = array<i32>} : memref<512x64xf32, #tpu.memory_space<vmem>>, vector<1x16xf32>,
      %parallel_loop3A_309 = vector.shape_cast %parallel_loop3A_308 : vector<1x16xf32> to vector<16xf32>
      %parallel_loop3A_310 = arith.constant 8.000000e+00 : f32
      %parallel_loop3A_311 = vector.broadcast %parallel_loop3A_310 : f32 to vector<16xf32>
      %parallel_loop3A_312 = arith.mulf %parallel_loop3A_309, %parallel_loop3A_311 : vector<16xf32>
      %parallel_loop3A_313 = arith.index_cast %parallel_loop3A_269 : i32 to index
      %parallel_loop3A_314 = arith.constant 48 : index
      %parallel_loop3A_315 = tpu.vector_load %arg8[%parallel_loop3A_313, %parallel_loop3A_314] {strides = array<i32>} : memref<512x64xf32, #tpu.memory_space<vmem>>, vector<1x16xf32>,
      %parallel_loop3A_316 = vector.shape_cast %parallel_loop3A_315 : vector<1x16xf32> to vector<16xf32>
      %parallel_loop3A_317 = vector.shape_cast %parallel_loop3A_312 : vector<16xf32> to vector<1x16xf32>
      tpu.vector_store %arg8[%parallel_loop3A_313, %parallel_loop3A_314], %parallel_loop3A_317 {strides = array<i32>} : memref<512x64xf32, #tpu.memory_space<vmem>>, vector<1x16xf32>,
    } {sc.loop_unroll_factor = 8 : i64, sc.parallel_access}
    %add3A_236 = arith.constant 24576 : i32
    %add3A_237 = arith.addi %mul3A_2, %add3A_236 : i32
    %dma_start3A_238 = arith.constant 0 : i32
    %dma_start3A_239 = tpu.memref_slice %arg4[%add3A_237, %dma_start3A_238] : memref<819200x64xf32, #tpu.memory_space<hbm>> -> memref<512x64xf32, #tpu.memory_space<hbm>>
    %dma_start3A_240 = arith.constant 0 : i32
    %dma_start3A_241 = tpu.memref_slice %arg4[%add3A_237, %dma_start3A_240] : memref<819200x64xf32, #tpu.memory_space<hbm>> -> memref<512x64xf32, #tpu.memory_space<hbm>>
    tpu.enqueue_dma source(%arg8 : memref<512x64xf32, #tpu.memory_space<vmem>>) target(%dma_start3A_241 : memref<512x64xf32, #tpu.memory_space<hbm>>) target_semaphore(%arg14 : memref<!tpu.dma_semaphore, #tpu.memory_space<semaphore_mem>>)
    %dma_wait3A_242 = arith.constant 0 : i32
    %dma_wait3A_243 = arith.constant 0 : i32
    %dma_wait3A_244 = tpu.memref_slice %arg3[%dma_wait3A_242, %dma_wait3A_243] : memref<1000000x64xf32, #tpu.memory_space<hbm>> -> memref<512x64xf32, #tpu.memory_space<hbm>>
    %dma_wait3A_245 = arith.constant 0 : i32
    %dma_wait3A_246 = arith.constant 0 : i32
    %dma_wait3A_247 = tpu.memref_slice %arg3[%dma_wait3A_245, %dma_wait3A_246] : memref<1000000x64xf32, #tpu.memory_space<hbm>> -> memref<512x64xf32, #tpu.memory_space<hbm>>
    tpu.wait_dma2 semaphore(%arg12 : memref<!tpu.dma_semaphore, #tpu.memory_space<semaphore_mem>>) src(%dma_wait3A_247 : memref<512x64xf32, #tpu.memory_space<hbm>>) dst(%arg9 : memref<512x64xf32, #tpu.memory_space<vmem>>)
    %parallel_loop3A_248 = arith.constant 0 : i32
    %parallel_loop3A_249 = arith.constant 512 : i32
    %parallel_loop3A_250 = arith.constant 1 : i32
    scf.for %parallel_loop3A_269 = %parallel_loop3A_248 to %parallel_loop3A_249 step %parallel_loop3A_250  : i32 {
      %parallel_loop3A_270 = arith.index_cast %parallel_loop3A_269 : i32 to index
      %parallel_loop3A_271 = arith.constant 0 : index
      %parallel_loop3A_272 = tpu.vector_load %arg9[%parallel_loop3A_270, %parallel_loop3A_271] {strides = array<i32>} : memref<512x64xf32, #tpu.memory_space<vmem>>, vector<1x16xf32>,
      %parallel_loop3A_273 = vector.shape_cast %parallel_loop3A_272 : vector<1x16xf32> to vector<16xf32>
      %parallel_loop3A_274 = arith.constant 8.000000e+00 : f32
      %parallel_loop3A_275 = vector.broadcast %parallel_loop3A_274 : f32 to vector<16xf32>
      %parallel_loop3A_276 = arith.mulf %parallel_loop3A_273, %parallel_loop3A_275 : vector<16xf32>
      %parallel_loop3A_277 = arith.index_cast %parallel_loop3A_269 : i32 to index
      %parallel_loop3A_278 = arith.constant 0 : index
      %parallel_loop3A_279 = tpu.vector_load %arg9[%parallel_loop3A_277, %parallel_loop3A_278] {strides = array<i32>} : memref<512x64xf32, #tpu.memory_space<vmem>>, vector<1x16xf32>,
      %parallel_loop3A_280 = vector.shape_cast %parallel_loop3A_279 : vector<1x16xf32> to vector<16xf32>
      %parallel_loop3A_281 = vector.shape_cast %parallel_loop3A_276 : vector<16xf32> to vector<1x16xf32>
      tpu.vector_store %arg9[%parallel_loop3A_277, %parallel_loop3A_278], %parallel_loop3A_281 {strides = array<i32>} : memref<512x64xf32, #tpu.memory_space<vmem>>, vector<1x16xf32>,
      %parallel_loop3A_282 = arith.index_cast %parallel_loop3A_269 : i32 to index
      %parallel_loop3A_283 = arith.constant 16 : index
      %parallel_loop3A_284 = tpu.vector_load %arg9[%parallel_loop3A_282, %parallel_loop3A_283] {strides = array<i32>} : memref<512x64xf32, #tpu.memory_space<vmem>>, vector<1x16xf32>,
      %parallel_loop3A_285 = vector.shape_cast %parallel_loop3A_284 : vector<1x16xf32> to vector<16xf32>
      %parallel_loop3A_286 = arith.constant 8.000000e+00 : f32
      %parallel_loop3A_287 = vector.broadcast %parallel_loop3A_286 : f32 to vector<16xf32>
      %parallel_loop3A_288 = arith.mulf %parallel_loop3A_285, %parallel_loop3A_287 : vector<16xf32>
      %parallel_loop3A_289 = arith.index_cast %parallel_loop3A_269 : i32 to index
      %parallel_loop3A_290 = arith.constant 16 : index
      %parallel_loop3A_291 = tpu.vector_load %arg9[%parallel_loop3A_289, %parallel_loop3A_290] {strides = array<i32>} : memref<512x64xf32, #tpu.memory_space<vmem>>, vector<1x16xf32>,
      %parallel_loop3A_292 = vector.shape_cast %parallel_loop3A_291 : vector<1x16xf32> to vector<16xf32>
      %parallel_loop3A_293 = vector.shape_cast %parallel_loop3A_288 : vector<16xf32> to vector<1x16xf32>
      tpu.vector_store %arg9[%parallel_loop3A_289, %parallel_loop3A_290], %parallel_loop3A_293 {strides = array<i32>} : memref<512x64xf32, #tpu.memory_space<vmem>>, vector<1x16xf32>,
      %parallel_loop3A_294 = arith.index_cast %parallel_loop3A_269 : i32 to index
      %parallel_loop3A_295 = arith.constant 32 : index
      %parallel_loop3A_296 = tpu.vector_load %arg9[%parallel_loop3A_294, %parallel_loop3A_295] {strides = array<i32>} : memref<512x64xf32, #tpu.memory_space<vmem>>, vector<1x16xf32>,
      %parallel_loop3A_297 = vector.shape_cast %parallel_loop3A_296 : vector<1x16xf32> to vector<16xf32>
      %parallel_loop3A_298 = arith.constant 8.000000e+00 : f32
      %parallel_loop3A_299 = vector.broadcast %parallel_loop3A_298 : f32 to vector<16xf32>
      %parallel_loop3A_300 = arith.mulf %parallel_loop3A_297, %parallel_loop3A_299 : vector<16xf32>
      %parallel_loop3A_301 = arith.index_cast %parallel_loop3A_269 : i32 to index
      %parallel_loop3A_302 = arith.constant 32 : index
      %parallel_loop3A_303 = tpu.vector_load %arg9[%parallel_loop3A_301, %parallel_loop3A_302] {strides = array<i32>} : memref<512x64xf32, #tpu.memory_space<vmem>>, vector<1x16xf32>,
      %parallel_loop3A_304 = vector.shape_cast %parallel_loop3A_303 : vector<1x16xf32> to vector<16xf32>
      %parallel_loop3A_305 = vector.shape_cast %parallel_loop3A_300 : vector<16xf32> to vector<1x16xf32>
      tpu.vector_store %arg9[%parallel_loop3A_301, %parallel_loop3A_302], %parallel_loop3A_305 {strides = array<i32>} : memref<512x64xf32, #tpu.memory_space<vmem>>, vector<1x16xf32>,
      %parallel_loop3A_306 = arith.index_cast %parallel_loop3A_269 : i32 to index
      %parallel_loop3A_307 = arith.constant 48 : index
      %parallel_loop3A_308 = tpu.vector_load %arg9[%parallel_loop3A_306, %parallel_loop3A_307] {strides = array<i32>} : memref<512x64xf32, #tpu.memory_space<vmem>>, vector<1x16xf32>,
      %parallel_loop3A_309 = vector.shape_cast %parallel_loop3A_308 : vector<1x16xf32> to vector<16xf32>
      %parallel_loop3A_310 = arith.constant 8.000000e+00 : f32
      %parallel_loop3A_311 = vector.broadcast %parallel_loop3A_310 : f32 to vector<16xf32>
      %parallel_loop3A_312 = arith.mulf %parallel_loop3A_309, %parallel_loop3A_311 : vector<16xf32>
      %parallel_loop3A_313 = arith.index_cast %parallel_loop3A_269 : i32 to index
      %parallel_loop3A_314 = arith.constant 48 : index
      %parallel_loop3A_315 = tpu.vector_load %arg9[%parallel_loop3A_313, %parallel_loop3A_314] {strides = array<i32>} : memref<512x64xf32, #tpu.memory_space<vmem>>, vector<1x16xf32>,
      %parallel_loop3A_316 = vector.shape_cast %parallel_loop3A_315 : vector<1x16xf32> to vector<16xf32>
      %parallel_loop3A_317 = vector.shape_cast %parallel_loop3A_312 : vector<16xf32> to vector<1x16xf32>
      tpu.vector_store %arg9[%parallel_loop3A_313, %parallel_loop3A_314], %parallel_loop3A_317 {strides = array<i32>} : memref<512x64xf32, #tpu.memory_space<vmem>>, vector<1x16xf32>,
    } {sc.loop_unroll_factor = 8 : i64, sc.parallel_access}
    %add3A_251 = arith.constant 25088 : i32
    %add3A_252 = arith.addi %mul3A_2, %add3A_251 : i32
    %dma_start3A_253 = arith.constant 0 : i32
    %dma_start3A_254 = tpu.memref_slice %arg4[%add3A_252, %dma_start3A_253] : memref<819200x64xf32, #tpu.memory_space<hbm>> -> memref<512x64xf32, #tpu.memory_space<hbm>>
    %dma_start3A_255 = arith.constant 0 : i32
    %dma_start3A_256 = tpu.memref_slice %arg4[%add3A_252, %dma_start3A_255] : memref<819200x64xf32, #tpu.memory_space<hbm>> -> memref<512x64xf32, #tpu.memory_space<hbm>>
    tpu.enqueue_dma source(%arg9 : memref<512x64xf32, #tpu.memory_space<vmem>>) target(%dma_start3A_256 : memref<512x64xf32, #tpu.memory_space<hbm>>) target_semaphore(%arg15 : memref<!tpu.dma_semaphore, #tpu.memory_space<semaphore_mem>>)
    %dma_wait3A_257 = arith.constant 0 : i32
    %dma_wait3A_258 = tpu.memref_slice %arg4[%mul3A_2, %dma_wait3A_257] : memref<819200x64xf32, #tpu.memory_space<hbm>> -> memref<512x64xf32, #tpu.memory_space<hbm>>
    %dma_wait3A_259 = arith.constant 0 : i32
    %dma_wait3A_260 = tpu.memref_slice %arg4[%mul3A_2, %dma_wait3A_259] : memref<819200x64xf32, #tpu.memory_space<hbm>> -> memref<512x64xf32, #tpu.memory_space<hbm>>
    tpu.wait_dma2 semaphore(%arg16 : memref<!tpu.dma_semaphore, #tpu.memory_space<semaphore_mem>>) src(%arg10 : memref<512x64xf32, #tpu.memory_space<vmem>>) dst(%dma_wait3A_260 : memref<512x64xf32, #tpu.memory_space<hbm>>)
    %dma_wait3A_261 = arith.constant 0 : i32
    %dma_wait3A_262 = tpu.memref_slice %arg4[%mul3A_2, %dma_wait3A_261] : memref<819200x64xf32, #tpu.memory_space<hbm>> -> memref<512x64xf32, #tpu.memory_space<hbm>>
    %dma_wait3A_263 = arith.constant 0 : i32
    %dma_wait3A_264 = tpu.memref_slice %arg4[%mul3A_2, %dma_wait3A_263] : memref<819200x64xf32, #tpu.memory_space<hbm>> -> memref<512x64xf32, #tpu.memory_space<hbm>>
    tpu.wait_dma2 semaphore(%arg14 : memref<!tpu.dma_semaphore, #tpu.memory_space<semaphore_mem>>) src(%arg8 : memref<512x64xf32, #tpu.memory_space<vmem>>) dst(%dma_wait3A_264 : memref<512x64xf32, #tpu.memory_space<hbm>>)
    %dma_wait3A_265 = arith.constant 0 : i32
    %dma_wait3A_266 = tpu.memref_slice %arg4[%mul3A_2, %dma_wait3A_265] : memref<819200x64xf32, #tpu.memory_space<hbm>> -> memref<512x64xf32, #tpu.memory_space<hbm>>
    %dma_wait3A_267 = arith.constant 0 : i32
    %dma_wait3A_268 = tpu.memref_slice %arg4[%mul3A_2, %dma_wait3A_267] : memref<819200x64xf32, #tpu.memory_space<hbm>> -> memref<512x64xf32, #tpu.memory_space<hbm>>
    tpu.wait_dma2 semaphore(%arg15 : memref<!tpu.dma_semaphore, #tpu.memory_space<semaphore_mem>>) src(%arg9 : memref<512x64xf32, #tpu.memory_space<vmem>>) dst(%dma_wait3A_268 : memref<512x64xf32, #tpu.memory_space<hbm>>)
    return
  }
}

</mosaic_0001>

<sc_bundles>
// kernel: kernel.3.cloned.1.call-start
scs
__scs_entry_jumppad:
0x0: {  	(pc) =	sbr.rel $0x88, $3  }
0x1: {  	(tag) =	ssettag $0x0;
	lr =	simm.s32 $0x1  }
0x2: {  	[smem:$0x3F9F] =	sst lr;
	_ =	strace $0xD0000000  }
0x3: {  	_ = 	snop  }
0x4: {  	_ = 	snop  }
0x5: {  	_ = 	snop  }
0x6: {  	_ = 	snop  }
0x7: {  	_ = 	snop  }
__scs_overlays_trampoline_lowered:
0x8: {  	[smem:$0x3FAE] =	sst s0  }
0x9: {  	[smem:$0x3FAF] =	sst s1  }
0xa: {  	[smem:$0x3FB0] =	sst s2  }
0xb: {  	[smem:$0x3FB1] =	sst s3  }
0xc: {  	[smem:$0x3FB2] =	sst s4  }
0xd: {  	[smem:$0x3FB3] =	sst s5  }
0xe: {  	[smem:$0x3FB4] =	sst s6  }
0xf: {  	[smem:$0x3FB5] =	sst s7  }
0x10: {  	[smem:$0x3FB6] =	sst s8  }
0x11: {  	[smem:$0x3FB7] =	sst s9;
	s0 =	simm.s32 @!p0 $0x0  }
0x12: {  	s1 =	sld [smem:$0x3F9D];
	s0 =	simm.s32 @p0 $0x1  }
0x13: {  	[smem:$0x3FB8] =	sst s0;
	s0 =	simm.s32 @!p1 $0x0  }
0x14: {  	s2 =	sld [smem:$0x3F9C];
	s0 =	simm.s32 @p1 $0x1  }
0x15: {  	[smem:$0x3FB9] =	sst s0;
	s0 =	simm.s32 @!p2 $0x0  }
0x16: {  	s3 =	sld [smem:$0x3FDB];
	s0 =	simm.s32 @p2 $0x1  }
0x17: {  	s4 =	simm.s32 $0x1BF5;
	[smem:$0x3FBB] =	sst s0  }
0x18: {  	s0 =	sld [smem:$0x3F9E];
	_ =	swait.ge [sflag:s4], $0x0  }
0x19: {  	s7 =	sld [smem:$0x3F9F]  }
0x1a: {  	s8 =	sadd.s32 $0xFFFFE003, lr  }
0x1b: {  	s9 =	sadd.s32 $0xFFFFFEF7, lr;
	s5 =	simm.s32 $0xFFFFFFFF;
	p2 =	slt.u32 s8, $0xFFFFF086  }
0x1c: {  	p1 =	slt.u32 s9, $0xF7A;
	s5 =	simm.s32 @!p2 $0x0  }
0x1d: {  	s5 =	simm.s32 @p1 $0x1;
	p0 =	seq.s32 s7, s2  }
0x1e: {  	s7 =	smul.u32 @!p0 $0xF7A, s2;
	p2 =	seq.s32 @!p0 s5, $0x0  }
0x1f: {  	s9 =	smul.u32 $0xF7A, s1;
	s8 =	simm.s32 @!p0 $0x1BF5;
	p2 =	por !p2, p0  }
0x20: {  	[sflag:s8] =	ssyncset.s32 @!p0 $0xFFFFF086;
	s6 =	sadd.s32 @!p0 s3, s7;
	s7 =	simm.s32 @!p0 $0x108  }
0x21: {  	s3 =	sadd.s32 s3, s9;
	s6 =	sadd.s32 @!p0 $0x88, s6;
	s7 =	simm.s32 @p2 $0x1082  }
0x22: {  	[simem:s7], [sflag:s8] =	dma.local @!p0 [hbm:s6], $0xF7A  }
0x23: {  	s9 =	sor.u32 $0xD0000000, s2;
	s6 =	simm.s32 $0x108;
	_ =	swait.ge @!p0 [sflag:s8], $0x0  }
0x24: {  	s3 =	sadd.s32 $0x88, s3;
	s6 =	simm.s32 @!p1 $0x1082;
	[sflag:s4] =	ssyncset.s32 $0xFFFFF086  }
0x25: {  	[simem:s6], [sflag:s4] =	dma.local [hbm:s3], $0xF7A  }
0x26: {  	[smem:$0x3F9F] =	sst s1;
	(tag) =	ssettag s2;
	_ =	strace s9  }
0x27: {  	s1 =	sld [smem:$0x3FAF]  }
0x28: {  	s2 =	sld [smem:$0x3FB0]  }
0x29: {  	s4 =	sld [smem:$0x3FB2]  }
0x2a: {  	p0 =	seq.s32 s5, $0x0;
	s5 =	sld [smem:$0x3FB3]  }
0x2b: {  	s6 =	sld [smem:$0x3FB4]  }
0x2c: {  	s7 =	sld [smem:$0x3FB5]  }
0x2d: {  	s3 =	simm.s32 $0x108;
	s8 =	sld [smem:$0x3FB6]  }
0x2e: {  	s3 =	simm.s32 @!p0 $0x1082;
	s9 =	sld [smem:$0x3FB7]  }
0x2f: {  	lr =	sadd.s32 s0, s3;
	s0 =	sld [smem:$0x3FAE]  }
0x30: {  	s3 =	sld [smem:$0x3FB1]  }
0x31: {  	[smem:$0x3FBA] =	sst s10  }
0x32: {  	s10 =	sld [smem:$0x3FB8];
	_ =	sdelay $0x3  }
0x33: {  	p0 =	seq.s32 s10, $0x1;
	s10 =	sld [smem:$0x3FBA];
	_ =	sdelay $0x3  }
0x34: {  	[smem:$0x3FBA] =	sst s10  }
0x35: {  	s10 =	sld [smem:$0x3FB9];
	_ =	sdelay $0x3  }
0x36: {  	p1 =	seq.s32 s10, $0x1;
	s10 =	sld [smem:$0x3FBA];
	_ =	sdelay $0x3  }
0x37: {  	[smem:$0x3FBA] =	sst s10  }
0x38: {  	s10 =	sld [smem:$0x3FBB]  }
0x39: {  	_ = 	snop;
	(pc) =	sbr.ind lr, $3  }
0x3a: {  	_ = 	snop  }
0x3b: {  	_ = 	snop  }
0x3c: {  	p2 =	seq.s32 s10, $0x1;
	s10 =	sld [smem:$0x3FBA]  }
0x3d: {  	_ =	shalt  }
0x3e: {  	_ =	shalt  }
0x3f: {  	_ =	shalt  }
0x40: {  	_ =	shalt  }
0x41: {  	_ =	shalt  }
0x42: {  	_ =	shalt  }
0x43: {  	_ =	shalt  }
0x44: {  	_ =	shalt  }
0x45: {  	_ =	shalt  }
0x46: {  	_ =	shalt  }
0x47: {  	_ =	shalt  }
0x48: {  	_ =	shalt  }
0x49: {  	_ =	shalt  }
0x4a: {  	_ =	shalt  }
0x4b: {  	_ =	shalt  }
0x4c: {  	_ =	shalt  }
0x4d: {  	_ =	shalt  }
0x4e: {  	_ =	shalt  }
0x4f: {  	_ =	shalt  }
0x50: {  	_ =	shalt  }
0x51: {  	_ =	shalt  }
0x52: {  	_ =	shalt  }
0x53: {  	_ =	shalt  }
0x54: {  	_ =	shalt  }
0x55: {  	_ =	shalt  }
0x56: {  	_ =	shalt  }
0x57: {  	_ =	shalt  }
0x58: {  	_ =	shalt  }
0x59: {  	_ =	shalt  }
0x5a: {  	_ =	shalt  }
0x5b: {  	_ =	shalt  }
0x5c: {  	_ =	shalt  }
0x5d: {  	_ =	shalt  }
0x5e: {  	_ =	shalt  }
0x5f: {  	_ =	shalt  }
0x60: {  	_ =	shalt  }
0x61: {  	_ =	shalt  }
0x62: {  	_ =	shalt  }
0x63: {  	_ =	shalt  }
0x64: {  	_ =	shalt  }
0x65: {  	_ =	shalt  }
0x66: {  	_ =	shalt  }
0x67: {  	_ =	shalt  }
0x68: {  	_ =	shalt  }
0x69: {  	_ =	shalt  }
0x6a: {  	_ =	shalt  }
0x6b: {  	_ =	shalt  }
0x6c: {  	_ =	shalt  }
0x6d: {  	_ =	shalt  }
0x6e: {  	_ =	shalt  }
0x6f: {  	_ =	shalt  }
0x70: {  	_ =	shalt  }
0x71: {  	_ =	shalt  }
0x72: {  	_ =	shalt  }
0x73: {  	_ =	shalt  }
0x74: {  	_ =	shalt  }
0x75: {  	_ =	shalt  }
0x76: {  	_ =	shalt  }
0x77: {  	_ =	shalt  }
0x78: {  	_ =	shalt  }
0x79: {  	_ =	shalt  }
0x7a: {  	_ =	shalt  }
0x7b: {  	_ =	shalt  }
0x7c: {  	_ =	shalt  }
0x7d: {  	_ =	shalt  }
0x7e: {  	_ =	shalt  }
0x7f: {  	_ =	shalt  }
0x80: {  	_ =	shalt  }
0x81: {  	_ =	shalt  }
0x82: {  	_ =	shalt  }
0x83: {  	_ =	shalt  }
0x84: {  	_ =	shalt  }
0x85: {  	_ =	shalt  }
0x86: {  	_ =	shalt  }
0x87: {  	_ =	shalt  }
.Lfunc_end0:
.L_simem_size_0:
called_computation.1_lowered:
.L_overlay_start_0:
0x88: {  	s2 =	sld [smem:$0x3FD9]  }
0x89: {  	s3 =	sld [smem:$0x3FFE];
	_ =	sdelay $0x1  }
0x8a: {  	s1 =	srdreg.scid  }
0x8b: {  	s0 =	sand.u32 $0x1, s1  }
0x8c: {  	s17 =	sshll.u32 s0, $0xA;
	s2 =	sadd.s32 s3, s2  }
0x8d: {  	s2 =	sadd.s32 s2, s17  }
0x8e: {  	[smem:$0x3FC6] =	sst s2  }
0x8f: {  	_ = 	snop  }
0x90: {  	s2 =	sld [smem:$0x3FD0];
	(tm) =	ssettm $0x1  }
0x91: {  	s18 =	sld [smem:$0x3FFB];
	_ =	sdelay $0x3  }
0x92: {  	_ =	strace s18  }
0x93: {  	s3 =	sld [smem:$0x3FFC];
	_ =	sdelay $0x3  }
0x94: {  	_ =	strace s3  }
0x95: {  	s3 =	sld [smem:$0x3FFD];
	_ =	sdelay $0x3  }
0x96: {  	_ =	strace s3  }
0x97: {  	_ =	strace $0x8FFFFFFF  }
0x98: {  	s19 =	sld [smem:$0x3FDB];
	_ =	sdelay $0x1  }
0x99: {  	s4 =	simm.s32 $_scs_section_size  }
0x9a: {  	s5 =	simm.s32 $_size__tile_overlayer_lowered;
	s6 =	simm.s32 $_tile_overlayer_lowered  }
0x9b: {  	s22 =	simm.s32 $0x1BFF;
	s21 =	sshll.u32 s6, $0x1;
	s3 =	sadd.s32 s4, s19  }
0x9c: {  	s7 =	simm.s32 $0x0;
	s20 =	sshll.u32 s5, $0x1;
	s5 =	sadd.s32 s21, s3  }
0x9d: {  	[timem:s7], [sflag:s22] =	dma.local [hbm:s5], s20  }
0x9e: {  	_ =	swait.ge [sflag:s22], s20  }
0x9f: {  	s4 =	ssub.s32 $0x0, s20;
	[sflag:s22] =	ssyncset.done $0x0  }
0xa0: {  	[sflag:s22] =	ssyncadd.s32 s4;
	_ =	sdelay $0x1  }
0xa1: {  	s23 =	simm.s32 $0x1B8B  }
0xa2: {  	_ =	swait.ge [sflag:s23], $0x1  }
0xa3: {  	[sflag:s23] =	ssyncset.done $0x0  }
0xa4: {  	s25 =	simm.s32 $0x1B8E;
	s24 =	sld [smem:$0x3FFE];
	[sflag:s23] =	ssyncadd.s32 $0xFFFFFFFF  }
0xa5: {  	s26 =	simm.s32 $execute0_lowered;
	[smem:$0x3FD2] =	sst s25  }
0xa6: {  	s5 =	sshll.u32 s26, $0x1;
	_ =	strace $0x80000046;
	[dreg:$0x1] =	wrdreg $0xFFFFFFFF  }
0xa7: {  	s28 =	simm.s32 $_size_execute0_lowered;
	s3 =	sadd.s32 s3, s5;
	[dreg:$0x0] =	wrdreg $0x0  }
0xa8: {  	s5 =	sshll.u32 s28, $0x1;
	[dreg:$0x2] =	wrdreg s3  }
0xa9: {  	[dreg:$0x3] =	wrdreg s5  }
0xaa: {  	[dreg:$0x4] =	wrdreg $0xC0  }
0xab: {  	_ =	task [dreg:s7], $0x5FFFF  }
0xac: {  	[dreg:$0x1] =	wrdreg $0xFFFFFFFF  }
0xad: {  	[dreg:$0x0] =	wrdreg $0x60  }
0xae: {  	[dreg:$0x2] =	wrdreg s24  }
0xaf: {  	[dreg:$0x3] =	wrdreg s2  }
0xb0: {  	[dreg:$0x4] =	wrdreg $0x9  }
0xb1: {  	_ =	task.clear_ibuf [dreg:s7], $0x5FFFF;
	_ =	strace $0x90000046  }
0xb2: {  	s29 =	simm.s32 $0x9;
	_ =	strace $0x80000048  }
0xb3: {  	_ =	swait.ge [sflag:s29], $0x1  }
0xb4: {  	[sflag:s29] =	ssyncadd.s32 $0xFFFFFFFF  }
0xb5: {  	_ =	strace $0x90000048  }
0xb6: {  	_ =	sfence  }
0xb7: {  	s30 =	sld [smem:$0x0];
	_ =	sdelay $0x2  }
0xb8: {  	s31 =	sshll.u32 s1, $0xD;
	s1 =	sshrl.u32 s1, $0x2  }
0xb9: {  	s3 =	sand.u32 $0x4000, s31;
	s1 =	sadd.s32 s1, s30  }
0xba: {  	s0 =	sor.u32 s3, s0;
	s1 =	sshll.u32 s1, $0x11  }
0xbb: {  	s0 =	sor.u32 s1, s0  }
0xbc: {  	s0 =	sadd.s32 $0x8F2B, s0  }
0xbd: {  	[sflag:s0] =	ssyncadd.remote.s32 $0x1  }
0xbe: {  	_ =	sfence.sel $0xFFFF  }
0xbf: {  	[dreg:$0x0] =	wrdreg $0xFFFFFFFF;
	(pc) =	sbr.abs _section_cstart, $3  }
0xc0: {  	[dreg:$0x1] =	wrdreg $0xFFFFFFFF  }
0xc1: {  	_ =	task.clear_ibuf [dreg:s7], $0x2FFFF;
	_ =	strace $0x9FFFFFFF  }
0xc2: {  	(tm) =	ssettm $0x7FFFFFFF  }
0xc3: {  	_ =	shalt  }
tec
execute0_lowered:
.L_overlay_start_1:
0x0: {  	(tag) =	ssettag $0x1  }
0x1: {  	s0 =	rddreg [dreg:$0x0]  }
0x2: {  	s2 =	rddreg [dreg:$0x1];
	s1 =	srdreg.scid  }
0x3: {  	s4 =	stileid.u32;
	s3 =	simm.s32 $0x0;
	s31 =	simm.s32 $0x200  }
0x4: {  	s15 =	simm.s32 $0x380;
	s16 =	simm.s32 $0xE600;
	s17 =	simm.s32 $0x1  }
0x5: {  	s18 =	simm.s32 $0x400;
	s1 =	sand.u32 $0x1, s1;
	s4 =	sshll.u32 s4, $0x1  }
0x6: {  	s19 =	simm.s32 $0x10600;
	[smem:$0x7FF] =	sst s3;
	s7 =	sor.u32 s1, s4  }
0x7: {  	s5 =	sadd.s32 $0xF42E00, s0;
	s1 =	ssub.s32 $0x2, s1;
	s8 =	smul.u32 $0x6400, s7  }
0x8: {  	_ =	strace $0x80000047;
	s20 =	sshrl.u32 s1, $0x1;
	s10 =	smul.u32 $0x32000, s7  }
0x9: {  	s4 =	sadd.s32 $0xA00, s0;
	s23 =	smul.u32 $0x190000, s7;
	s0 =	ssub.s32 s1, s20  }
0xa: {  	s20 =	simm.s32 $0x2;
	s9 =	sshrl.u32 s8, $0x3;
	s6 =	sadd.s32 $0x400, s8  }
0xb: {  	s22 =	sadd.s32 s2, s10;
	s11 =	sadd.s32 $0x600, s8;
	s12 =	sor.u32 $0x200, s8  }
0xc: {  	s13 =	sadd.s32 $0x800, s8;
	s14 =	sadd.s32 $0xA00, s8;
	s24 =	sadd.s32 $0x6000, s8  }
0xd: {  	s8 =	sadd.s32 $0x6200, s8;
	s0 =	smax.u32 s0, $0x1;
	s10 =	simm.s32 $0xC600  }
0xe: {  	s9 =	sadd.s32 s4, s9;
	s21 =	sshrl.u32 s6, $0x3;
	[dreg:$0x6] =	wrdreg s22  }
0xf: {  	s25 =	sshrl.u32 s24, $0x3;
	s26 =	sshrl.u32 s8, $0x3;
	s7 =	sshll.u32 s24, $0x3  }
0x10: {  	s30 =	sshll.u32 s8, $0x3;
	[dreg:$0xd] =	wrdreg s0;
	s22 =	simm.s32 $0x7  }
0x11: {  	s24 =	simm.s32 $0x600;
	[dreg:$0x3] =	wrdreg s9;
	s9 =	sadd.s32 $0x40, s9  }
0x12: {  	s0 =	simm.s32 $0x8600;
	s1 =	sadd.s32 s4, s21;
	[dreg:$0x4] =	wrdreg s9  }
0x13: {  	s8 =	simm.s32 $0x0;
	s29 =	sadd.s32 s2, s7;
	[dreg:$0x5] =	wrdreg s1  }
0x14: {  	s1 =	sshrl.u32 s23, $0x3;
	s9 =	sadd.s32 s4, s25;
	[dreg:$0xb] =	wrdreg s29  }
0x15: {  	[dreg:$0x7] =	wrdreg s9;
	s1 =	sadd.s32 s2, s1;
	s9 =	sadd.s32 s4, s26  }
0x16: {  	s21 =	simm.s32 $0x4;
	s28 =	sadd.s32 $0x2E000, s1;
	[dreg:$0x9] =	wrdreg s9  }
0x17: {  	s7 =	simm.s32 $0x3;
	s1 =	sadd.s32 $0x2F000, s1;
	[dreg:$0x8] =	wrdreg s28  }
0x18: {  	s23 =	simm.s32 $0x80;
	[dreg:$0xa] =	wrdreg s1;
	s1 =	sadd.s32 s2, s30  }
0x19: {  	s25 =	simm.s32 $0x5;
	s26 =	simm.s32 $0x6;
	[dreg:$0xc] =	wrdreg s1  }
.LBB2_1:
0x1a: {  	[dreg:$0xe] =	wrdreg s8  }
0x1b: {  	s1 =	rddreg [dreg:$0x3]  }
0x1c: {  	[tilespmem:s3], [sflag:$0x7] =	stream.linear.gather [hbm4b:s1+s3], $0x200, $0x38;
	[tilespmem:$0x18600] =	vst v63  }
0x1d: {  	_ =	swait.ge [sflag:s22], $0x200  }
0x1e: {  	[sflag:s22] =	ssyncset.done $0x0  }
0x1f: {  	[sflag:s22] =	ssyncadd.s32 $0xFFFFFE00  }
0x20: {  	[tilespmem:s24], [sflag:$0x1] =	stream.indirect.gather [hbm4b:s5+s23], $0x40, s3, s23, $0xb8;
	[tilespmem:$0x18600] =	vst v63  }
0x21: {  	s30 =	simm.s32 $0x2600  }
0x22: {  	[tilespmem:s30], [sflag:$0x1] =	stream.indirect.gather [hbm4b:s5+s23], $0x40, s23, s23, $0xb8;
	[tilespmem:$0x18600] =	vst v63  }
0x23: {  	s8 =	simm.s32 $0x100;
	s9 =	simm.s32 $0x4600  }
0x24: {  	[tilespmem:s9], [sflag:$0x1] =	stream.indirect.gather [hbm4b:s5+s23], $0x40, s8, s23, $0xb8;
	[tilespmem:$0x18600] =	vst v63  }
0x25: {  	s29 =	simm.s32 $0x180;
	s30 =	simm.s32 $0x6600  }
0x26: {  	[tilespmem:s30], [sflag:$0x1] =	stream.indirect.gather [hbm4b:s5+s23], $0x40, s29, s23, $0xb8;
	[tilespmem:$0x18600] =	vst v63  }
0x27: {  	s9 =	rddreg [dreg:$0x4]  }
0x28: {  	[tilespmem:s31], [sflag:$0x7] =	stream.linear.gather [hbm4b:s9+s3], $0x200, $0x38;
	[tilespmem:$0x18600] =	vst v63  }
0x29: {  	_ =	swait.ge [sflag:s22], $0x200  }
0x2a: {  	[sflag:s22] =	ssyncset.done $0x0  }
0x2b: {  	[sflag:s22] =	ssyncadd.s32 $0xFFFFFE00  }
0x2c: {  	[tilespmem:s0], [sflag:$0x2] =	stream.indirect.gather [hbm4b:s5+s23], $0x40, s31, s23, $0xb8;
	[tilespmem:$0x18600] =	vst v63  }
0x2d: {  	s29 =	simm.s32 $0x280;
	s30 =	simm.s32 $0xA600  }
0x2e: {  	[tilespmem:s30], [sflag:$0x2] =	stream.indirect.gather [hbm4b:s5+s23], $0x40, s29, s23, $0xb8;
	[tilespmem:$0x18600] =	vst v63  }
0x2f: {  	s8 =	simm.s32 $0x300  }
0x30: {  	[tilespmem:s10], [sflag:$0x2] =	stream.indirect.gather [hbm4b:s5+s23], $0x40, s8, s23, $0xb8;
	[tilespmem:$0x18600] =	vst v63  }
0x31: {  	_ = 	snop  }
0x32: {  	[tilespmem:s16], [sflag:$0x2] =	stream.indirect.gather [hbm4b:s5+s23], $0x40, s15, s23, $0xb8;
	[tilespmem:$0x18600] =	vst v63  }
0x33: {  	_ =	swait.ge [sflag:s17], $0x8000  }
0x34: {  	[sflag:s17] =	ssyncset.done $0x0  }
0x35: {  	s9 =	rddreg [dreg:$0x5];
	[sflag:s17] =	ssyncadd.s32 $0xFFFF8000  }
0x36: {  	[tilespmem:s18], [sflag:$0x7] =	stream.linear.gather [hbm4b:s9+s3], $0x200, $0x38;
	[tilespmem:$0x18600] =	vst v63  }
0x37: {  	_ =	swait.ge [sflag:s22], $0x200  }
0x38: {  	[sflag:s22] =	ssyncset.done $0x0  }
0x39: {  	[sflag:s22] =	ssyncadd.s32 $0xFFFFFE00  }
0x3a: {  	[tilespmem:s19], [sflag:$0x3] =	stream.indirect.gather [hbm4b:s5+s23], $0x40, s18, s23, $0xb8;
	[tilespmem:$0x18600] =	vst v63  }
0x3b: {  	s29 =	simm.s32 $0x480;
	s30 =	simm.s32 $0x12600  }
0x3c: {  	[tilespmem:s30], [sflag:$0x3] =	stream.indirect.gather [hbm4b:s5+s23], $0x40, s29, s23, $0xb8;
	[tilespmem:$0x18600] =	vst v63  }
0x3d: {  	s8 =	simm.s32 $0x500;
	s9 =	simm.s32 $0x14600  }
0x3e: {  	[tilespmem:s9], [sflag:$0x3] =	stream.indirect.gather [hbm4b:s5+s23], $0x40, s8, s23, $0xb8;
	[tilespmem:$0x18600] =	vst v63  }
0x3f: {  	s1 =	simm.s32 $0x700;
	s29 =	simm.s32 $0x580;
	s30 =	simm.s32 $0x16600  }
0x40: {  	[tilespmem:s30], [sflag:$0x3] =	stream.indirect.gather [hbm4b:s5+s23], $0x40, s29, s23, $0xb8;
	[tilespmem:$0x18600] =	vst v63  }
0x41: {  	v0 =	vld [tilespmem:s1+$0xF0]  }
0x42: {  	v1 =	vld [tilespmem:s1+$0xFFFFFF10]  }
0x43: {  	v2 =	vld [tilespmem:s1+$0xFFFFFF20]  }
0x44: {  	v3 =	vld [tilespmem:s1+$0xFFFFFF30]  }
0x45: {  	v4 =	vld [tilespmem:s1+$0xFFFFFF40]  }
0x46: {  	v5 =	vld [tilespmem:s1+$0xFFFFFF50];
	v0 =	vmul.f32 $8.000000000e+00, v0  }
0x47: {  	v6 =	vld [tilespmem:s1+$0xFFFFFF60];
	v1 =	vmul.f32 $8.000000000e+00, v1  }
0x48: {  	v7 =	vld [tilespmem:s1+$0xFFFFFF70];
	v2 =	vmul.f32 $8.000000000e+00, v2;
	[tilespmem:s1+$0xF0] =	vst v0  }
0x49: {  	[tilespmem:s1+$0xFFFFFF10] =	vst v1;
	v0 =	vmul.f32 $8.000000000e+00, v3;
	v1 =	vld [tilespmem:s1+$0xFFFFFF80]  }
0x4a: {  	[tilespmem:s1+$0xFFFFFF20] =	vst v2;
	v2 =	vmul.f32 $8.000000000e+00, v4;
	v3 =	vld [tilespmem:s1+$0xFFFFFF90]  }
0x4b: {  	v4 =	vld [tilespmem:s1+$0xFFFFFFA0];
	[tilespmem:s1+$0xFFFFFF30] =	vst v0;
	v0 =	vmul.f32 $8.000000000e+00, v5  }
0x4c: {  	[tilespmem:s1+$0xFFFFFF40] =	vst v2;
	v2 =	vmul.f32 $8.000000000e+00, v6;
	v5 =	vld [tilespmem:s1+$0xFFFFFFB0]  }
0x4d: {  	v6 =	vld [tilespmem:s1+$0xFFFFFFC0];
	[tilespmem:s1+$0xFFFFFF50] =	vst v0;
	v0 =	vmul.f32 $8.000000000e+00, v7  }
0x4e: {  	[tilespmem:s1+$0xFFFFFF60] =	vst v2;
	v2 =	vld [tilespmem:s1+$0xFFFFFFD0];
	v1 =	vmul.f32 $8.000000000e+00, v1  }
0x4f: {  	[tilespmem:s1+$0xFFFFFF70] =	vst v0;
	v0 =	vmul.f32 $8.000000000e+00, v3;
	v3 =	vld [tilespmem:s1+$0xFFFFFFE0]  }
0x50: {  	[tilespmem:s1+$0xFFFFFF80] =	vst v1;
	v1 =	vmul.f32 $8.000000000e+00, v4;
	v4 =	vld [tilespmem:s1+$0xFFFFFFF0]  }
0x51: {  	[tilespmem:s1+$0xFFFFFF90] =	vst v0;
	v0 =	vmul.f32 $8.000000000e+00, v5;
	v5 =	vld [tilespmem:s1+$0x0]  }
0x52: {  	[tilespmem:s1+$0xFFFFFFA0] =	vst v1;
	v1 =	vmul.f32 $8.000000000e+00, v6;
	v6 =	vld [tilespmem:s1+$0x10]  }
0x53: {  	[tilespmem:s1+$0xFFFFFFB0] =	vst v0;
	v0 =	vmul.f32 $8.000000000e+00, v2;
	v2 =	vld [tilespmem:s1+$0x20]  }
0x54: {  	[tilespmem:s1+$0xFFFFFFC0] =	vst v1;
	v1 =	vmul.f32 $8.000000000e+00, v3;
	v3 =	vld [tilespmem:s1+$0x30]  }
0x55: {  	[tilespmem:s1+$0xFFFFFFD0] =	vst v0;
	v0 =	vmul.f32 $8.000000000e+00, v4;
	v4 =	vld [tilespmem:s1+$0x40]  }
0x56: {  	[tilespmem:s1+$0xFFFFFFE0] =	vst v1;
	v1 =	vmul.f32 $8.000000000e+00, v5;
	v5 =	vld [tilespmem:s1+$0x50]  }
0x57: {  	[tilespmem:s1+$0xFFFFFFF0] =	vst v0;
	v0 =	vmul.f32 $8.000000000e+00, v6;
	v6 =	vld [tilespmem:s1+$0x60]  }
0x58: {  	[tilespmem:s1+$0x0] =	vst v1;
	v1 =	vmul.f32 $8.000000000e+00, v2;
	v2 =	vld [tilespmem:s1+$0x70]  }
0x59: {  	[tilespmem:s1+$0x10] =	vst v0;
	v0 =	vmul.f32 $8.000000000e+00, v3;
	v3 =	vld [tilespmem:s1+$0x80]  }
0x5a: {  	[tilespmem:s1+$0x20] =	vst v1;
	v1 =	vmul.f32 $8.000000000e+00, v4;
	v4 =	vld [tilespmem:s1+$0x90]  }
0x5b: {  	v7 =	vld [tilespmem:s1+$0xA0];
	[tilespmem:s1+$0x30] =	vst v0;
	v5 =	vmul.f32 $8.000000000e+00, v5  }
0x5c: {  	v0 =	vld [tilespmem:s1+$0xB0];
	[tilespmem:s1+$0x40] =	vst v1;
	v6 =	vmul.f32 $8.000000000e+00, v6  }
0x5d: {  	v1 =	vld [tilespmem:s1+$0xC0];
	[tilespmem:s1+$0x50] =	vst v5;
	v5 =	vmul.f32 $8.000000000e+00, v2  }
0x5e: {  	v2 =	vld [tilespmem:s1+$0xD0];
	[tilespmem:s1+$0x60] =	vst v6;
	v6 =	vmul.f32 $8.000000000e+00, v3  }
0x5f: {  	v3 =	vld [tilespmem:s1+$0xE0];
	[tilespmem:s1+$0x70] =	vst v5;
	v5 =	vmul.f32 $8.000000000e+00, v4  }
0x60: {  	s28 =	simm.s32 $0x0;
	s8 =	simm.s32 $0x900;
	v4 =	vld [tilespmem:s1+$0xFFFFFF00];
	[tilespmem:s1+$0x80] =	vst v6;
	v6 =	vmul.f32 $8.000000000e+00, v7  }
.LBB2_2:
0x61: {  	v7 =	vld [tilespmem:s8+$0xF0];
	s28 =	sadd.s32 $0x8, s28;
	[tilespmem:s1+$0x90] =	vst v5;
	v0 =	vmul.f32 $8.000000000e+00, v0  }
0x62: {  	v5 =	vld [tilespmem:s8+$0xFFFFFF10];
	p0 =	slt.u32 s28, $0x1F8;
	[tilespmem:s1+$0xA0] =	vst v6;
	v1 =	vmul.f32 $8.000000000e+00, v1  }
0x63: {  	v6 =	vld [tilespmem:s8+$0xFFFFFF20];
	[tilespmem:s1+$0xB0] =	vst v0;
	v0 =	vmul.f32 $8.000000000e+00, v2  }
0x64: {  	v2 =	vld [tilespmem:s8+$0xFFFFFF30];
	[tilespmem:s1+$0xC0] =	vst v1;
	v1 =	vmul.f32 $8.000000000e+00, v3  }
0x65: {  	v3 =	vld [tilespmem:s8+$0xFFFFFF40];
	v4 =	vmul.f32 $8.000000000e+00, v4;
	[tilespmem:s1+$0xD0] =	vst v0  }
0x66: {  	v0 =	vld [tilespmem:s8+$0xFFFFFF50];
	v7 =	vmul.f32 $8.000000000e+00, v7;
	[tilespmem:s1+$0xE0] =	vst v1  }
0x67: {  	v1 =	vmul.f32 $8.000000000e+00, v5;
	v5 =	vld [tilespmem:s8+$0xFFFFFF60];
	[tilespmem:s1+$0xFFFFFF00] =	vst v4;
	s1 =	smov.u32 s8  }
0x68: {  	v4 =	vmul.f32 $8.000000000e+00, v6;
	v6 =	vld [tilespmem:s8+$0xFFFFFF70];
	[tilespmem:s8+$0xF0] =	vst v7  }
0x69: {  	[tilespmem:s8+$0xFFFFFF10] =	vst v1;
	v1 =	vmul.f32 $8.000000000e+00, v2;
	v2 =	vld [tilespmem:s8+$0xFFFFFF80]  }
0x6a: {  	[tilespmem:s8+$0xFFFFFF20] =	vst v4;
	v3 =	vmul.f32 $8.000000000e+00, v3;
	v4 =	vld [tilespmem:s8+$0xFFFFFF90]  }
0x6b: {  	[tilespmem:s8+$0xFFFFFF30] =	vst v1;
	v0 =	vmul.f32 $8.000000000e+00, v0;
	v1 =	vld [tilespmem:s8+$0xFFFFFFA0]  }
0x6c: {  	[tilespmem:s8+$0xFFFFFF40] =	vst v3;
	v3 =	vmul.f32 $8.000000000e+00, v5;
	v5 =	vld [tilespmem:s8+$0xFFFFFFB0]  }
0x6d: {  	[tilespmem:s8+$0xFFFFFF50] =	vst v0;
	v0 =	vmul.f32 $8.000000000e+00, v6;
	v6 =	vld [tilespmem:s8+$0xFFFFFFC0]  }
0x6e: {  	[tilespmem:s8+$0xFFFFFF60] =	vst v3;
	v2 =	vmul.f32 $8.000000000e+00, v2;
	v3 =	vld [tilespmem:s8+$0xFFFFFFD0]  }
0x6f: {  	[tilespmem:s8+$0xFFFFFF70] =	vst v0;
	v0 =	vmul.f32 $8.000000000e+00, v4;
	v4 =	vld [tilespmem:s8+$0xFFFFFFE0]  }
0x70: {  	[tilespmem:s8+$0xFFFFFF80] =	vst v2;
	v1 =	vmul.f32 $8.000000000e+00, v1;
	v2 =	vld [tilespmem:s8+$0xFFFFFFF0]  }
0x71: {  	[tilespmem:s8+$0xFFFFFF90] =	vst v0;
	v0 =	vmul.f32 $8.000000000e+00, v5;
	v5 =	vld [tilespmem:s8+$0x0]  }
0x72: {  	[tilespmem:s8+$0xFFFFFFA0] =	vst v1;
	v1 =	vmul.f32 $8.000000000e+00, v6;
	v6 =	vld [tilespmem:s8+$0x10]  }
0x73: {  	[tilespmem:s8+$0xFFFFFFB0] =	vst v0;
	v0 =	vmul.f32 $8.000000000e+00, v3;
	v3 =	vld [tilespmem:s8+$0x20]  }
0x74: {  	[tilespmem:s8+$0xFFFFFFC0] =	vst v1;
	v1 =	vmul.f32 $8.000000000e+00, v4;
	v4 =	vld [tilespmem:s8+$0x30]  }
0x75: {  	[tilespmem:s8+$0xFFFFFFD0] =	vst v0;
	v0 =	vmul.f32 $8.000000000e+00, v2;
	v2 =	vld [tilespmem:s8+$0x40]  }
0x76: {  	[tilespmem:s8+$0xFFFFFFE0] =	vst v1;
	v1 =	vmul.f32 $8.000000000e+00, v5;
	v5 =	vld [tilespmem:s8+$0x50]  }
0x77: {  	[tilespmem:s8+$0xFFFFFFF0] =	vst v0;
	v0 =	vmul.f32 $8.000000000e+00, v6;
	v6 =	vld [tilespmem:s8+$0x60]  }
0x78: {  	[tilespmem:s8+$0x0] =	vst v1;
	v1 =	vmul.f32 $8.000000000e+00, v3;
	v3 =	vld [tilespmem:s8+$0x70]  }
0x79: {  	[tilespmem:s8+$0x10] =	vst v0;
	v0 =	vmul.f32 $8.000000000e+00, v4;
	v4 =	vld [tilespmem:s8+$0x80]  }
0x7a: {  	[tilespmem:s8+$0x20] =	vst v1;
	v1 =	vmul.f32 $8.000000000e+00, v2;
	v7 =	vld [tilespmem:s8+$0x90]  }
0x7b: {  	[tilespmem:s8+$0x30] =	vst v0;
	v2 =	vmul.f32 $8.000000000e+00, v5;
	v8 =	vld [tilespmem:s8+$0xA0]  }
.Ltmp0:
0x7c: {  	[tilespmem:s8+$0x40] =	vst v1;
	v5 =	vmul.f32 $8.000000000e+00, v6;
	v0 =	vld [tilespmem:s8+$0xB0];
	(pc) =	sbr.rel @p0 .LBB2_2-.Ltmp0, $4  }
0x7d: {  	[tilespmem:s8+$0x50] =	vst v2;
	v3 =	vmul.f32 $8.000000000e+00, v3;
	v1 =	vld [tilespmem:s8+$0xC0]  }
0x7e: {  	[tilespmem:s8+$0x60] =	vst v5;
	v6 =	vmul.f32 $8.000000000e+00, v4;
	v2 =	vld [tilespmem:s8+$0xD0]  }
0x7f: {  	[tilespmem:s8+$0x70] =	vst v3;
	v5 =	vmul.f32 $8.000000000e+00, v7;
	v3 =	vld [tilespmem:s8+$0xE0]  }
0x80: {  	s8 =	sadd.s32 $0x200, s8;
	v4 =	vld [tilespmem:s1+$0xFFFFFF00];
	[tilespmem:s1+$0x80] =	vst v6;
	v6 =	vmul.f32 $8.000000000e+00, v8  }
0x81: {  	[tilespmem:s1+$0x90] =	vst v5;
	v0 =	vmul.f32 $8.000000000e+00, v0  }
0x82: {  	[tilespmem:s1+$0xA0] =	vst v6;
	v1 =	vmul.f32 $8.000000000e+00, v1  }
0x83: {  	[tilespmem:s1+$0xB0] =	vst v0;
	v61 =	vmul.f32 $8.000000000e+00, v2  }
0x84: {  	[tilespmem:s1+$0xC0] =	vst v1;
	v62 =	vmul.f32 $8.000000000e+00, v3  }
0x85: {  	v63 =	vmul.f32 $8.000000000e+00, v4;
	[tilespmem:s1+$0xD0] =	vst v61  }
0x86: {  	[tilespmem:s1+$0xE0] =	vst v62  }
0x87: {  	[tilespmem:s1+$0xFFFFFF00] =	vst v63  }
0x88: {  	s28 =	simm.s32 $0x0;
	s1 =	rddreg [dreg:$0x6]  }
0x89: {  	[hbm4b:s1+s28] =	stream.linear.scatter [tilespmem:s24], [sflag:$0x4], $0x8000, $0x38;
	[tilespmem:$0x18600] =	vst v63  }
.LBB2_4:
0x8a: {  	_ =	swait.ge [sflag:s20], $0x8000  }
0x8b: {  	s30 =	smul.u32 $0x600, s28;
	[sflag:s20] =	ssyncset.done $0x0  }
0x8c: {  	[sflag:s20] =	ssyncadd.s32 $0xFFFF8000  }
0x8d: {  	s29 =	sadd.s32 s30, s11;
	_ =	swait.ge [sflag:s21], $0x8000  }
0x8e: {  	s1 =	sshrl.u32 s29, $0x3;
	[sflag:s21] =	ssyncset.done $0x0  }
0x8f: {  	s1 =	sadd.s32 s4, s1;
	[sflag:s21] =	ssyncadd.s32 $0xFFFF8000  }
0x90: {  	[tilespmem:s3], [sflag:$0x7] =	stream.linear.gather [hbm4b:s1+s3], $0x200, $0x38;
	[tilespmem:$0x18600] =	vst v63  }
0x91: {  	_ =	swait.ge [sflag:s22], $0x200  }
0x92: {  	[sflag:s22] =	ssyncset.done $0x0  }
0x93: {  	[sflag:s22] =	ssyncadd.s32 $0xFFFFFE00  }
0x94: {  	[tilespmem:s24], [sflag:$0x1] =	stream.indirect.gather [hbm4b:s5+s23], $0x40, s3, s23, $0xb8;
	[tilespmem:$0x18600] =	vst v63  }
0x95: {  	s8 =	simm.s32 $0x2600  }
0x96: {  	[tilespmem:s8], [sflag:$0x1] =	stream.indirect.gather [hbm4b:s5+s23], $0x40, s23, s23, $0xb8;
	[tilespmem:$0x18600] =	vst v63  }
0x97: {  	s9 =	simm.s32 $0x100;
	s8 =	simm.s32 $0x4600  }
0x98: {  	[tilespmem:s8], [sflag:$0x1] =	stream.indirect.gather [hbm4b:s5+s23], $0x40, s9, s23, $0xb8;
	[tilespmem:$0x18600] =	vst v63  }
0x99: {  	s1 =	simm.s32 $0x8700;
	s8 =	simm.s32 $0x180;
	s9 =	simm.s32 $0x6600  }
0x9a: {  	[tilespmem:s9], [sflag:$0x1] =	stream.indirect.gather [hbm4b:s5+s23], $0x40, s8, s23, $0xb8;
	[tilespmem:$0x18600] =	vst v63  }
0x9b: {  	v0 =	vld [tilespmem:s1+$0xF0]  }
0x9c: {  	v1 =	vld [tilespmem:s1+$0xFFFFFF10]  }
0x9d: {  	v2 =	vld [tilespmem:s1+$0xFFFFFF20]  }
0x9e: {  	v3 =	vld [tilespmem:s1+$0xFFFFFF30]  }
0x9f: {  	v4 =	vld [tilespmem:s1+$0xFFFFFF40]  }
0xa0: {  	v5 =	vld [tilespmem:s1+$0xFFFFFF50];
	v0 =	vmul.f32 $8.000000000e+00, v0  }
0xa1: {  	v6 =	vld [tilespmem:s1+$0xFFFFFF60];
	v1 =	vmul.f32 $8.000000000e+00, v1  }
0xa2: {  	v7 =	vld [tilespmem:s1+$0xFFFFFF70];
	v2 =	vmul.f32 $8.000000000e+00, v2;
	[tilespmem:s1+$0xF0] =	vst v0  }
0xa3: {  	[tilespmem:s1+$0xFFFFFF10] =	vst v1;
	v0 =	vmul.f32 $8.000000000e+00, v3;
	v1 =	vld [tilespmem:s1+$0xFFFFFF80]  }
0xa4: {  	[tilespmem:s1+$0xFFFFFF20] =	vst v2;
	v2 =	vmul.f32 $8.000000000e+00, v4;
	v3 =	vld [tilespmem:s1+$0xFFFFFF90]  }
0xa5: {  	v4 =	vld [tilespmem:s1+$0xFFFFFFA0];
	[tilespmem:s1+$0xFFFFFF30] =	vst v0;
	v0 =	vmul.f32 $8.000000000e+00, v5  }
0xa6: {  	[tilespmem:s1+$0xFFFFFF40] =	vst v2;
	v2 =	vmul.f32 $8.000000000e+00, v6;
	v5 =	vld [tilespmem:s1+$0xFFFFFFB0]  }
0xa7: {  	v6 =	vld [tilespmem:s1+$0xFFFFFFC0];
	[tilespmem:s1+$0xFFFFFF50] =	vst v0;
	v0 =	vmul.f32 $8.000000000e+00, v7  }
0xa8: {  	[tilespmem:s1+$0xFFFFFF60] =	vst v2;
	v2 =	vld [tilespmem:s1+$0xFFFFFFD0];
	v1 =	vmul.f32 $8.000000000e+00, v1  }
0xa9: {  	[tilespmem:s1+$0xFFFFFF70] =	vst v0;
	v0 =	vmul.f32 $8.000000000e+00, v3;
	v3 =	vld [tilespmem:s1+$0xFFFFFFE0]  }
0xaa: {  	[tilespmem:s1+$0xFFFFFF80] =	vst v1;
	v1 =	vmul.f32 $8.000000000e+00, v4;
	v4 =	vld [tilespmem:s1+$0xFFFFFFF0]  }
0xab: {  	[tilespmem:s1+$0xFFFFFF90] =	vst v0;
	v0 =	vmul.f32 $8.000000000e+00, v5;
	v5 =	vld [tilespmem:s1+$0x0]  }
0xac: {  	[tilespmem:s1+$0xFFFFFFA0] =	vst v1;
	v1 =	vmul.f32 $8.000000000e+00, v6;
	v6 =	vld [tilespmem:s1+$0x10]  }
0xad: {  	[tilespmem:s1+$0xFFFFFFB0] =	vst v0;
	v0 =	vmul.f32 $8.000000000e+00, v2;
	v2 =	vld [tilespmem:s1+$0x20]  }
0xae: {  	[tilespmem:s1+$0xFFFFFFC0] =	vst v1;
	v1 =	vmul.f32 $8.000000000e+00, v3;
	v3 =	vld [tilespmem:s1+$0x30]  }
0xaf: {  	[tilespmem:s1+$0xFFFFFFD0] =	vst v0;
	v0 =	vmul.f32 $8.000000000e+00, v4;
	v4 =	vld [tilespmem:s1+$0x40]  }
0xb0: {  	[tilespmem:s1+$0xFFFFFFE0] =	vst v1;
	v1 =	vmul.f32 $8.000000000e+00, v5;
	v5 =	vld [tilespmem:s1+$0x50]  }
0xb1: {  	[tilespmem:s1+$0xFFFFFFF0] =	vst v0;
	v0 =	vmul.f32 $8.000000000e+00, v6;
	v6 =	vld [tilespmem:s1+$0x60]  }
0xb2: {  	[tilespmem:s1+$0x0] =	vst v1;
	v1 =	vmul.f32 $8.000000000e+00, v2;
	v2 =	vld [tilespmem:s1+$0x70]  }
0xb3: {  	[tilespmem:s1+$0x10] =	vst v0;
	v0 =	vmul.f32 $8.000000000e+00, v3;
	v3 =	vld [tilespmem:s1+$0x80]  }
0xb4: {  	[tilespmem:s1+$0x20] =	vst v1;
	v1 =	vmul.f32 $8.000000000e+00, v4;
	v4 =	vld [tilespmem:s1+$0x90]  }
0xb5: {  	v7 =	vld [tilespmem:s1+$0xA0];
	[tilespmem:s1+$0x30] =	vst v0;
	v5 =	vmul.f32 $8.000000000e+00, v5  }
0xb6: {  	v0 =	vld [tilespmem:s1+$0xB0];
	[tilespmem:s1+$0x40] =	vst v1;
	v6 =	vmul.f32 $8.000000000e+00, v6  }
0xb7: {  	v1 =	vld [tilespmem:s1+$0xC0];
	[tilespmem:s1+$0x50] =	vst v5;
	v5 =	vmul.f32 $8.000000000e+00, v2  }
0xb8: {  	v2 =	vld [tilespmem:s1+$0xD0];
	[tilespmem:s1+$0x60] =	vst v6;
	v6 =	vmul.f32 $8.000000000e+00, v3  }
0xb9: {  	v3 =	vld [tilespmem:s1+$0xE0];
	[tilespmem:s1+$0x70] =	vst v5;
	v5 =	vmul.f32 $8.000000000e+00, v4  }
0xba: {  	s8 =	simm.s32 $0x0;
	s9 =	simm.s32 $0x8900;
	v4 =	vld [tilespmem:s1+$0xFFFFFF00];
	[tilespmem:s1+$0x80] =	vst v6;
	v6 =	vmul.f32 $8.000000000e+00, v7  }
.LBB2_5:
0xbb: {  	v7 =	vld [tilespmem:s9+$0xF0];
	s8 =	sadd.s32 $0x8, s8;
	[tilespmem:s1+$0x90] =	vst v5;
	v0 =	vmul.f32 $8.000000000e+00, v0  }
0xbc: {  	v5 =	vld [tilespmem:s9+$0xFFFFFF10];
	p0 =	slt.u32 s8, $0x1F8;
	[tilespmem:s1+$0xA0] =	vst v6;
	v1 =	vmul.f32 $8.000000000e+00, v1  }
0xbd: {  	v6 =	vld [tilespmem:s9+$0xFFFFFF20];
	[tilespmem:s1+$0xB0] =	vst v0;
	v0 =	vmul.f32 $8.000000000e+00, v2  }
0xbe: {  	v2 =	vld [tilespmem:s9+$0xFFFFFF30];
	[tilespmem:s1+$0xC0] =	vst v1;
	v1 =	vmul.f32 $8.000000000e+00, v3  }
0xbf: {  	v3 =	vld [tilespmem:s9+$0xFFFFFF40];
	v4 =	vmul.f32 $8.000000000e+00, v4;
	[tilespmem:s1+$0xD0] =	vst v0  }
0xc0: {  	v0 =	vld [tilespmem:s9+$0xFFFFFF50];
	v7 =	vmul.f32 $8.000000000e+00, v7;
	[tilespmem:s1+$0xE0] =	vst v1  }
0xc1: {  	v1 =	vmul.f32 $8.000000000e+00, v5;
	v5 =	vld [tilespmem:s9+$0xFFFFFF60];
	[tilespmem:s1+$0xFFFFFF00] =	vst v4;
	s1 =	smov.u32 s9  }
0xc2: {  	v4 =	vmul.f32 $8.000000000e+00, v6;
	v6 =	vld [tilespmem:s9+$0xFFFFFF70];
	[tilespmem:s9+$0xF0] =	vst v7  }
0xc3: {  	[tilespmem:s9+$0xFFFFFF10] =	vst v1;
	v1 =	vmul.f32 $8.000000000e+00, v2;
	v2 =	vld [tilespmem:s9+$0xFFFFFF80]  }
0xc4: {  	[tilespmem:s9+$0xFFFFFF20] =	vst v4;
	v3 =	vmul.f32 $8.000000000e+00, v3;
	v4 =	vld [tilespmem:s9+$0xFFFFFF90]  }
0xc5: {  	[tilespmem:s9+$0xFFFFFF30] =	vst v1;
	v0 =	vmul.f32 $8.000000000e+00, v0;
	v1 =	vld [tilespmem:s9+$0xFFFFFFA0]  }
0xc6: {  	[tilespmem:s9+$0xFFFFFF40] =	vst v3;
	v3 =	vmul.f32 $8.000000000e+00, v5;
	v5 =	vld [tilespmem:s9+$0xFFFFFFB0]  }
0xc7: {  	[tilespmem:s9+$0xFFFFFF50] =	vst v0;
	v0 =	vmul.f32 $8.000000000e+00, v6;
	v6 =	vld [tilespmem:s9+$0xFFFFFFC0]  }
0xc8: {  	[tilespmem:s9+$0xFFFFFF60] =	vst v3;
	v2 =	vmul.f32 $8.000000000e+00, v2;
	v3 =	vld [tilespmem:s9+$0xFFFFFFD0]  }
0xc9: {  	[tilespmem:s9+$0xFFFFFF70] =	vst v0;
	v0 =	vmul.f32 $8.000000000e+00, v4;
	v4 =	vld [tilespmem:s9+$0xFFFFFFE0]  }
0xca: {  	[tilespmem:s9+$0xFFFFFF80] =	vst v2;
	v1 =	vmul.f32 $8.000000000e+00, v1;
	v2 =	vld [tilespmem:s9+$0xFFFFFFF0]  }
0xcb: {  	[tilespmem:s9+$0xFFFFFF90] =	vst v0;
	v0 =	vmul.f32 $8.000000000e+00, v5;
	v5 =	vld [tilespmem:s9+$0x0]  }
0xcc: {  	[tilespmem:s9+$0xFFFFFFA0] =	vst v1;
	v1 =	vmul.f32 $8.000000000e+00, v6;
	v6 =	vld [tilespmem:s9+$0x10]  }
0xcd: {  	[tilespmem:s9+$0xFFFFFFB0] =	vst v0;
	v0 =	vmul.f32 $8.000000000e+00, v3;
	v3 =	vld [tilespmem:s9+$0x20]  }
0xce: {  	[tilespmem:s9+$0xFFFFFFC0] =	vst v1;
	v1 =	vmul.f32 $8.000000000e+00, v4;
	v4 =	vld [tilespmem:s9+$0x30]  }
0xcf: {  	[tilespmem:s9+$0xFFFFFFD0] =	vst v0;
	v0 =	vmul.f32 $8.000000000e+00, v2;
	v2 =	vld [tilespmem:s9+$0x40]  }
0xd0: {  	[tilespmem:s9+$0xFFFFFFE0] =	vst v1;
	v1 =	vmul.f32 $8.000000000e+00, v5;
	v5 =	vld [tilespmem:s9+$0x50]  }
0xd1: {  	[tilespmem:s9+$0xFFFFFFF0] =	vst v0;
	v0 =	vmul.f32 $8.000000000e+00, v6;
	v6 =	vld [tilespmem:s9+$0x60]  }
0xd2: {  	[tilespmem:s9+$0x0] =	vst v1;
	v1 =	vmul.f32 $8.000000000e+00, v3;
	v3 =	vld [tilespmem:s9+$0x70]  }
0xd3: {  	[tilespmem:s9+$0x10] =	vst v0;
	v0 =	vmul.f32 $8.000000000e+00, v4;
	v4 =	vld [tilespmem:s9+$0x80]  }
0xd4: {  	[tilespmem:s9+$0x20] =	vst v1;
	v1 =	vmul.f32 $8.000000000e+00, v2;
	v7 =	vld [tilespmem:s9+$0x90]  }
0xd5: {  	[tilespmem:s9+$0x30] =	vst v0;
	v2 =	vmul.f32 $8.000000000e+00, v5;
	v8 =	vld [tilespmem:s9+$0xA0]  }
.Ltmp1:
0xd6: {  	[tilespmem:s9+$0x40] =	vst v1;
	v5 =	vmul.f32 $8.000000000e+00, v6;
	v0 =	vld [tilespmem:s9+$0xB0];
	(pc) =	sbr.rel @p0 .LBB2_5-.Ltmp1, $4  }
0xd7: {  	[tilespmem:s9+$0x50] =	vst v2;
	v3 =	vmul.f32 $8.000000000e+00, v3;
	v1 =	vld [tilespmem:s9+$0xC0]  }
0xd8: {  	[tilespmem:s9+$0x60] =	vst v5;
	v6 =	vmul.f32 $8.000000000e+00, v4;
	v2 =	vld [tilespmem:s9+$0xD0]  }
0xd9: {  	[tilespmem:s9+$0x70] =	vst v3;
	v5 =	vmul.f32 $8.000000000e+00, v7;
	v3 =	vld [tilespmem:s9+$0xE0]  }
0xda: {  	s9 =	sadd.s32 $0x200, s9;
	v4 =	vld [tilespmem:s1+$0xFFFFFF00];
	[tilespmem:s1+$0x80] =	vst v6;
	v6 =	vmul.f32 $8.000000000e+00, v8  }
0xdb: {  	[tilespmem:s1+$0x90] =	vst v5;
	v0 =	vmul.f32 $8.000000000e+00, v0  }
0xdc: {  	[tilespmem:s1+$0xA0] =	vst v6;
	v1 =	vmul.f32 $8.000000000e+00, v1  }
0xdd: {  	[tilespmem:s1+$0xB0] =	vst v0;
	v0 =	vmul.f32 $8.000000000e+00, v2  }
0xde: {  	s8 =	sadd.s32 s30, s12;
	[tilespmem:s1+$0xC0] =	vst v1;
	v1 =	vmul.f32 $8.000000000e+00, v3  }
0xdf: {  	s8 =	sshll.u32 s8, $0x3;
	v2 =	vmul.f32 $8.000000000e+00, v4;
	[tilespmem:s1+$0xD0] =	vst v0  }
0xe0: {  	s8 =	sand.u32 $0x1FFFF000, s8;
	[tilespmem:s1+$0xE0] =	vst v1  }
0xe1: {  	s8 =	sadd.s32 s2, s8;
	[tilespmem:s1+$0xFFFFFF00] =	vst v2  }
0xe2: {  	[hbm4b:s8+s3] =	stream.linear.scatter [tilespmem:s0], [sflag:$0x5], $0x8000, $0x38;
	[tilespmem:$0x18600] =	vst v63  }
0xe3: {  	_ =	swait.ge [sflag:s7], $0x8000  }
0xe4: {  	[sflag:s7] =	ssyncset.done $0x0  }
0xe5: {  	[sflag:s7] =	ssyncadd.s32 $0xFFFF8000  }
0xe6: {  	s9 =	sadd.s32 s30, s13;
	_ =	swait.ge [sflag:s25], $0x8000  }
0xe7: {  	s1 =	sshrl.u32 s9, $0x3;
	[sflag:s25] =	ssyncset.done $0x0  }
0xe8: {  	s1 =	sadd.s32 s4, s1;
	[sflag:s25] =	ssyncadd.s32 $0xFFFF8000  }
0xe9: {  	[tilespmem:s31], [sflag:$0x7] =	stream.linear.gather [hbm4b:s1+s3], $0x200, $0x38;
	[tilespmem:$0x18600] =	vst v63  }
0xea: {  	_ =	swait.ge [sflag:s22], $0x200  }
0xeb: {  	[sflag:s22] =	ssyncset.done $0x0  }
0xec: {  	[sflag:s22] =	ssyncadd.s32 $0xFFFFFE00  }
0xed: {  	[tilespmem:s0], [sflag:$0x2] =	stream.indirect.gather [hbm4b:s5+s23], $0x40, s31, s23, $0xb8;
	[tilespmem:$0x18600] =	vst v63  }
0xee: {  	s9 =	simm.s32 $0xA600;
	s8 =	simm.s32 $0x280  }
0xef: {  	[tilespmem:s9], [sflag:$0x2] =	stream.indirect.gather [hbm4b:s5+s23], $0x40, s8, s23, $0xb8;
	[tilespmem:$0x18600] =	vst v63  }
0xf0: {  	s9 =	simm.s32 $0x300  }
0xf1: {  	[tilespmem:s10], [sflag:$0x2] =	stream.indirect.gather [hbm4b:s5+s23], $0x40, s9, s23, $0xb8;
	[tilespmem:$0x18600] =	vst v63  }
0xf2: {  	s1 =	simm.s32 $0x10700  }
0xf3: {  	[tilespmem:s16], [sflag:$0x2] =	stream.indirect.gather [hbm4b:s5+s23], $0x40, s15, s23, $0xb8;
	[tilespmem:$0x18600] =	vst v63  }
0xf4: {  	v0 =	vld [tilespmem:s1+$0xF0]  }
0xf5: {  	v1 =	vld [tilespmem:s1+$0xFFFFFF10]  }
0xf6: {  	v2 =	vld [tilespmem:s1+$0xFFFFFF20]  }
0xf7: {  	v3 =	vld [tilespmem:s1+$0xFFFFFF30]  }
0xf8: {  	v4 =	vld [tilespmem:s1+$0xFFFFFF40]  }
0xf9: {  	v5 =	vld [tilespmem:s1+$0xFFFFFF50];
	v0 =	vmul.f32 $8.000000000e+00, v0  }
0xfa: {  	v6 =	vld [tilespmem:s1+$0xFFFFFF60];
	v1 =	vmul.f32 $8.000000000e+00, v1  }
0xfb: {  	v7 =	vld [tilespmem:s1+$0xFFFFFF70];
	v2 =	vmul.f32 $8.000000000e+00, v2;
	[tilespmem:s1+$0xF0] =	vst v0  }
0xfc: {  	[tilespmem:s1+$0xFFFFFF10] =	vst v1;
	v0 =	vmul.f32 $8.000000000e+00, v3;
	v1 =	vld [tilespmem:s1+$0xFFFFFF80]  }
0xfd: {  	[tilespmem:s1+$0xFFFFFF20] =	vst v2;
	v2 =	vmul.f32 $8.000000000e+00, v4;
	v3 =	vld [tilespmem:s1+$0xFFFFFF90]  }
0xfe: {  	v4 =	vld [tilespmem:s1+$0xFFFFFFA0];
	[tilespmem:s1+$0xFFFFFF30] =	vst v0;
	v0 =	vmul.f32 $8.000000000e+00, v5  }
0xff: {  	[tilespmem:s1+$0xFFFFFF40] =	vst v2;
	v2 =	vmul.f32 $8.000000000e+00, v6;
	v5 =	vld [tilespmem:s1+$0xFFFFFFB0]  }
0x100: {  	v6 =	vld [tilespmem:s1+$0xFFFFFFC0];
	[tilespmem:s1+$0xFFFFFF50] =	vst v0;
	v0 =	vmul.f32 $8.000000000e+00, v7  }
0x101: {  	[tilespmem:s1+$0xFFFFFF60] =	vst v2;
	v2 =	vld [tilespmem:s1+$0xFFFFFFD0];
	v1 =	vmul.f32 $8.000000000e+00, v1  }
0x102: {  	[tilespmem:s1+$0xFFFFFF70] =	vst v0;
	v0 =	vmul.f32 $8.000000000e+00, v3;
	v3 =	vld [tilespmem:s1+$0xFFFFFFE0]  }
0x103: {  	[tilespmem:s1+$0xFFFFFF80] =	vst v1;
	v1 =	vmul.f32 $8.000000000e+00, v4;
	v4 =	vld [tilespmem:s1+$0xFFFFFFF0]  }
0x104: {  	[tilespmem:s1+$0xFFFFFF90] =	vst v0;
	v0 =	vmul.f32 $8.000000000e+00, v5;
	v5 =	vld [tilespmem:s1+$0x0]  }
0x105: {  	[tilespmem:s1+$0xFFFFFFA0] =	vst v1;
	v1 =	vmul.f32 $8.000000000e+00, v6;
	v6 =	vld [tilespmem:s1+$0x10]  }
0x106: {  	[tilespmem:s1+$0xFFFFFFB0] =	vst v0;
	v0 =	vmul.f32 $8.000000000e+00, v2;
	v2 =	vld [tilespmem:s1+$0x20]  }
0x107: {  	[tilespmem:s1+$0xFFFFFFC0] =	vst v1;
	v1 =	vmul.f32 $8.000000000e+00, v3;
	v3 =	vld [tilespmem:s1+$0x30]  }
0x108: {  	[tilespmem:s1+$0xFFFFFFD0] =	vst v0;
	v0 =	vmul.f32 $8.000000000e+00, v4;
	v4 =	vld [tilespmem:s1+$0x40]  }
0x109: {  	[tilespmem:s1+$0xFFFFFFE0] =	vst v1;
	v1 =	vmul.f32 $8.000000000e+00, v5;
	v5 =	vld [tilespmem:s1+$0x50]  }
0x10a: {  	[tilespmem:s1+$0xFFFFFFF0] =	vst v0;
	v0 =	vmul.f32 $8.000000000e+00, v6;
	v6 =	vld [tilespmem:s1+$0x60]  }
0x10b: {  	[tilespmem:s1+$0x0] =	vst v1;
	v1 =	vmul.f32 $8.000000000e+00, v2;
	v2 =	vld [tilespmem:s1+$0x70]  }
0x10c: {  	[tilespmem:s1+$0x10] =	vst v0;
	v0 =	vmul.f32 $8.000000000e+00, v3;
	v3 =	vld [tilespmem:s1+$0x80]  }
0x10d: {  	[tilespmem:s1+$0x20] =	vst v1;
	v1 =	vmul.f32 $8.000000000e+00, v4;
	v4 =	vld [tilespmem:s1+$0x90]  }
0x10e: {  	v7 =	vld [tilespmem:s1+$0xA0];
	[tilespmem:s1+$0x30] =	vst v0;
	v5 =	vmul.f32 $8.000000000e+00, v5  }
0x10f: {  	v0 =	vld [tilespmem:s1+$0xB0];
	[tilespmem:s1+$0x40] =	vst v1;
	v6 =	vmul.f32 $8.000000000e+00, v6  }
0x110: {  	v1 =	vld [tilespmem:s1+$0xC0];
	[tilespmem:s1+$0x50] =	vst v5;
	v5 =	vmul.f32 $8.000000000e+00, v2  }
0x111: {  	v2 =	vld [tilespmem:s1+$0xD0];
	[tilespmem:s1+$0x60] =	vst v6;
	v6 =	vmul.f32 $8.000000000e+00, v3  }
0x112: {  	v3 =	vld [tilespmem:s1+$0xE0];
	[tilespmem:s1+$0x70] =	vst v5;
	v5 =	vmul.f32 $8.000000000e+00, v4  }
0x113: {  	s8 =	simm.s32 $0x0;
	s9 =	simm.s32 $0x10900;
	v4 =	vld [tilespmem:s1+$0xFFFFFF00];
	[tilespmem:s1+$0x80] =	vst v6;
	v6 =	vmul.f32 $8.000000000e+00, v7  }
.LBB2_7:
0x114: {  	v7 =	vld [tilespmem:s9+$0xF0];
	s8 =	sadd.s32 $0x8, s8;
	[tilespmem:s1+$0x90] =	vst v5;
	v0 =	vmul.f32 $8.000000000e+00, v0  }
0x115: {  	v5 =	vld [tilespmem:s9+$0xFFFFFF10];
	p0 =	slt.u32 s8, $0x1F8;
	[tilespmem:s1+$0xA0] =	vst v6;
	v1 =	vmul.f32 $8.000000000e+00, v1  }
0x116: {  	v6 =	vld [tilespmem:s9+$0xFFFFFF20];
	[tilespmem:s1+$0xB0] =	vst v0;
	v0 =	vmul.f32 $8.000000000e+00, v2  }
0x117: {  	v2 =	vld [tilespmem:s9+$0xFFFFFF30];
	[tilespmem:s1+$0xC0] =	vst v1;
	v1 =	vmul.f32 $8.000000000e+00, v3  }
0x118: {  	v3 =	vld [tilespmem:s9+$0xFFFFFF40];
	v4 =	vmul.f32 $8.000000000e+00, v4;
	[tilespmem:s1+$0xD0] =	vst v0  }
0x119: {  	v0 =	vld [tilespmem:s9+$0xFFFFFF50];
	v7 =	vmul.f32 $8.000000000e+00, v7;
	[tilespmem:s1+$0xE0] =	vst v1  }
0x11a: {  	v1 =	vmul.f32 $8.000000000e+00, v5;
	v5 =	vld [tilespmem:s9+$0xFFFFFF60];
	[tilespmem:s1+$0xFFFFFF00] =	vst v4;
	s1 =	smov.u32 s9  }
0x11b: {  	v4 =	vmul.f32 $8.000000000e+00, v6;
	v6 =	vld [tilespmem:s9+$0xFFFFFF70];
	[tilespmem:s9+$0xF0] =	vst v7  }
0x11c: {  	[tilespmem:s9+$0xFFFFFF10] =	vst v1;
	v1 =	vmul.f32 $8.000000000e+00, v2;
	v2 =	vld [tilespmem:s9+$0xFFFFFF80]  }
0x11d: {  	[tilespmem:s9+$0xFFFFFF20] =	vst v4;
	v3 =	vmul.f32 $8.000000000e+00, v3;
	v4 =	vld [tilespmem:s9+$0xFFFFFF90]  }
0x11e: {  	[tilespmem:s9+$0xFFFFFF30] =	vst v1;
	v0 =	vmul.f32 $8.000000000e+00, v0;
	v1 =	vld [tilespmem:s9+$0xFFFFFFA0]  }
0x11f: {  	[tilespmem:s9+$0xFFFFFF40] =	vst v3;
	v3 =	vmul.f32 $8.000000000e+00, v5;
	v5 =	vld [tilespmem:s9+$0xFFFFFFB0]  }
0x120: {  	[tilespmem:s9+$0xFFFFFF50] =	vst v0;
	v0 =	vmul.f32 $8.000000000e+00, v6;
	v6 =	vld [tilespmem:s9+$0xFFFFFFC0]  }
0x121: {  	[tilespmem:s9+$0xFFFFFF60] =	vst v3;
	v2 =	vmul.f32 $8.000000000e+00, v2;
	v3 =	vld [tilespmem:s9+$0xFFFFFFD0]  }
0x122: {  	[tilespmem:s9+$0xFFFFFF70] =	vst v0;
	v0 =	vmul.f32 $8.000000000e+00, v4;
	v4 =	vld [tilespmem:s9+$0xFFFFFFE0]  }
0x123: {  	[tilespmem:s9+$0xFFFFFF80] =	vst v2;
	v1 =	vmul.f32 $8.000000000e+00, v1;
	v2 =	vld [tilespmem:s9+$0xFFFFFFF0]  }
0x124: {  	[tilespmem:s9+$0xFFFFFF90] =	vst v0;
	v0 =	vmul.f32 $8.000000000e+00, v5;
	v5 =	vld [tilespmem:s9+$0x0]  }
0x125: {  	[tilespmem:s9+$0xFFFFFFA0] =	vst v1;
	v1 =	vmul.f32 $8.000000000e+00, v6;
	v6 =	vld [tilespmem:s9+$0x10]  }
0x126: {  	[tilespmem:s9+$0xFFFFFFB0] =	vst v0;
	v0 =	vmul.f32 $8.000000000e+00, v3;
	v3 =	vld [tilespmem:s9+$0x20]  }
0x127: {  	[tilespmem:s9+$0xFFFFFFC0] =	vst v1;
	v1 =	vmul.f32 $8.000000000e+00, v4;
	v4 =	vld [tilespmem:s9+$0x30]  }
0x128: {  	[tilespmem:s9+$0xFFFFFFD0] =	vst v0;
	v0 =	vmul.f32 $8.000000000e+00, v2;
	v2 =	vld [tilespmem:s9+$0x40]  }
0x129: {  	[tilespmem:s9+$0xFFFFFFE0] =	vst v1;
	v1 =	vmul.f32 $8.000000000e+00, v5;
	v5 =	vld [tilespmem:s9+$0x50]  }
0x12a: {  	[tilespmem:s9+$0xFFFFFFF0] =	vst v0;
	v0 =	vmul.f32 $8.000000000e+00, v6;
	v6 =	vld [tilespmem:s9+$0x60]  }
0x12b: {  	[tilespmem:s9+$0x0] =	vst v1;
	v1 =	vmul.f32 $8.000000000e+00, v3;
	v3 =	vld [tilespmem:s9+$0x70]  }
0x12c: {  	[tilespmem:s9+$0x10] =	vst v0;
	v0 =	vmul.f32 $8.000000000e+00, v4;
	v4 =	vld [tilespmem:s9+$0x80]  }
0x12d: {  	[tilespmem:s9+$0x20] =	vst v1;
	v1 =	vmul.f32 $8.000000000e+00, v2;
	v7 =	vld [tilespmem:s9+$0x90]  }
0x12e: {  	[tilespmem:s9+$0x30] =	vst v0;
	v2 =	vmul.f32 $8.000000000e+00, v5;
	v8 =	vld [tilespmem:s9+$0xA0]  }
.Ltmp2:
0x12f: {  	[tilespmem:s9+$0x40] =	vst v1;
	v5 =	vmul.f32 $8.000000000e+00, v6;
	v0 =	vld [tilespmem:s9+$0xB0];
	(pc) =	sbr.rel @p0 .LBB2_7-.Ltmp2, $4  }
0x130: {  	[tilespmem:s9+$0x50] =	vst v2;
	v3 =	vmul.f32 $8.000000000e+00, v3;
	v1 =	vld [tilespmem:s9+$0xC0]  }
0x131: {  	[tilespmem:s9+$0x60] =	vst v5;
	v6 =	vmul.f32 $8.000000000e+00, v4;
	v2 =	vld [tilespmem:s9+$0xD0]  }
0x132: {  	[tilespmem:s9+$0x70] =	vst v3;
	v5 =	vmul.f32 $8.000000000e+00, v7;
	v3 =	vld [tilespmem:s9+$0xE0]  }
0x133: {  	s9 =	sadd.s32 $0x200, s9;
	v4 =	vld [tilespmem:s1+$0xFFFFFF00];
	[tilespmem:s1+$0x80] =	vst v6;
	v6 =	vmul.f32 $8.000000000e+00, v8  }
0x134: {  	[tilespmem:s1+$0x90] =	vst v5;
	v0 =	vmul.f32 $8.000000000e+00, v0  }
0x135: {  	[tilespmem:s1+$0xA0] =	vst v6;
	v1 =	vmul.f32 $8.000000000e+00, v1  }
0x136: {  	[tilespmem:s1+$0xB0] =	vst v0;
	v0 =	vmul.f32 $8.000000000e+00, v2  }
0x137: {  	s8 =	sadd.s32 s30, s6;
	[tilespmem:s1+$0xC0] =	vst v1;
	v1 =	vmul.f32 $8.000000000e+00, v3  }
0x138: {  	s8 =	sshll.u32 s8, $0x3;
	v2 =	vmul.f32 $8.000000000e+00, v4;
	[tilespmem:s1+$0xD0] =	vst v0  }
0x139: {  	s8 =	sand.u32 $0x1FFFF000, s8;
	[tilespmem:s1+$0xE0] =	vst v1  }
0x13a: {  	s9 =	sadd.s32 s2, s8;
	[tilespmem:s1+$0xFFFFFF00] =	vst v2  }
0x13b: {  	[hbm4b:s9+s3] =	stream.linear.scatter [tilespmem:s19], [sflag:$0x6], $0x8000, $0x38;
	[tilespmem:$0x18600] =	vst v63  }
0x13c: {  	_ =	swait.ge [sflag:s17], $0x8000  }
0x13d: {  	[sflag:s17] =	ssyncset.done $0x0  }
0x13e: {  	[sflag:s17] =	ssyncadd.s32 $0xFFFF8000  }
0x13f: {  	s8 =	sadd.s32 s30, s14;
	_ =	swait.ge [sflag:s26], $0x8000  }
0x140: {  	s1 =	sshrl.u32 s8, $0x3;
	[sflag:s26] =	ssyncset.done $0x0  }
0x141: {  	s1 =	sadd.s32 s4, s1;
	[sflag:s26] =	ssyncadd.s32 $0xFFFF8000  }
0x142: {  	[tilespmem:s18], [sflag:$0x7] =	stream.linear.gather [hbm4b:s1+s3], $0x200, $0x38;
	[tilespmem:$0x18600] =	vst v63  }
0x143: {  	_ =	swait.ge [sflag:s22], $0x200  }
0x144: {  	[sflag:s22] =	ssyncset.done $0x0  }
0x145: {  	[sflag:s22] =	ssyncadd.s32 $0xFFFFFE00  }
0x146: {  	[tilespmem:s19], [sflag:$0x3] =	stream.indirect.gather [hbm4b:s5+s23], $0x40, s18, s23, $0xb8;
	[tilespmem:$0x18600] =	vst v63  }
0x147: {  	s30 =	simm.s32 $0x12600;
	s9 =	simm.s32 $0x480  }
0x148: {  	[tilespmem:s30], [sflag:$0x3] =	stream.indirect.gather [hbm4b:s5+s23], $0x40, s9, s23, $0xb8;
	[tilespmem:$0x18600] =	vst v63  }
0x149: {  	s9 =	simm.s32 $0x500;
	s30 =	simm.s32 $0x14600  }
0x14a: {  	[tilespmem:s30], [sflag:$0x3] =	stream.indirect.gather [hbm4b:s5+s23], $0x40, s9, s23, $0xb8;
	[tilespmem:$0x18600] =	vst v63  }
0x14b: {  	s1 =	simm.s32 $0x700;
	s9 =	simm.s32 $0x580;
	s30 =	simm.s32 $0x16600  }
0x14c: {  	[tilespmem:s30], [sflag:$0x3] =	stream.indirect.gather [hbm4b:s5+s23], $0x40, s9, s23, $0xb8;
	[tilespmem:$0x18600] =	vst v63  }
0x14d: {  	v0 =	vld [tilespmem:s1+$0xF0]  }
0x14e: {  	v1 =	vld [tilespmem:s1+$0xFFFFFF10]  }
0x14f: {  	v2 =	vld [tilespmem:s1+$0xFFFFFF20]  }
0x150: {  	v3 =	vld [tilespmem:s1+$0xFFFFFF30]  }
0x151: {  	v4 =	vld [tilespmem:s1+$0xFFFFFF40]  }
0x152: {  	v5 =	vld [tilespmem:s1+$0xFFFFFF50];
	v0 =	vmul.f32 $8.000000000e+00, v0  }
0x153: {  	v6 =	vld [tilespmem:s1+$0xFFFFFF60];
	v1 =	vmul.f32 $8.000000000e+00, v1  }
0x154: {  	v7 =	vld [tilespmem:s1+$0xFFFFFF70];
	v2 =	vmul.f32 $8.000000000e+00, v2;
	[tilespmem:s1+$0xF0] =	vst v0  }
0x155: {  	[tilespmem:s1+$0xFFFFFF10] =	vst v1;
	v0 =	vmul.f32 $8.000000000e+00, v3;
	v1 =	vld [tilespmem:s1+$0xFFFFFF80]  }
0x156: {  	[tilespmem:s1+$0xFFFFFF20] =	vst v2;
	v2 =	vmul.f32 $8.000000000e+00, v4;
	v3 =	vld [tilespmem:s1+$0xFFFFFF90]  }
0x157: {  	v4 =	vld [tilespmem:s1+$0xFFFFFFA0];
	[tilespmem:s1+$0xFFFFFF30] =	vst v0;
	v0 =	vmul.f32 $8.000000000e+00, v5  }
0x158: {  	[tilespmem:s1+$0xFFFFFF40] =	vst v2;
	v2 =	vmul.f32 $8.000000000e+00, v6;
	v5 =	vld [tilespmem:s1+$0xFFFFFFB0]  }
0x159: {  	v6 =	vld [tilespmem:s1+$0xFFFFFFC0];
	[tilespmem:s1+$0xFFFFFF50] =	vst v0;
	v0 =	vmul.f32 $8.000000000e+00, v7  }
0x15a: {  	[tilespmem:s1+$0xFFFFFF60] =	vst v2;
	v2 =	vld [tilespmem:s1+$0xFFFFFFD0];
	v1 =	vmul.f32 $8.000000000e+00, v1  }
0x15b: {  	[tilespmem:s1+$0xFFFFFF70] =	vst v0;
	v0 =	vmul.f32 $8.000000000e+00, v3;
	v3 =	vld [tilespmem:s1+$0xFFFFFFE0]  }
0x15c: {  	[tilespmem:s1+$0xFFFFFF80] =	vst v1;
	v1 =	vmul.f32 $8.000000000e+00, v4;
	v4 =	vld [tilespmem:s1+$0xFFFFFFF0]  }
0x15d: {  	[tilespmem:s1+$0xFFFFFF90] =	vst v0;
	v0 =	vmul.f32 $8.000000000e+00, v5;
	v5 =	vld [tilespmem:s1+$0x0]  }
0x15e: {  	[tilespmem:s1+$0xFFFFFFA0] =	vst v1;
	v1 =	vmul.f32 $8.000000000e+00, v6;
	v6 =	vld [tilespmem:s1+$0x10]  }
0x15f: {  	[tilespmem:s1+$0xFFFFFFB0] =	vst v0;
	v0 =	vmul.f32 $8.000000000e+00, v2;
	v2 =	vld [tilespmem:s1+$0x20]  }
0x160: {  	[tilespmem:s1+$0xFFFFFFC0] =	vst v1;
	v1 =	vmul.f32 $8.000000000e+00, v3;
	v3 =	vld [tilespmem:s1+$0x30]  }
0x161: {  	[tilespmem:s1+$0xFFFFFFD0] =	vst v0;
	v0 =	vmul.f32 $8.000000000e+00, v4;
	v4 =	vld [tilespmem:s1+$0x40]  }
0x162: {  	[tilespmem:s1+$0xFFFFFFE0] =	vst v1;
	v1 =	vmul.f32 $8.000000000e+00, v5;
	v5 =	vld [tilespmem:s1+$0x50]  }
0x163: {  	[tilespmem:s1+$0xFFFFFFF0] =	vst v0;
	v0 =	vmul.f32 $8.000000000e+00, v6;
	v6 =	vld [tilespmem:s1+$0x60]  }
0x164: {  	[tilespmem:s1+$0x0] =	vst v1;
	v1 =	vmul.f32 $8.000000000e+00, v2;
	v2 =	vld [tilespmem:s1+$0x70]  }
0x165: {  	[tilespmem:s1+$0x10] =	vst v0;
	v0 =	vmul.f32 $8.000000000e+00, v3;
	v3 =	vld [tilespmem:s1+$0x80]  }
0x166: {  	[tilespmem:s1+$0x20] =	vst v1;
	v1 =	vmul.f32 $8.000000000e+00, v4;
	v4 =	vld [tilespmem:s1+$0x90]  }
0x167: {  	v7 =	vld [tilespmem:s1+$0xA0];
	[tilespmem:s1+$0x30] =	vst v0;
	v5 =	vmul.f32 $8.000000000e+00, v5  }
0x168: {  	v0 =	vld [tilespmem:s1+$0xB0];
	[tilespmem:s1+$0x40] =	vst v1;
	v6 =	vmul.f32 $8.000000000e+00, v6  }
0x169: {  	v1 =	vld [tilespmem:s1+$0xC0];
	[tilespmem:s1+$0x50] =	vst v5;
	v5 =	vmul.f32 $8.000000000e+00, v2  }
0x16a: {  	v2 =	vld [tilespmem:s1+$0xD0];
	[tilespmem:s1+$0x60] =	vst v6;
	v6 =	vmul.f32 $8.000000000e+00, v3  }
0x16b: {  	v3 =	vld [tilespmem:s1+$0xE0];
	[tilespmem:s1+$0x70] =	vst v5;
	v5 =	vmul.f32 $8.000000000e+00, v4  }
0x16c: {  	s8 =	simm.s32 $0x0;
	s9 =	simm.s32 $0x900;
	v4 =	vld [tilespmem:s1+$0xFFFFFF00];
	[tilespmem:s1+$0x80] =	vst v6;
	v6 =	vmul.f32 $8.000000000e+00, v7  }
.LBB2_9:
0x16d: {  	v7 =	vld [tilespmem:s9+$0xF0];
	s8 =	sadd.s32 $0x8, s8;
	[tilespmem:s1+$0x90] =	vst v5;
	v0 =	vmul.f32 $8.000000000e+00, v0  }
0x16e: {  	v5 =	vld [tilespmem:s9+$0xFFFFFF10];
	p0 =	slt.u32 s8, $0x1F8;
	[tilespmem:s1+$0xA0] =	vst v6;
	v1 =	vmul.f32 $8.000000000e+00, v1  }
0x16f: {  	v6 =	vld [tilespmem:s9+$0xFFFFFF20];
	[tilespmem:s1+$0xB0] =	vst v0;
	v0 =	vmul.f32 $8.000000000e+00, v2  }
0x170: {  	v2 =	vld [tilespmem:s9+$0xFFFFFF30];
	[tilespmem:s1+$0xC0] =	vst v1;
	v1 =	vmul.f32 $8.000000000e+00, v3  }
0x171: {  	v3 =	vld [tilespmem:s9+$0xFFFFFF40];
	v4 =	vmul.f32 $8.000000000e+00, v4;
	[tilespmem:s1+$0xD0] =	vst v0  }
0x172: {  	v0 =	vld [tilespmem:s9+$0xFFFFFF50];
	v7 =	vmul.f32 $8.000000000e+00, v7;
	[tilespmem:s1+$0xE0] =	vst v1  }
0x173: {  	v1 =	vmul.f32 $8.000000000e+00, v5;
	v5 =	vld [tilespmem:s9+$0xFFFFFF60];
	[tilespmem:s1+$0xFFFFFF00] =	vst v4;
	s1 =	smov.u32 s9  }
0x174: {  	v4 =	vmul.f32 $8.000000000e+00, v6;
	v6 =	vld [tilespmem:s9+$0xFFFFFF70];
	[tilespmem:s9+$0xF0] =	vst v7  }
0x175: {  	[tilespmem:s9+$0xFFFFFF10] =	vst v1;
	v1 =	vmul.f32 $8.000000000e+00, v2;
	v2 =	vld [tilespmem:s9+$0xFFFFFF80]  }
0x176: {  	[tilespmem:s9+$0xFFFFFF20] =	vst v4;
	v3 =	vmul.f32 $8.000000000e+00, v3;
	v4 =	vld [tilespmem:s9+$0xFFFFFF90]  }
0x177: {  	[tilespmem:s9+$0xFFFFFF30] =	vst v1;
	v0 =	vmul.f32 $8.000000000e+00, v0;
	v1 =	vld [tilespmem:s9+$0xFFFFFFA0]  }
0x178: {  	[tilespmem:s9+$0xFFFFFF40] =	vst v3;
	v3 =	vmul.f32 $8.000000000e+00, v5;
	v5 =	vld [tilespmem:s9+$0xFFFFFFB0]  }
0x179: {  	[tilespmem:s9+$0xFFFFFF50] =	vst v0;
	v0 =	vmul.f32 $8.000000000e+00, v6;
	v6 =	vld [tilespmem:s9+$0xFFFFFFC0]  }
0x17a: {  	[tilespmem:s9+$0xFFFFFF60] =	vst v3;
	v2 =	vmul.f32 $8.000000000e+00, v2;
	v3 =	vld [tilespmem:s9+$0xFFFFFFD0]  }
0x17b: {  	[tilespmem:s9+$0xFFFFFF70] =	vst v0;
	v0 =	vmul.f32 $8.000000000e+00, v4;
	v4 =	vld [tilespmem:s9+$0xFFFFFFE0]  }
0x17c: {  	[tilespmem:s9+$0xFFFFFF80] =	vst v2;
	v1 =	vmul.f32 $8.000000000e+00, v1;
	v2 =	vld [tilespmem:s9+$0xFFFFFFF0]  }
0x17d: {  	[tilespmem:s9+$0xFFFFFF90] =	vst v0;
	v0 =	vmul.f32 $8.000000000e+00, v5;
	v5 =	vld [tilespmem:s9+$0x0]  }
0x17e: {  	[tilespmem:s9+$0xFFFFFFA0] =	vst v1;
	v1 =	vmul.f32 $8.000000000e+00, v6;
	v6 =	vld [tilespmem:s9+$0x10]  }
0x17f: {  	[tilespmem:s9+$0xFFFFFFB0] =	vst v0;
	v0 =	vmul.f32 $8.000000000e+00, v3;
	v3 =	vld [tilespmem:s9+$0x20]  }
0x180: {  	[tilespmem:s9+$0xFFFFFFC0] =	vst v1;
	v1 =	vmul.f32 $8.000000000e+00, v4;
	v4 =	vld [tilespmem:s9+$0x30]  }
0x181: {  	[tilespmem:s9+$0xFFFFFFD0] =	vst v0;
	v0 =	vmul.f32 $8.000000000e+00, v2;
	v2 =	vld [tilespmem:s9+$0x40]  }
0x182: {  	[tilespmem:s9+$0xFFFFFFE0] =	vst v1;
	v1 =	vmul.f32 $8.000000000e+00, v5;
	v5 =	vld [tilespmem:s9+$0x50]  }
0x183: {  	[tilespmem:s9+$0xFFFFFFF0] =	vst v0;
	v0 =	vmul.f32 $8.000000000e+00, v6;
	v6 =	vld [tilespmem:s9+$0x60]  }
0x184: {  	[tilespmem:s9+$0x0] =	vst v1;
	v1 =	vmul.f32 $8.000000000e+00, v3;
	v3 =	vld [tilespmem:s9+$0x70]  }
0x185: {  	[tilespmem:s9+$0x10] =	vst v0;
	v0 =	vmul.f32 $8.000000000e+00, v4;
	v4 =	vld [tilespmem:s9+$0x80]  }
0x186: {  	[tilespmem:s9+$0x20] =	vst v1;
	v1 =	vmul.f32 $8.000000000e+00, v2;
	v7 =	vld [tilespmem:s9+$0x90]  }
0x187: {  	[tilespmem:s9+$0x30] =	vst v0;
	v2 =	vmul.f32 $8.000000000e+00, v5;
	v8 =	vld [tilespmem:s9+$0xA0]  }
.Ltmp3:
0x188: {  	[tilespmem:s9+$0x40] =	vst v1;
	v5 =	vmul.f32 $8.000000000e+00, v6;
	v0 =	vld [tilespmem:s9+$0xB0];
	(pc) =	sbr.rel @p0 .LBB2_9-.Ltmp3, $4  }
0x189: {  	[tilespmem:s9+$0x50] =	vst v2;
	v3 =	vmul.f32 $8.000000000e+00, v3;
	v1 =	vld [tilespmem:s9+$0xC0]  }
0x18a: {  	[tilespmem:s9+$0x60] =	vst v5;
	v6 =	vmul.f32 $8.000000000e+00, v4;
	v2 =	vld [tilespmem:s9+$0xD0]  }
0x18b: {  	[tilespmem:s9+$0x70] =	vst v3;
	v5 =	vmul.f32 $8.000000000e+00, v7;
	v3 =	vld [tilespmem:s9+$0xE0]  }
0x18c: {  	s9 =	sadd.s32 $0x200, s9;
	v4 =	vld [tilespmem:s1+$0xFFFFFF00];
	[tilespmem:s1+$0x80] =	vst v6;
	v6 =	vmul.f32 $8.000000000e+00, v8  }
0x18d: {  	[tilespmem:s1+$0x90] =	vst v5;
	v0 =	vmul.f32 $8.000000000e+00, v0  }
0x18e: {  	s28 =	sadd.s32 $0x1, s28;
	[tilespmem:s1+$0xA0] =	vst v6;
	v1 =	vmul.f32 $8.000000000e+00, v1  }
0x18f: {  	p0 =	sne.s32 s28, $0xF;
	[tilespmem:s1+$0xB0] =	vst v0;
	v61 =	vmul.f32 $8.000000000e+00, v2  }
.Ltmp4:
0x190: {  	[tilespmem:s1+$0xC0] =	vst v1;
	v62 =	vmul.f32 $8.000000000e+00, v3;
	(pc) =	sbr.rel @p0 .LBB2_4-.Ltmp4, $4  }
0x191: {  	s8 =	sshll.u32 s29, $0x3;
	v63 =	vmul.f32 $8.000000000e+00, v4;
	[tilespmem:s1+$0xD0] =	vst v61  }
0x192: {  	s8 =	sand.u32 $0x1FFFF000, s8;
	[tilespmem:s1+$0xE0] =	vst v62  }
0x193: {  	s30 =	sadd.s32 s2, s8;
	[tilespmem:s1+$0xFFFFFF00] =	vst v63  }
0x194: {  	[hbm4b:s30+s3] =	stream.linear.scatter [tilespmem:s24], [sflag:$0x4], $0x8000, $0x38;
	[tilespmem:$0x18600] =	vst v63  }
0x195: {  	_ =	swait.ge [sflag:s20], $0x8000  }
0x196: {  	[sflag:s20] =	ssyncset.done $0x0  }
0x197: {  	[sflag:s20] =	ssyncadd.s32 $0xFFFF8000  }
0x198: {  	_ =	swait.ge [sflag:s21], $0x8000  }
0x199: {  	[sflag:s21] =	ssyncset.done $0x0  }
0x19a: {  	s1 =	rddreg [dreg:$0x7];
	[sflag:s21] =	ssyncadd.s32 $0xFFFF8000  }
0x19b: {  	[tilespmem:s3], [sflag:$0x7] =	stream.linear.gather [hbm4b:s1+s3], $0x200, $0x38;
	[tilespmem:$0x18600] =	vst v63  }
0x19c: {  	_ =	swait.ge [sflag:s22], $0x200  }
0x19d: {  	[sflag:s22] =	ssyncset.done $0x0  }
0x19e: {  	[sflag:s22] =	ssyncadd.s32 $0xFFFFFE00  }
0x19f: {  	[tilespmem:s24], [sflag:$0x1] =	stream.indirect.gather [hbm4b:s5+s23], $0x40, s3, s23, $0xb8;
	[tilespmem:$0x18600] =	vst v63  }
0x1a0: {  	s9 =	simm.s32 $0x2600  }
0x1a1: {  	[tilespmem:s9], [sflag:$0x1] =	stream.indirect.gather [hbm4b:s5+s23], $0x40, s23, s23, $0xb8;
	[tilespmem:$0x18600] =	vst v63  }
0x1a2: {  	s28 =	simm.s32 $0x100;
	s8 =	simm.s32 $0x4600  }
0x1a3: {  	[tilespmem:s8], [sflag:$0x1] =	stream.indirect.gather [hbm4b:s5+s23], $0x40, s28, s23, $0xb8;
	[tilespmem:$0x18600] =	vst v63  }
0x1a4: {  	s29 =	simm.s32 $0x180;
	s30 =	simm.s32 $0x6600;
	s1 =	simm.s32 $0x8700  }
0x1a5: {  	[tilespmem:s30], [sflag:$0x1] =	stream.indirect.gather [hbm4b:s5+s23], $0x40, s29, s23, $0xb8;
	[tilespmem:$0x18600] =	vst v63  }
0x1a6: {  	v0 =	vld [tilespmem:s1+$0xF0]  }
0x1a7: {  	v1 =	vld [tilespmem:s1+$0xFFFFFF10]  }
0x1a8: {  	v2 =	vld [tilespmem:s1+$0xFFFFFF20]  }
0x1a9: {  	v3 =	vld [tilespmem:s1+$0xFFFFFF30]  }
0x1aa: {  	v4 =	vld [tilespmem:s1+$0xFFFFFF40]  }
0x1ab: {  	v5 =	vld [tilespmem:s1+$0xFFFFFF50];
	v0 =	vmul.f32 $8.000000000e+00, v0  }
0x1ac: {  	v6 =	vld [tilespmem:s1+$0xFFFFFF60];
	v1 =	vmul.f32 $8.000000000e+00, v1  }
0x1ad: {  	v7 =	vld [tilespmem:s1+$0xFFFFFF70];
	v2 =	vmul.f32 $8.000000000e+00, v2;
	[tilespmem:s1+$0xF0] =	vst v0  }
0x1ae: {  	[tilespmem:s1+$0xFFFFFF10] =	vst v1;
	v0 =	vmul.f32 $8.000000000e+00, v3;
	v1 =	vld [tilespmem:s1+$0xFFFFFF80]  }
0x1af: {  	[tilespmem:s1+$0xFFFFFF20] =	vst v2;
	v2 =	vmul.f32 $8.000000000e+00, v4;
	v3 =	vld [tilespmem:s1+$0xFFFFFF90]  }
0x1b0: {  	v4 =	vld [tilespmem:s1+$0xFFFFFFA0];
	[tilespmem:s1+$0xFFFFFF30] =	vst v0;
	v0 =	vmul.f32 $8.000000000e+00, v5  }
0x1b1: {  	[tilespmem:s1+$0xFFFFFF40] =	vst v2;
	v2 =	vmul.f32 $8.000000000e+00, v6;
	v5 =	vld [tilespmem:s1+$0xFFFFFFB0]  }
0x1b2: {  	v6 =	vld [tilespmem:s1+$0xFFFFFFC0];
	[tilespmem:s1+$0xFFFFFF50] =	vst v0;
	v0 =	vmul.f32 $8.000000000e+00, v7  }
0x1b3: {  	[tilespmem:s1+$0xFFFFFF60] =	vst v2;
	v2 =	vld [tilespmem:s1+$0xFFFFFFD0];
	v1 =	vmul.f32 $8.000000000e+00, v1  }
0x1b4: {  	[tilespmem:s1+$0xFFFFFF70] =	vst v0;
	v0 =	vmul.f32 $8.000000000e+00, v3;
	v3 =	vld [tilespmem:s1+$0xFFFFFFE0]  }
0x1b5: {  	[tilespmem:s1+$0xFFFFFF80] =	vst v1;
	v1 =	vmul.f32 $8.000000000e+00, v4;
	v4 =	vld [tilespmem:s1+$0xFFFFFFF0]  }
0x1b6: {  	[tilespmem:s1+$0xFFFFFF90] =	vst v0;
	v0 =	vmul.f32 $8.000000000e+00, v5;
	v5 =	vld [tilespmem:s1+$0x0]  }
0x1b7: {  	[tilespmem:s1+$0xFFFFFFA0] =	vst v1;
	v1 =	vmul.f32 $8.000000000e+00, v6;
	v6 =	vld [tilespmem:s1+$0x10]  }
0x1b8: {  	[tilespmem:s1+$0xFFFFFFB0] =	vst v0;
	v0 =	vmul.f32 $8.000000000e+00, v2;
	v2 =	vld [tilespmem:s1+$0x20]  }
0x1b9: {  	[tilespmem:s1+$0xFFFFFFC0] =	vst v1;
	v1 =	vmul.f32 $8.000000000e+00, v3;
	v3 =	vld [tilespmem:s1+$0x30]  }
0x1ba: {  	[tilespmem:s1+$0xFFFFFFD0] =	vst v0;
	v0 =	vmul.f32 $8.000000000e+00, v4;
	v4 =	vld [tilespmem:s1+$0x40]  }
0x1bb: {  	[tilespmem:s1+$0xFFFFFFE0] =	vst v1;
	v1 =	vmul.f32 $8.000000000e+00, v5;
	v5 =	vld [tilespmem:s1+$0x50]  }
0x1bc: {  	[tilespmem:s1+$0xFFFFFFF0] =	vst v0;
	v0 =	vmul.f32 $8.000000000e+00, v6;
	v6 =	vld [tilespmem:s1+$0x60]  }
0x1bd: {  	[tilespmem:s1+$0x0] =	vst v1;
	v1 =	vmul.f32 $8.000000000e+00, v2;
	v2 =	vld [tilespmem:s1+$0x70]  }
0x1be: {  	[tilespmem:s1+$0x10] =	vst v0;
	v0 =	vmul.f32 $8.000000000e+00, v3;
	v3 =	vld [tilespmem:s1+$0x80]  }
0x1bf: {  	[tilespmem:s1+$0x20] =	vst v1;
	v1 =	vmul.f32 $8.000000000e+00, v4;
	v4 =	vld [tilespmem:s1+$0x90]  }
0x1c0: {  	v7 =	vld [tilespmem:s1+$0xA0];
	[tilespmem:s1+$0x30] =	vst v0;
	v5 =	vmul.f32 $8.000000000e+00, v5  }
0x1c1: {  	v0 =	vld [tilespmem:s1+$0xB0];
	[tilespmem:s1+$0x40] =	vst v1;
	v6 =	vmul.f32 $8.000000000e+00, v6  }
0x1c2: {  	v1 =	vld [tilespmem:s1+$0xC0];
	[tilespmem:s1+$0x50] =	vst v5;
	v5 =	vmul.f32 $8.000000000e+00, v2  }
0x1c3: {  	v2 =	vld [tilespmem:s1+$0xD0];
	[tilespmem:s1+$0x60] =	vst v6;
	v6 =	vmul.f32 $8.000000000e+00, v3  }
0x1c4: {  	v3 =	vld [tilespmem:s1+$0xE0];
	[tilespmem:s1+$0x70] =	vst v5;
	v5 =	vmul.f32 $8.000000000e+00, v4  }
0x1c5: {  	s9 =	simm.s32 $0x8900;
	s8 =	simm.s32 $0x0;
	v4 =	vld [tilespmem:s1+$0xFFFFFF00];
	[tilespmem:s1+$0x80] =	vst v6;
	v6 =	vmul.f32 $8.000000000e+00, v7  }
.LBB2_12:
0x1c6: {  	v7 =	vld [tilespmem:s9+$0xF0];
	s8 =	sadd.s32 $0x8, s8;
	[tilespmem:s1+$0x90] =	vst v5;
	v0 =	vmul.f32 $8.000000000e+00, v0  }
0x1c7: {  	v5 =	vld [tilespmem:s9+$0xFFFFFF10];
	p0 =	slt.u32 s8, $0x1F8;
	[tilespmem:s1+$0xA0] =	vst v6;
	v1 =	vmul.f32 $8.000000000e+00, v1  }
0x1c8: {  	v6 =	vld [tilespmem:s9+$0xFFFFFF20];
	[tilespmem:s1+$0xB0] =	vst v0;
	v0 =	vmul.f32 $8.000000000e+00, v2  }
0x1c9: {  	v2 =	vld [tilespmem:s9+$0xFFFFFF30];
	[tilespmem:s1+$0xC0] =	vst v1;
	v1 =	vmul.f32 $8.000000000e+00, v3  }
0x1ca: {  	v3 =	vld [tilespmem:s9+$0xFFFFFF40];
	v4 =	vmul.f32 $8.000000000e+00, v4;
	[tilespmem:s1+$0xD0] =	vst v0  }
0x1cb: {  	v0 =	vld [tilespmem:s9+$0xFFFFFF50];
	v7 =	vmul.f32 $8.000000000e+00, v7;
	[tilespmem:s1+$0xE0] =	vst v1  }
0x1cc: {  	v1 =	vmul.f32 $8.000000000e+00, v5;
	v5 =	vld [tilespmem:s9+$0xFFFFFF60];
	[tilespmem:s1+$0xFFFFFF00] =	vst v4;
	s1 =	smov.u32 s9  }
0x1cd: {  	v4 =	vmul.f32 $8.000000000e+00, v6;
	v6 =	vld [tilespmem:s9+$0xFFFFFF70];
	[tilespmem:s9+$0xF0] =	vst v7  }
0x1ce: {  	[tilespmem:s9+$0xFFFFFF10] =	vst v1;
	v1 =	vmul.f32 $8.000000000e+00, v2;
	v2 =	vld [tilespmem:s9+$0xFFFFFF80]  }
0x1cf: {  	[tilespmem:s9+$0xFFFFFF20] =	vst v4;
	v3 =	vmul.f32 $8.000000000e+00, v3;
	v4 =	vld [tilespmem:s9+$0xFFFFFF90]  }
0x1d0: {  	[tilespmem:s9+$0xFFFFFF30] =	vst v1;
	v0 =	vmul.f32 $8.000000000e+00, v0;
	v1 =	vld [tilespmem:s9+$0xFFFFFFA0]  }
0x1d1: {  	[tilespmem:s9+$0xFFFFFF40] =	vst v3;
	v3 =	vmul.f32 $8.000000000e+00, v5;
	v5 =	vld [tilespmem:s9+$0xFFFFFFB0]  }
0x1d2: {  	[tilespmem:s9+$0xFFFFFF50] =	vst v0;
	v0 =	vmul.f32 $8.000000000e+00, v6;
	v6 =	vld [tilespmem:s9+$0xFFFFFFC0]  }
0x1d3: {  	[tilespmem:s9+$0xFFFFFF60] =	vst v3;
	v2 =	vmul.f32 $8.000000000e+00, v2;
	v3 =	vld [tilespmem:s9+$0xFFFFFFD0]  }
0x1d4: {  	[tilespmem:s9+$0xFFFFFF70] =	vst v0;
	v0 =	vmul.f32 $8.000000000e+00, v4;
	v4 =	vld [tilespmem:s9+$0xFFFFFFE0]  }
0x1d5: {  	[tilespmem:s9+$0xFFFFFF80] =	vst v2;
	v1 =	vmul.f32 $8.000000000e+00, v1;
	v2 =	vld [tilespmem:s9+$0xFFFFFFF0]  }
0x1d6: {  	[tilespmem:s9+$0xFFFFFF90] =	vst v0;
	v0 =	vmul.f32 $8.000000000e+00, v5;
	v5 =	vld [tilespmem:s9+$0x0]  }
0x1d7: {  	[tilespmem:s9+$0xFFFFFFA0] =	vst v1;
	v1 =	vmul.f32 $8.000000000e+00, v6;
	v6 =	vld [tilespmem:s9+$0x10]  }
0x1d8: {  	[tilespmem:s9+$0xFFFFFFB0] =	vst v0;
	v0 =	vmul.f32 $8.000000000e+00, v3;
	v3 =	vld [tilespmem:s9+$0x20]  }
0x1d9: {  	[tilespmem:s9+$0xFFFFFFC0] =	vst v1;
	v1 =	vmul.f32 $8.000000000e+00, v4;
	v4 =	vld [tilespmem:s9+$0x30]  }
0x1da: {  	[tilespmem:s9+$0xFFFFFFD0] =	vst v0;
	v0 =	vmul.f32 $8.000000000e+00, v2;
	v2 =	vld [tilespmem:s9+$0x40]  }
0x1db: {  	[tilespmem:s9+$0xFFFFFFE0] =	vst v1;
	v1 =	vmul.f32 $8.000000000e+00, v5;
	v5 =	vld [tilespmem:s9+$0x50]  }
0x1dc: {  	[tilespmem:s9+$0xFFFFFFF0] =	vst v0;
	v0 =	vmul.f32 $8.000000000e+00, v6;
	v6 =	vld [tilespmem:s9+$0x60]  }
0x1dd: {  	[tilespmem:s9+$0x0] =	vst v1;
	v1 =	vmul.f32 $8.000000000e+00, v3;
	v3 =	vld [tilespmem:s9+$0x70]  }
0x1de: {  	[tilespmem:s9+$0x10] =	vst v0;
	v0 =	vmul.f32 $8.000000000e+00, v4;
	v4 =	vld [tilespmem:s9+$0x80]  }
0x1df: {  	[tilespmem:s9+$0x20] =	vst v1;
	v1 =	vmul.f32 $8.000000000e+00, v2;
	v7 =	vld [tilespmem:s9+$0x90]  }
0x1e0: {  	[tilespmem:s9+$0x30] =	vst v0;
	v2 =	vmul.f32 $8.000000000e+00, v5;
	v8 =	vld [tilespmem:s9+$0xA0]  }
.Ltmp5:
0x1e1: {  	[tilespmem:s9+$0x40] =	vst v1;
	v5 =	vmul.f32 $8.000000000e+00, v6;
	v0 =	vld [tilespmem:s9+$0xB0];
	(pc) =	sbr.rel @p0 .LBB2_12-.Ltmp5, $4  }
0x1e2: {  	[tilespmem:s9+$0x50] =	vst v2;
	v3 =	vmul.f32 $8.000000000e+00, v3;
	v1 =	vld [tilespmem:s9+$0xC0]  }
0x1e3: {  	[tilespmem:s9+$0x60] =	vst v5;
	v6 =	vmul.f32 $8.000000000e+00, v4;
	v2 =	vld [tilespmem:s9+$0xD0]  }
0x1e4: {  	[tilespmem:s9+$0x70] =	vst v3;
	v5 =	vmul.f32 $8.000000000e+00, v7;
	v3 =	vld [tilespmem:s9+$0xE0]  }
0x1e5: {  	s9 =	sadd.s32 $0x200, s9;
	v4 =	vld [tilespmem:s1+$0xFFFFFF00];
	[tilespmem:s1+$0x80] =	vst v6;
	v6 =	vmul.f32 $8.000000000e+00, v8  }
0x1e6: {  	[tilespmem:s1+$0x90] =	vst v5;
	v0 =	vmul.f32 $8.000000000e+00, v0  }
0x1e7: {  	[tilespmem:s1+$0xA0] =	vst v6;
	v1 =	vmul.f32 $8.000000000e+00, v1  }
0x1e8: {  	[tilespmem:s1+$0xB0] =	vst v0;
	v0 =	vmul.f32 $8.000000000e+00, v2  }
0x1e9: {  	[tilespmem:s1+$0xC0] =	vst v1;
	v1 =	vmul.f32 $8.000000000e+00, v3  }
0x1ea: {  	v2 =	vmul.f32 $8.000000000e+00, v4;
	[tilespmem:s1+$0xD0] =	vst v0  }
0x1eb: {  	[tilespmem:s1+$0xE0] =	vst v1  }
0x1ec: {  	[tilespmem:s1+$0xFFFFFF00] =	vst v2  }
0x1ed: {  	s1 =	rddreg [dreg:$0x8]  }
0x1ee: {  	[hbm4b:s1+s3] =	stream.linear.scatter [tilespmem:s0], [sflag:$0x5], $0x8000, $0x38;
	[tilespmem:$0x18600] =	vst v63  }
0x1ef: {  	_ =	swait.ge [sflag:s7], $0x8000  }
0x1f0: {  	[sflag:s7] =	ssyncset.done $0x0  }
0x1f1: {  	[sflag:s7] =	ssyncadd.s32 $0xFFFF8000  }
0x1f2: {  	_ =	swait.ge [sflag:s25], $0x8000  }
0x1f3: {  	[sflag:s25] =	ssyncset.done $0x0  }
0x1f4: {  	s28 =	rddreg [dreg:$0x9];
	[sflag:s25] =	ssyncadd.s32 $0xFFFF8000  }
0x1f5: {  	[tilespmem:s31], [sflag:$0x7] =	stream.linear.gather [hbm4b:s28+s3], $0x200, $0x38;
	[tilespmem:$0x18600] =	vst v63  }
0x1f6: {  	_ =	swait.ge [sflag:s22], $0x200  }
0x1f7: {  	[sflag:s22] =	ssyncset.done $0x0  }
0x1f8: {  	[sflag:s22] =	ssyncadd.s32 $0xFFFFFE00  }
0x1f9: {  	[tilespmem:s0], [sflag:$0x2] =	stream.indirect.gather [hbm4b:s5+s23], $0x40, s31, s23, $0xb8;
	[tilespmem:$0x18600] =	vst v63  }
0x1fa: {  	s29 =	simm.s32 $0x280;
	s8 =	simm.s32 $0xA600  }
0x1fb: {  	[tilespmem:s8], [sflag:$0x2] =	stream.indirect.gather [hbm4b:s5+s23], $0x40, s29, s23, $0xb8;
	[tilespmem:$0x18600] =	vst v63  }
0x1fc: {  	s30 =	simm.s32 $0x300  }
0x1fd: {  	[tilespmem:s10], [sflag:$0x2] =	stream.indirect.gather [hbm4b:s5+s23], $0x40, s30, s23, $0xb8;
	[tilespmem:$0x18600] =	vst v63  }
0x1fe: {  	s1 =	simm.s32 $0x10700  }
0x1ff: {  	[tilespmem:s16], [sflag:$0x2] =	stream.indirect.gather [hbm4b:s5+s23], $0x40, s15, s23, $0xb8;
	[tilespmem:$0x18600] =	vst v63  }
0x200: {  	v0 =	vld [tilespmem:s1+$0xF0]  }
0x201: {  	v1 =	vld [tilespmem:s1+$0xFFFFFF10]  }
0x202: {  	v2 =	vld [tilespmem:s1+$0xFFFFFF20]  }
0x203: {  	v3 =	vld [tilespmem:s1+$0xFFFFFF30]  }
0x204: {  	v4 =	vld [tilespmem:s1+$0xFFFFFF40]  }
0x205: {  	v5 =	vld [tilespmem:s1+$0xFFFFFF50];
	v0 =	vmul.f32 $8.000000000e+00, v0  }
0x206: {  	v6 =	vld [tilespmem:s1+$0xFFFFFF60];
	v1 =	vmul.f32 $8.000000000e+00, v1  }
0x207: {  	v7 =	vld [tilespmem:s1+$0xFFFFFF70];
	v2 =	vmul.f32 $8.000000000e+00, v2;
	[tilespmem:s1+$0xF0] =	vst v0  }
0x208: {  	[tilespmem:s1+$0xFFFFFF10] =	vst v1;
	v0 =	vmul.f32 $8.000000000e+00, v3;
	v1 =	vld [tilespmem:s1+$0xFFFFFF80]  }
0x209: {  	[tilespmem:s1+$0xFFFFFF20] =	vst v2;
	v2 =	vmul.f32 $8.000000000e+00, v4;
	v3 =	vld [tilespmem:s1+$0xFFFFFF90]  }
0x20a: {  	v4 =	vld [tilespmem:s1+$0xFFFFFFA0];
	[tilespmem:s1+$0xFFFFFF30] =	vst v0;
	v0 =	vmul.f32 $8.000000000e+00, v5  }
0x20b: {  	[tilespmem:s1+$0xFFFFFF40] =	vst v2;
	v2 =	vmul.f32 $8.000000000e+00, v6;
	v5 =	vld [tilespmem:s1+$0xFFFFFFB0]  }
0x20c: {  	v6 =	vld [tilespmem:s1+$0xFFFFFFC0];
	[tilespmem:s1+$0xFFFFFF50] =	vst v0;
	v0 =	vmul.f32 $8.000000000e+00, v7  }
0x20d: {  	[tilespmem:s1+$0xFFFFFF60] =	vst v2;
	v2 =	vld [tilespmem:s1+$0xFFFFFFD0];
	v1 =	vmul.f32 $8.000000000e+00, v1  }
0x20e: {  	[tilespmem:s1+$0xFFFFFF70] =	vst v0;
	v0 =	vmul.f32 $8.000000000e+00, v3;
	v3 =	vld [tilespmem:s1+$0xFFFFFFE0]  }
0x20f: {  	[tilespmem:s1+$0xFFFFFF80] =	vst v1;
	v1 =	vmul.f32 $8.000000000e+00, v4;
	v4 =	vld [tilespmem:s1+$0xFFFFFFF0]  }
0x210: {  	[tilespmem:s1+$0xFFFFFF90] =	vst v0;
	v0 =	vmul.f32 $8.000000000e+00, v5;
	v5 =	vld [tilespmem:s1+$0x0]  }
0x211: {  	[tilespmem:s1+$0xFFFFFFA0] =	vst v1;
	v1 =	vmul.f32 $8.000000000e+00, v6;
	v6 =	vld [tilespmem:s1+$0x10]  }
0x212: {  	[tilespmem:s1+$0xFFFFFFB0] =	vst v0;
	v0 =	vmul.f32 $8.000000000e+00, v2;
	v2 =	vld [tilespmem:s1+$0x20]  }
0x213: {  	[tilespmem:s1+$0xFFFFFFC0] =	vst v1;
	v1 =	vmul.f32 $8.000000000e+00, v3;
	v3 =	vld [tilespmem:s1+$0x30]  }
0x214: {  	[tilespmem:s1+$0xFFFFFFD0] =	vst v0;
	v0 =	vmul.f32 $8.000000000e+00, v4;
	v4 =	vld [tilespmem:s1+$0x40]  }
0x215: {  	[tilespmem:s1+$0xFFFFFFE0] =	vst v1;
	v1 =	vmul.f32 $8.000000000e+00, v5;
	v5 =	vld [tilespmem:s1+$0x50]  }
0x216: {  	[tilespmem:s1+$0xFFFFFFF0] =	vst v0;
	v0 =	vmul.f32 $8.000000000e+00, v6;
	v6 =	vld [tilespmem:s1+$0x60]  }
0x217: {  	[tilespmem:s1+$0x0] =	vst v1;
	v1 =	vmul.f32 $8.000000000e+00, v2;
	v2 =	vld [tilespmem:s1+$0x70]  }
0x218: {  	[tilespmem:s1+$0x10] =	vst v0;
	v0 =	vmul.f32 $8.000000000e+00, v3;
	v3 =	vld [tilespmem:s1+$0x80]  }
0x219: {  	[tilespmem:s1+$0x20] =	vst v1;
	v1 =	vmul.f32 $8.000000000e+00, v4;
	v4 =	vld [tilespmem:s1+$0x90]  }
0x21a: {  	v7 =	vld [tilespmem:s1+$0xA0];
	[tilespmem:s1+$0x30] =	vst v0;
	v5 =	vmul.f32 $8.000000000e+00, v5  }
0x21b: {  	v0 =	vld [tilespmem:s1+$0xB0];
	[tilespmem:s1+$0x40] =	vst v1;
	v6 =	vmul.f32 $8.000000000e+00, v6  }
0x21c: {  	v1 =	vld [tilespmem:s1+$0xC0];
	[tilespmem:s1+$0x50] =	vst v5;
	v5 =	vmul.f32 $8.000000000e+00, v2  }
0x21d: {  	v2 =	vld [tilespmem:s1+$0xD0];
	[tilespmem:s1+$0x60] =	vst v6;
	v6 =	vmul.f32 $8.000000000e+00, v3  }
0x21e: {  	v3 =	vld [tilespmem:s1+$0xE0];
	[tilespmem:s1+$0x70] =	vst v5;
	v5 =	vmul.f32 $8.000000000e+00, v4  }
0x21f: {  	s9 =	simm.s32 $0x10900;
	s8 =	simm.s32 $0x0;
	v4 =	vld [tilespmem:s1+$0xFFFFFF00];
	[tilespmem:s1+$0x80] =	vst v6;
	v6 =	vmul.f32 $8.000000000e+00, v7  }
.LBB2_14:
0x220: {  	v7 =	vld [tilespmem:s9+$0xF0];
	s8 =	sadd.s32 $0x8, s8;
	[tilespmem:s1+$0x90] =	vst v5;
	v0 =	vmul.f32 $8.000000000e+00, v0  }
0x221: {  	v5 =	vld [tilespmem:s9+$0xFFFFFF10];
	p0 =	slt.u32 s8, $0x1F8;
	[tilespmem:s1+$0xA0] =	vst v6;
	v1 =	vmul.f32 $8.000000000e+00, v1  }
0x222: {  	v6 =	vld [tilespmem:s9+$0xFFFFFF20];
	[tilespmem:s1+$0xB0] =	vst v0;
	v0 =	vmul.f32 $8.000000000e+00, v2  }
0x223: {  	v2 =	vld [tilespmem:s9+$0xFFFFFF30];
	[tilespmem:s1+$0xC0] =	vst v1;
	v1 =	vmul.f32 $8.000000000e+00, v3  }
0x224: {  	v3 =	vld [tilespmem:s9+$0xFFFFFF40];
	v4 =	vmul.f32 $8.000000000e+00, v4;
	[tilespmem:s1+$0xD0] =	vst v0  }
0x225: {  	v0 =	vld [tilespmem:s9+$0xFFFFFF50];
	v7 =	vmul.f32 $8.000000000e+00, v7;
	[tilespmem:s1+$0xE0] =	vst v1  }
0x226: {  	v1 =	vmul.f32 $8.000000000e+00, v5;
	v5 =	vld [tilespmem:s9+$0xFFFFFF60];
	[tilespmem:s1+$0xFFFFFF00] =	vst v4;
	s1 =	smov.u32 s9  }
0x227: {  	v4 =	vmul.f32 $8.000000000e+00, v6;
	v6 =	vld [tilespmem:s9+$0xFFFFFF70];
	[tilespmem:s9+$0xF0] =	vst v7  }
0x228: {  	[tilespmem:s9+$0xFFFFFF10] =	vst v1;
	v1 =	vmul.f32 $8.000000000e+00, v2;
	v2 =	vld [tilespmem:s9+$0xFFFFFF80]  }
0x229: {  	[tilespmem:s9+$0xFFFFFF20] =	vst v4;
	v3 =	vmul.f32 $8.000000000e+00, v3;
	v4 =	vld [tilespmem:s9+$0xFFFFFF90]  }
0x22a: {  	[tilespmem:s9+$0xFFFFFF30] =	vst v1;
	v0 =	vmul.f32 $8.000000000e+00, v0;
	v1 =	vld [tilespmem:s9+$0xFFFFFFA0]  }
0x22b: {  	[tilespmem:s9+$0xFFFFFF40] =	vst v3;
	v3 =	vmul.f32 $8.000000000e+00, v5;
	v5 =	vld [tilespmem:s9+$0xFFFFFFB0]  }
0x22c: {  	[tilespmem:s9+$0xFFFFFF50] =	vst v0;
	v0 =	vmul.f32 $8.000000000e+00, v6;
	v6 =	vld [tilespmem:s9+$0xFFFFFFC0]  }
0x22d: {  	[tilespmem:s9+$0xFFFFFF60] =	vst v3;
	v2 =	vmul.f32 $8.000000000e+00, v2;
	v3 =	vld [tilespmem:s9+$0xFFFFFFD0]  }
0x22e: {  	[tilespmem:s9+$0xFFFFFF70] =	vst v0;
	v0 =	vmul.f32 $8.000000000e+00, v4;
	v4 =	vld [tilespmem:s9+$0xFFFFFFE0]  }
0x22f: {  	[tilespmem:s9+$0xFFFFFF80] =	vst v2;
	v1 =	vmul.f32 $8.000000000e+00, v1;
	v2 =	vld [tilespmem:s9+$0xFFFFFFF0]  }
0x230: {  	[tilespmem:s9+$0xFFFFFF90] =	vst v0;
	v0 =	vmul.f32 $8.000000000e+00, v5;
	v5 =	vld [tilespmem:s9+$0x0]  }
0x231: {  	[tilespmem:s9+$0xFFFFFFA0] =	vst v1;
	v1 =	vmul.f32 $8.000000000e+00, v6;
	v6 =	vld [tilespmem:s9+$0x10]  }
0x232: {  	[tilespmem:s9+$0xFFFFFFB0] =	vst v0;
	v0 =	vmul.f32 $8.000000000e+00, v3;
	v3 =	vld [tilespmem:s9+$0x20]  }
0x233: {  	[tilespmem:s9+$0xFFFFFFC0] =	vst v1;
	v1 =	vmul.f32 $8.000000000e+00, v4;
	v4 =	vld [tilespmem:s9+$0x30]  }
0x234: {  	[tilespmem:s9+$0xFFFFFFD0] =	vst v0;
	v0 =	vmul.f32 $8.000000000e+00, v2;
	v2 =	vld [tilespmem:s9+$0x40]  }
0x235: {  	[tilespmem:s9+$0xFFFFFFE0] =	vst v1;
	v1 =	vmul.f32 $8.000000000e+00, v5;
	v5 =	vld [tilespmem:s9+$0x50]  }
0x236: {  	[tilespmem:s9+$0xFFFFFFF0] =	vst v0;
	v0 =	vmul.f32 $8.000000000e+00, v6;
	v6 =	vld [tilespmem:s9+$0x60]  }
0x237: {  	[tilespmem:s9+$0x0] =	vst v1;
	v1 =	vmul.f32 $8.000000000e+00, v3;
	v3 =	vld [tilespmem:s9+$0x70]  }
0x238: {  	[tilespmem:s9+$0x10] =	vst v0;
	v0 =	vmul.f32 $8.000000000e+00, v4;
	v4 =	vld [tilespmem:s9+$0x80]  }
0x239: {  	[tilespmem:s9+$0x20] =	vst v1;
	v1 =	vmul.f32 $8.000000000e+00, v2;
	v7 =	vld [tilespmem:s9+$0x90]  }
0x23a: {  	[tilespmem:s9+$0x30] =	vst v0;
	v2 =	vmul.f32 $8.000000000e+00, v5;
	v8 =	vld [tilespmem:s9+$0xA0]  }
.Ltmp6:
0x23b: {  	[tilespmem:s9+$0x40] =	vst v1;
	v5 =	vmul.f32 $8.000000000e+00, v6;
	v0 =	vld [tilespmem:s9+$0xB0];
	(pc) =	sbr.rel @p0 .LBB2_14-.Ltmp6, $4  }
0x23c: {  	[tilespmem:s9+$0x50] =	vst v2;
	v3 =	vmul.f32 $8.000000000e+00, v3;
	v1 =	vld [tilespmem:s9+$0xC0]  }
0x23d: {  	[tilespmem:s9+$0x60] =	vst v5;
	v6 =	vmul.f32 $8.000000000e+00, v4;
	v2 =	vld [tilespmem:s9+$0xD0]  }
0x23e: {  	[tilespmem:s9+$0x70] =	vst v3;
	v5 =	vmul.f32 $8.000000000e+00, v7;
	v3 =	vld [tilespmem:s9+$0xE0]  }
0x23f: {  	s9 =	sadd.s32 $0x200, s9;
	v4 =	vld [tilespmem:s1+$0xFFFFFF00];
	[tilespmem:s1+$0x80] =	vst v6;
	v6 =	vmul.f32 $8.000000000e+00, v8  }
0x240: {  	[tilespmem:s1+$0x90] =	vst v5;
	v0 =	vmul.f32 $8.000000000e+00, v0  }
0x241: {  	[tilespmem:s1+$0xA0] =	vst v6;
	v1 =	vmul.f32 $8.000000000e+00, v1  }
0x242: {  	[tilespmem:s1+$0xB0] =	vst v0;
	v0 =	vmul.f32 $8.000000000e+00, v2  }
0x243: {  	[tilespmem:s1+$0xC0] =	vst v1;
	v1 =	vmul.f32 $8.000000000e+00, v3  }
0x244: {  	v2 =	vmul.f32 $8.000000000e+00, v4;
	[tilespmem:s1+$0xD0] =	vst v0  }
0x245: {  	[tilespmem:s1+$0xE0] =	vst v1  }
0x246: {  	[tilespmem:s1+$0xFFFFFF00] =	vst v2  }
0x247: {  	s1 =	rddreg [dreg:$0xa]  }
0x248: {  	[hbm4b:s1+s3] =	stream.linear.scatter [tilespmem:s19], [sflag:$0x6], $0x8000, $0x38;
	[tilespmem:$0x18600] =	vst v63  }
0x249: {  	_ =	swait.ge [sflag:s17], $0x8000  }
0x24a: {  	[sflag:s17] =	ssyncset.done $0x0  }
0x24b: {  	s1 =	simm.s32 $0x700;
	[sflag:s17] =	ssyncadd.s32 $0xFFFF8000  }
0x24c: {  	v0 =	vld [tilespmem:s1+$0xF0]  }
0x24d: {  	v1 =	vld [tilespmem:s1+$0xFFFFFF10]  }
0x24e: {  	v2 =	vld [tilespmem:s1+$0xFFFFFF20]  }
0x24f: {  	v3 =	vld [tilespmem:s1+$0xFFFFFF30]  }
0x250: {  	v4 =	vld [tilespmem:s1+$0xFFFFFF40]  }
0x251: {  	v5 =	vld [tilespmem:s1+$0xFFFFFF50];
	v0 =	vmul.f32 $8.000000000e+00, v0  }
0x252: {  	v6 =	vld [tilespmem:s1+$0xFFFFFF60];
	v1 =	vmul.f32 $8.000000000e+00, v1  }
0x253: {  	v7 =	vld [tilespmem:s1+$0xFFFFFF70];
	v2 =	vmul.f32 $8.000000000e+00, v2;
	[tilespmem:s1+$0xF0] =	vst v0  }
0x254: {  	[tilespmem:s1+$0xFFFFFF10] =	vst v1;
	v0 =	vmul.f32 $8.000000000e+00, v3;
	v1 =	vld [tilespmem:s1+$0xFFFFFF80]  }
0x255: {  	[tilespmem:s1+$0xFFFFFF20] =	vst v2;
	v2 =	vmul.f32 $8.000000000e+00, v4;
	v3 =	vld [tilespmem:s1+$0xFFFFFF90]  }
0x256: {  	v4 =	vld [tilespmem:s1+$0xFFFFFFA0];
	[tilespmem:s1+$0xFFFFFF30] =	vst v0;
	v0 =	vmul.f32 $8.000000000e+00, v5  }
0x257: {  	[tilespmem:s1+$0xFFFFFF40] =	vst v2;
	v2 =	vmul.f32 $8.000000000e+00, v6;
	v5 =	vld [tilespmem:s1+$0xFFFFFFB0]  }
0x258: {  	v6 =	vld [tilespmem:s1+$0xFFFFFFC0];
	[tilespmem:s1+$0xFFFFFF50] =	vst v0;
	v0 =	vmul.f32 $8.000000000e+00, v7  }
0x259: {  	[tilespmem:s1+$0xFFFFFF60] =	vst v2;
	v2 =	vld [tilespmem:s1+$0xFFFFFFD0];
	v1 =	vmul.f32 $8.000000000e+00, v1  }
0x25a: {  	[tilespmem:s1+$0xFFFFFF70] =	vst v0;
	v0 =	vmul.f32 $8.000000000e+00, v3;
	v3 =	vld [tilespmem:s1+$0xFFFFFFE0]  }
0x25b: {  	[tilespmem:s1+$0xFFFFFF80] =	vst v1;
	v1 =	vmul.f32 $8.000000000e+00, v4;
	v4 =	vld [tilespmem:s1+$0xFFFFFFF0]  }
0x25c: {  	[tilespmem:s1+$0xFFFFFF90] =	vst v0;
	v0 =	vmul.f32 $8.000000000e+00, v5;
	v5 =	vld [tilespmem:s1+$0x0]  }
0x25d: {  	[tilespmem:s1+$0xFFFFFFA0] =	vst v1;
	v1 =	vmul.f32 $8.000000000e+00, v6;
	v6 =	vld [tilespmem:s1+$0x10]  }
0x25e: {  	[tilespmem:s1+$0xFFFFFFB0] =	vst v0;
	v0 =	vmul.f32 $8.000000000e+00, v2;
	v2 =	vld [tilespmem:s1+$0x20]  }
0x25f: {  	[tilespmem:s1+$0xFFFFFFC0] =	vst v1;
	v1 =	vmul.f32 $8.000000000e+00, v3;
	v3 =	vld [tilespmem:s1+$0x30]  }
0x260: {  	[tilespmem:s1+$0xFFFFFFD0] =	vst v0;
	v0 =	vmul.f32 $8.000000000e+00, v4;
	v4 =	vld [tilespmem:s1+$0x40]  }
0x261: {  	[tilespmem:s1+$0xFFFFFFE0] =	vst v1;
	v1 =	vmul.f32 $8.000000000e+00, v5;
	v5 =	vld [tilespmem:s1+$0x50]  }
0x262: {  	[tilespmem:s1+$0xFFFFFFF0] =	vst v0;
	v0 =	vmul.f32 $8.000000000e+00, v6;
	v6 =	vld [tilespmem:s1+$0x60]  }
0x263: {  	[tilespmem:s1+$0x0] =	vst v1;
	v1 =	vmul.f32 $8.000000000e+00, v2;
	v2 =	vld [tilespmem:s1+$0x70]  }
0x264: {  	[tilespmem:s1+$0x10] =	vst v0;
	v0 =	vmul.f32 $8.000000000e+00, v3;
	v3 =	vld [tilespmem:s1+$0x80]  }
0x265: {  	[tilespmem:s1+$0x20] =	vst v1;
	v1 =	vmul.f32 $8.000000000e+00, v4;
	v4 =	vld [tilespmem:s1+$0x90]  }
0x266: {  	v7 =	vld [tilespmem:s1+$0xA0];
	[tilespmem:s1+$0x30] =	vst v0;
	v5 =	vmul.f32 $8.000000000e+00, v5  }
0x267: {  	v0 =	vld [tilespmem:s1+$0xB0];
	[tilespmem:s1+$0x40] =	vst v1;
	v6 =	vmul.f32 $8.000000000e+00, v6  }
0x268: {  	v1 =	vld [tilespmem:s1+$0xC0];
	[tilespmem:s1+$0x50] =	vst v5;
	v5 =	vmul.f32 $8.000000000e+00, v2  }
0x269: {  	v2 =	vld [tilespmem:s1+$0xD0];
	[tilespmem:s1+$0x60] =	vst v6;
	v6 =	vmul.f32 $8.000000000e+00, v3  }
0x26a: {  	v3 =	vld [tilespmem:s1+$0xE0];
	[tilespmem:s1+$0x70] =	vst v5;
	v5 =	vmul.f32 $8.000000000e+00, v4  }
0x26b: {  	s8 =	simm.s32 $0x0;
	s9 =	simm.s32 $0x900;
	v4 =	vld [tilespmem:s1+$0xFFFFFF00];
	[tilespmem:s1+$0x80] =	vst v6;
	v6 =	vmul.f32 $8.000000000e+00, v7  }
.LBB2_16:
0x26c: {  	v7 =	vld [tilespmem:s9+$0xF0];
	s8 =	sadd.s32 $0x8, s8;
	[tilespmem:s1+$0x90] =	vst v5;
	v0 =	vmul.f32 $8.000000000e+00, v0  }
0x26d: {  	v5 =	vld [tilespmem:s9+$0xFFFFFF10];
	p0 =	slt.u32 s8, $0x1F8;
	[tilespmem:s1+$0xA0] =	vst v6;
	v1 =	vmul.f32 $8.000000000e+00, v1  }
0x26e: {  	v6 =	vld [tilespmem:s9+$0xFFFFFF20];
	[tilespmem:s1+$0xB0] =	vst v0;
	v0 =	vmul.f32 $8.000000000e+00, v2  }
0x26f: {  	v2 =	vld [tilespmem:s9+$0xFFFFFF30];
	[tilespmem:s1+$0xC0] =	vst v1;
	v1 =	vmul.f32 $8.000000000e+00, v3  }
0x270: {  	v3 =	vld [tilespmem:s9+$0xFFFFFF40];
	v4 =	vmul.f32 $8.000000000e+00, v4;
	[tilespmem:s1+$0xD0] =	vst v0  }
0x271: {  	v0 =	vld [tilespmem:s9+$0xFFFFFF50];
	v7 =	vmul.f32 $8.000000000e+00, v7;
	[tilespmem:s1+$0xE0] =	vst v1  }
0x272: {  	v1 =	vmul.f32 $8.000000000e+00, v5;
	v5 =	vld [tilespmem:s9+$0xFFFFFF60];
	[tilespmem:s1+$0xFFFFFF00] =	vst v4;
	s1 =	smov.u32 s9  }
0x273: {  	v4 =	vmul.f32 $8.000000000e+00, v6;
	v6 =	vld [tilespmem:s9+$0xFFFFFF70];
	[tilespmem:s9+$0xF0] =	vst v7  }
0x274: {  	[tilespmem:s9+$0xFFFFFF10] =	vst v1;
	v1 =	vmul.f32 $8.000000000e+00, v2;
	v2 =	vld [tilespmem:s9+$0xFFFFFF80]  }
0x275: {  	[tilespmem:s9+$0xFFFFFF20] =	vst v4;
	v3 =	vmul.f32 $8.000000000e+00, v3;
	v4 =	vld [tilespmem:s9+$0xFFFFFF90]  }
0x276: {  	[tilespmem:s9+$0xFFFFFF30] =	vst v1;
	v0 =	vmul.f32 $8.000000000e+00, v0;
	v1 =	vld [tilespmem:s9+$0xFFFFFFA0]  }
0x277: {  	[tilespmem:s9+$0xFFFFFF40] =	vst v3;
	v3 =	vmul.f32 $8.000000000e+00, v5;
	v5 =	vld [tilespmem:s9+$0xFFFFFFB0]  }
0x278: {  	[tilespmem:s9+$0xFFFFFF50] =	vst v0;
	v0 =	vmul.f32 $8.000000000e+00, v6;
	v6 =	vld [tilespmem:s9+$0xFFFFFFC0]  }
0x279: {  	[tilespmem:s9+$0xFFFFFF60] =	vst v3;
	v2 =	vmul.f32 $8.000000000e+00, v2;
	v3 =	vld [tilespmem:s9+$0xFFFFFFD0]  }
0x27a: {  	[tilespmem:s9+$0xFFFFFF70] =	vst v0;
	v0 =	vmul.f32 $8.000000000e+00, v4;
	v4 =	vld [tilespmem:s9+$0xFFFFFFE0]  }
0x27b: {  	[tilespmem:s9+$0xFFFFFF80] =	vst v2;
	v1 =	vmul.f32 $8.000000000e+00, v1;
	v2 =	vld [tilespmem:s9+$0xFFFFFFF0]  }
0x27c: {  	[tilespmem:s9+$0xFFFFFF90] =	vst v0;
	v0 =	vmul.f32 $8.000000000e+00, v5;
	v5 =	vld [tilespmem:s9+$0x0]  }
0x27d: {  	[tilespmem:s9+$0xFFFFFFA0] =	vst v1;
	v1 =	vmul.f32 $8.000000000e+00, v6;
	v6 =	vld [tilespmem:s9+$0x10]  }
0x27e: {  	[tilespmem:s9+$0xFFFFFFB0] =	vst v0;
	v0 =	vmul.f32 $8.000000000e+00, v3;
	v3 =	vld [tilespmem:s9+$0x20]  }
0x27f: {  	[tilespmem:s9+$0xFFFFFFC0] =	vst v1;
	v1 =	vmul.f32 $8.000000000e+00, v4;
	v4 =	vld [tilespmem:s9+$0x30]  }
0x280: {  	[tilespmem:s9+$0xFFFFFFD0] =	vst v0;
	v0 =	vmul.f32 $8.000000000e+00, v2;
	v2 =	vld [tilespmem:s9+$0x40]  }
0x281: {  	[tilespmem:s9+$0xFFFFFFE0] =	vst v1;
	v1 =	vmul.f32 $8.000000000e+00, v5;
	v5 =	vld [tilespmem:s9+$0x50]  }
0x282: {  	[tilespmem:s9+$0xFFFFFFF0] =	vst v0;
	v0 =	vmul.f32 $8.000000000e+00, v6;
	v6 =	vld [tilespmem:s9+$0x60]  }
0x283: {  	[tilespmem:s9+$0x0] =	vst v1;
	v1 =	vmul.f32 $8.000000000e+00, v3;
	v3 =	vld [tilespmem:s9+$0x70]  }
0x284: {  	[tilespmem:s9+$0x10] =	vst v0;
	v0 =	vmul.f32 $8.000000000e+00, v4;
	v4 =	vld [tilespmem:s9+$0x80]  }
0x285: {  	[tilespmem:s9+$0x20] =	vst v1;
	v1 =	vmul.f32 $8.000000000e+00, v2;
	v7 =	vld [tilespmem:s9+$0x90]  }
0x286: {  	[tilespmem:s9+$0x30] =	vst v0;
	v2 =	vmul.f32 $8.000000000e+00, v5;
	v8 =	vld [tilespmem:s9+$0xA0]  }
.Ltmp7:
0x287: {  	[tilespmem:s9+$0x40] =	vst v1;
	v5 =	vmul.f32 $8.000000000e+00, v6;
	v0 =	vld [tilespmem:s9+$0xB0];
	(pc) =	sbr.rel @p0 .LBB2_16-.Ltmp7, $4  }
0x288: {  	[tilespmem:s9+$0x50] =	vst v2;
	v3 =	vmul.f32 $8.000000000e+00, v3;
	v1 =	vld [tilespmem:s9+$0xC0]  }
0x289: {  	[tilespmem:s9+$0x60] =	vst v5;
	v6 =	vmul.f32 $8.000000000e+00, v4;
	v2 =	vld [tilespmem:s9+$0xD0]  }
0x28a: {  	[tilespmem:s9+$0x70] =	vst v3;
	v5 =	vmul.f32 $8.000000000e+00, v7;
	v3 =	vld [tilespmem:s9+$0xE0]  }
0x28b: {  	s9 =	sadd.s32 $0x200, s9;
	v4 =	vld [tilespmem:s1+$0xFFFFFF00];
	[tilespmem:s1+$0x80] =	vst v6;
	v6 =	vmul.f32 $8.000000000e+00, v8  }
0x28c: {  	[tilespmem:s1+$0x90] =	vst v5;
	v0 =	vmul.f32 $8.000000000e+00, v0  }
0x28d: {  	[tilespmem:s1+$0xA0] =	vst v6;
	v1 =	vmul.f32 $8.000000000e+00, v1  }
0x28e: {  	[tilespmem:s1+$0xB0] =	vst v0;
	v0 =	vmul.f32 $8.000000000e+00, v2  }
0x28f: {  	[tilespmem:s1+$0xC0] =	vst v1;
	v1 =	vmul.f32 $8.000000000e+00, v3  }
0x290: {  	v2 =	vmul.f32 $8.000000000e+00, v4;
	[tilespmem:s1+$0xD0] =	vst v0  }
0x291: {  	[tilespmem:s1+$0xE0] =	vst v1  }
0x292: {  	[tilespmem:s1+$0xFFFFFF00] =	vst v2  }
0x293: {  	s1 =	rddreg [dreg:$0xb]  }
0x294: {  	[hbm4b:s1+s3] =	stream.linear.scatter [tilespmem:s24], [sflag:$0x4], $0x8000, $0x38;
	[tilespmem:$0x18600] =	vst v63  }
0x295: {  	_ =	swait.ge [sflag:s20], $0x8000  }
0x296: {  	[sflag:s20] =	ssyncset.done $0x0  }
0x297: {  	s1 =	simm.s32 $0x8700;
	[sflag:s20] =	ssyncadd.s32 $0xFFFF8000  }
0x298: {  	v0 =	vld [tilespmem:s1+$0xF0]  }
0x299: {  	v1 =	vld [tilespmem:s1+$0xFFFFFF10]  }
0x29a: {  	v2 =	vld [tilespmem:s1+$0xFFFFFF20]  }
0x29b: {  	v3 =	vld [tilespmem:s1+$0xFFFFFF30]  }
0x29c: {  	v4 =	vld [tilespmem:s1+$0xFFFFFF40]  }
0x29d: {  	v5 =	vld [tilespmem:s1+$0xFFFFFF50];
	v0 =	vmul.f32 $8.000000000e+00, v0  }
0x29e: {  	v6 =	vld [tilespmem:s1+$0xFFFFFF60];
	v1 =	vmul.f32 $8.000000000e+00, v1  }
0x29f: {  	v7 =	vld [tilespmem:s1+$0xFFFFFF70];
	v2 =	vmul.f32 $8.000000000e+00, v2;
	[tilespmem:s1+$0xF0] =	vst v0  }
0x2a0: {  	[tilespmem:s1+$0xFFFFFF10] =	vst v1;
	v0 =	vmul.f32 $8.000000000e+00, v3;
	v1 =	vld [tilespmem:s1+$0xFFFFFF80]  }
0x2a1: {  	[tilespmem:s1+$0xFFFFFF20] =	vst v2;
	v2 =	vmul.f32 $8.000000000e+00, v4;
	v3 =	vld [tilespmem:s1+$0xFFFFFF90]  }
0x2a2: {  	v4 =	vld [tilespmem:s1+$0xFFFFFFA0];
	[tilespmem:s1+$0xFFFFFF30] =	vst v0;
	v0 =	vmul.f32 $8.000000000e+00, v5  }
0x2a3: {  	[tilespmem:s1+$0xFFFFFF40] =	vst v2;
	v2 =	vmul.f32 $8.000000000e+00, v6;
	v5 =	vld [tilespmem:s1+$0xFFFFFFB0]  }
0x2a4: {  	v6 =	vld [tilespmem:s1+$0xFFFFFFC0];
	[tilespmem:s1+$0xFFFFFF50] =	vst v0;
	v0 =	vmul.f32 $8.000000000e+00, v7  }
0x2a5: {  	[tilespmem:s1+$0xFFFFFF60] =	vst v2;
	v2 =	vld [tilespmem:s1+$0xFFFFFFD0];
	v1 =	vmul.f32 $8.000000000e+00, v1  }
0x2a6: {  	[tilespmem:s1+$0xFFFFFF70] =	vst v0;
	v0 =	vmul.f32 $8.000000000e+00, v3;
	v3 =	vld [tilespmem:s1+$0xFFFFFFE0]  }
0x2a7: {  	[tilespmem:s1+$0xFFFFFF80] =	vst v1;
	v1 =	vmul.f32 $8.000000000e+00, v4;
	v4 =	vld [tilespmem:s1+$0xFFFFFFF0]  }
0x2a8: {  	[tilespmem:s1+$0xFFFFFF90] =	vst v0;
	v0 =	vmul.f32 $8.000000000e+00, v5;
	v5 =	vld [tilespmem:s1+$0x0]  }
0x2a9: {  	[tilespmem:s1+$0xFFFFFFA0] =	vst v1;
	v1 =	vmul.f32 $8.000000000e+00, v6;
	v6 =	vld [tilespmem:s1+$0x10]  }
0x2aa: {  	[tilespmem:s1+$0xFFFFFFB0] =	vst v0;
	v0 =	vmul.f32 $8.000000000e+00, v2;
	v2 =	vld [tilespmem:s1+$0x20]  }
0x2ab: {  	[tilespmem:s1+$0xFFFFFFC0] =	vst v1;
	v1 =	vmul.f32 $8.000000000e+00, v3;
	v3 =	vld [tilespmem:s1+$0x30]  }
0x2ac: {  	[tilespmem:s1+$0xFFFFFFD0] =	vst v0;
	v0 =	vmul.f32 $8.000000000e+00, v4;
	v4 =	vld [tilespmem:s1+$0x40]  }
0x2ad: {  	[tilespmem:s1+$0xFFFFFFE0] =	vst v1;
	v1 =	vmul.f32 $8.000000000e+00, v5;
	v5 =	vld [tilespmem:s1+$0x50]  }
0x2ae: {  	[tilespmem:s1+$0xFFFFFFF0] =	vst v0;
	v0 =	vmul.f32 $8.000000000e+00, v6;
	v6 =	vld [tilespmem:s1+$0x60]  }
0x2af: {  	[tilespmem:s1+$0x0] =	vst v1;
	v1 =	vmul.f32 $8.000000000e+00, v2;
	v2 =	vld [tilespmem:s1+$0x70]  }
0x2b0: {  	[tilespmem:s1+$0x10] =	vst v0;
	v0 =	vmul.f32 $8.000000000e+00, v3;
	v3 =	vld [tilespmem:s1+$0x80]  }
0x2b1: {  	[tilespmem:s1+$0x20] =	vst v1;
	v1 =	vmul.f32 $8.000000000e+00, v4;
	v4 =	vld [tilespmem:s1+$0x90]  }
0x2b2: {  	v7 =	vld [tilespmem:s1+$0xA0];
	[tilespmem:s1+$0x30] =	vst v0;
	v5 =	vmul.f32 $8.000000000e+00, v5  }
0x2b3: {  	v0 =	vld [tilespmem:s1+$0xB0];
	[tilespmem:s1+$0x40] =	vst v1;
	v6 =	vmul.f32 $8.000000000e+00, v6  }
0x2b4: {  	v1 =	vld [tilespmem:s1+$0xC0];
	[tilespmem:s1+$0x50] =	vst v5;
	v5 =	vmul.f32 $8.000000000e+00, v2  }
0x2b5: {  	v2 =	vld [tilespmem:s1+$0xD0];
	[tilespmem:s1+$0x60] =	vst v6;
	v6 =	vmul.f32 $8.000000000e+00, v3  }
0x2b6: {  	v3 =	vld [tilespmem:s1+$0xE0];
	[tilespmem:s1+$0x70] =	vst v5;
	v5 =	vmul.f32 $8.000000000e+00, v4  }
0x2b7: {  	s8 =	simm.s32 $0x0;
	s9 =	simm.s32 $0x8900;
	v4 =	vld [tilespmem:s1+$0xFFFFFF00];
	[tilespmem:s1+$0x80] =	vst v6;
	v6 =	vmul.f32 $8.000000000e+00, v7  }
.LBB2_18:
0x2b8: {  	v7 =	vld [tilespmem:s9+$0xF0];
	s8 =	sadd.s32 $0x8, s8;
	[tilespmem:s1+$0x90] =	vst v5;
	v0 =	vmul.f32 $8.000000000e+00, v0  }
0x2b9: {  	v5 =	vld [tilespmem:s9+$0xFFFFFF10];
	p0 =	slt.u32 s8, $0x1F8;
	[tilespmem:s1+$0xA0] =	vst v6;
	v1 =	vmul.f32 $8.000000000e+00, v1  }
0x2ba: {  	v6 =	vld [tilespmem:s9+$0xFFFFFF20];
	[tilespmem:s1+$0xB0] =	vst v0;
	v0 =	vmul.f32 $8.000000000e+00, v2  }
0x2bb: {  	v2 =	vld [tilespmem:s9+$0xFFFFFF30];
	[tilespmem:s1+$0xC0] =	vst v1;
	v1 =	vmul.f32 $8.000000000e+00, v3  }
0x2bc: {  	v3 =	vld [tilespmem:s9+$0xFFFFFF40];
	v4 =	vmul.f32 $8.000000000e+00, v4;
	[tilespmem:s1+$0xD0] =	vst v0  }
0x2bd: {  	v0 =	vld [tilespmem:s9+$0xFFFFFF50];
	v7 =	vmul.f32 $8.000000000e+00, v7;
	[tilespmem:s1+$0xE0] =	vst v1  }
0x2be: {  	v1 =	vmul.f32 $8.000000000e+00, v5;
	v5 =	vld [tilespmem:s9+$0xFFFFFF60];
	[tilespmem:s1+$0xFFFFFF00] =	vst v4;
	s1 =	smov.u32 s9  }
0x2bf: {  	v4 =	vmul.f32 $8.000000000e+00, v6;
	v6 =	vld [tilespmem:s9+$0xFFFFFF70];
	[tilespmem:s9+$0xF0] =	vst v7  }
0x2c0: {  	[tilespmem:s9+$0xFFFFFF10] =	vst v1;
	v1 =	vmul.f32 $8.000000000e+00, v2;
	v2 =	vld [tilespmem:s9+$0xFFFFFF80]  }
0x2c1: {  	[tilespmem:s9+$0xFFFFFF20] =	vst v4;
	v3 =	vmul.f32 $8.000000000e+00, v3;
	v4 =	vld [tilespmem:s9+$0xFFFFFF90]  }
0x2c2: {  	[tilespmem:s9+$0xFFFFFF30] =	vst v1;
	v0 =	vmul.f32 $8.000000000e+00, v0;
	v1 =	vld [tilespmem:s9+$0xFFFFFFA0]  }
0x2c3: {  	[tilespmem:s9+$0xFFFFFF40] =	vst v3;
	v3 =	vmul.f32 $8.000000000e+00, v5;
	v5 =	vld [tilespmem:s9+$0xFFFFFFB0]  }
0x2c4: {  	[tilespmem:s9+$0xFFFFFF50] =	vst v0;
	v0 =	vmul.f32 $8.000000000e+00, v6;
	v6 =	vld [tilespmem:s9+$0xFFFFFFC0]  }
0x2c5: {  	[tilespmem:s9+$0xFFFFFF60] =	vst v3;
	v2 =	vmul.f32 $8.000000000e+00, v2;
	v3 =	vld [tilespmem:s9+$0xFFFFFFD0]  }
0x2c6: {  	[tilespmem:s9+$0xFFFFFF70] =	vst v0;
	v0 =	vmul.f32 $8.000000000e+00, v4;
	v4 =	vld [tilespmem:s9+$0xFFFFFFE0]  }
0x2c7: {  	[tilespmem:s9+$0xFFFFFF80] =	vst v2;
	v1 =	vmul.f32 $8.000000000e+00, v1;
	v2 =	vld [tilespmem:s9+$0xFFFFFFF0]  }
0x2c8: {  	[tilespmem:s9+$0xFFFFFF90] =	vst v0;
	v0 =	vmul.f32 $8.000000000e+00, v5;
	v5 =	vld [tilespmem:s9+$0x0]  }
0x2c9: {  	[tilespmem:s9+$0xFFFFFFA0] =	vst v1;
	v1 =	vmul.f32 $8.000000000e+00, v6;
	v6 =	vld [tilespmem:s9+$0x10]  }
0x2ca: {  	[tilespmem:s9+$0xFFFFFFB0] =	vst v0;
	v0 =	vmul.f32 $8.000000000e+00, v3;
	v3 =	vld [tilespmem:s9+$0x20]  }
0x2cb: {  	[tilespmem:s9+$0xFFFFFFC0] =	vst v1;
	v1 =	vmul.f32 $8.000000000e+00, v4;
	v4 =	vld [tilespmem:s9+$0x30]  }
0x2cc: {  	[tilespmem:s9+$0xFFFFFFD0] =	vst v0;
	v0 =	vmul.f32 $8.000000000e+00, v2;
	v2 =	vld [tilespmem:s9+$0x40]  }
0x2cd: {  	[tilespmem:s9+$0xFFFFFFE0] =	vst v1;
	v1 =	vmul.f32 $8.000000000e+00, v5;
	v5 =	vld [tilespmem:s9+$0x50]  }
0x2ce: {  	[tilespmem:s9+$0xFFFFFFF0] =	vst v0;
	v0 =	vmul.f32 $8.000000000e+00, v6;
	v6 =	vld [tilespmem:s9+$0x60]  }
0x2cf: {  	[tilespmem:s9+$0x0] =	vst v1;
	v1 =	vmul.f32 $8.000000000e+00, v3;
	v3 =	vld [tilespmem:s9+$0x70]  }
0x2d0: {  	[tilespmem:s9+$0x10] =	vst v0;
	v0 =	vmul.f32 $8.000000000e+00, v4;
	v4 =	vld [tilespmem:s9+$0x80]  }
0x2d1: {  	[tilespmem:s9+$0x20] =	vst v1;
	v1 =	vmul.f32 $8.000000000e+00, v2;
	v7 =	vld [tilespmem:s9+$0x90]  }
0x2d2: {  	[tilespmem:s9+$0x30] =	vst v0;
	v2 =	vmul.f32 $8.000000000e+00, v5;
	v8 =	vld [tilespmem:s9+$0xA0]  }
.Ltmp8:
0x2d3: {  	[tilespmem:s9+$0x40] =	vst v1;
	v5 =	vmul.f32 $8.000000000e+00, v6;
	v0 =	vld [tilespmem:s9+$0xB0];
	(pc) =	sbr.rel @p0 .LBB2_18-.Ltmp8, $4  }
0x2d4: {  	[tilespmem:s9+$0x50] =	vst v2;
	v3 =	vmul.f32 $8.000000000e+00, v3;
	v1 =	vld [tilespmem:s9+$0xC0]  }
0x2d5: {  	[tilespmem:s9+$0x60] =	vst v5;
	v6 =	vmul.f32 $8.000000000e+00, v4;
	v2 =	vld [tilespmem:s9+$0xD0]  }
0x2d6: {  	[tilespmem:s9+$0x70] =	vst v3;
	v5 =	vmul.f32 $8.000000000e+00, v7;
	v3 =	vld [tilespmem:s9+$0xE0]  }
0x2d7: {  	s9 =	sadd.s32 $0x200, s9;
	v4 =	vld [tilespmem:s1+$0xFFFFFF00];
	[tilespmem:s1+$0x80] =	vst v6;
	v6 =	vmul.f32 $8.000000000e+00, v8  }
0x2d8: {  	[tilespmem:s1+$0x90] =	vst v5;
	v0 =	vmul.f32 $8.000000000e+00, v0  }
0x2d9: {  	[tilespmem:s1+$0xA0] =	vst v6;
	v1 =	vmul.f32 $8.000000000e+00, v1  }
0x2da: {  	[tilespmem:s1+$0xB0] =	vst v0;
	v61 =	vmul.f32 $8.000000000e+00, v2  }
0x2db: {  	[tilespmem:s1+$0xC0] =	vst v1;
	v62 =	vmul.f32 $8.000000000e+00, v3  }
0x2dc: {  	v63 =	vmul.f32 $8.000000000e+00, v4;
	[tilespmem:s1+$0xD0] =	vst v61  }
0x2dd: {  	[tilespmem:s1+$0xE0] =	vst v62  }
0x2de: {  	[tilespmem:s1+$0xFFFFFF00] =	vst v63  }
0x2df: {  	s1 =	rddreg [dreg:$0xc]  }
0x2e0: {  	[hbm4b:s1+s3] =	stream.linear.scatter [tilespmem:s0], [sflag:$0x5], $0x8000, $0x38;
	[tilespmem:$0x18600] =	vst v63  }
0x2e1: {  	_ =	swait.ge [sflag:s26], $0x8000  }
0x2e2: {  	[sflag:s26] =	ssyncset.done $0x0  }
0x2e3: {  	[sflag:s26] =	ssyncadd.s32 $0xFFFF8000  }
0x2e4: {  	_ =	swait.ge [sflag:s21], $0x8000  }
0x2e5: {  	[sflag:s21] =	ssyncset.done $0x0  }
0x2e6: {  	[sflag:s21] =	ssyncadd.s32 $0xFFFF8000  }
0x2e7: {  	_ =	swait.ge [sflag:s25], $0x8000  }
0x2e8: {  	s8 =	rddreg [dreg:$0xe]  }
0x2e9: {  	s30 =	rddreg [dreg:$0xd];
	s8 =	sadd.s32 $0x1, s8  }
0x2ea: {  	p0 =	sne.s32 s8, s30  }
.Ltmp9:
0x2eb: {  	_ = 	snop;
	(pc) =	sbr.rel @p0 .LBB2_1-.Ltmp9, $3  }
0x2ec: {  	_ =	sdelay $0x1  }
0x2ed: {  	[sflag:s25] =	ssyncset.done $0x0  }
0x2ee: {  	[sflag:s25] =	ssyncadd.s32 $0xFFFF8000  }
0x2ef: {  	_ =	sfence.sel $0x180000  }
0x2f0: {  	[bflag:$0x0] =	sbarrier.arrive $0xFFFF  }
0x2f1: {  	_ =	strace $0x90000047  }
0x2f2: {  	s0 =	stileid.u32;
	[bflag:$0x2] =	sbarrier.arrive $0xFFFF  }
0x2f3: {  	p0 =	sne.s32 s0, $0x0;
	s0 =	rddreg [dreg:$0x2]  }
0x2f4: {  	s0 =	sadd.s32 @!p0 $0x100000, s0  }
0x2f5: {  	[sflag:s0] =	ssyncadd.tile.s32 @!p0 $0x1;
	_ =	shalt  }
.Lfunc_end2:
_tile_overlayer_lowered:
.L_overlay_start_2:
0x2f6: {  	(tag) =	ssettag $0x2  }
0x2f7: {  	s0 =	rddreg [dreg:$0x0];
	s2 =	stileid.u32  }
0x2f8: {  	s1 =	rddreg [dreg:$0x1];
	p0 =	sne.s32 s2, $0x0  }
0x2f9: {  	s3 =	rddreg [dreg:$0x2];
	[bflag:$0x3] =	sbarrier.arrive $0xFFFF;
	s2 =	simm.s32 @!p0 $0x1C07  }
0x2fa: {  	[timem:s3], [sflag:s2] =	dma.local @!p0 [hbm:s0], s1  }
0x2fb: {  	s0 =	simm.s32 @!p0 $0x7  }
0x2fc: {  	_ =	swait.ge @!p0 [sflag:s0], s1  }
0x2fd: {  	s1 =	ssub.s32 @!p0 $0x0, s1;
	[sflag:s0] =	ssyncset.done @!p0 $0x0  }
0x2fe: {  	[sflag:s0] =	ssyncadd.s32 @!p0 s1  }
0x2ff: {  	[bflag:$0x3] =	sbarrier.arrive $0xFFFF  }
0x300: {  	_ =	shalt  }

// kernel: sparse-core-data-format-call.cloned.1.call-start
scs
called_computation_lowered:
.L_overlay_start_0:
0x0: {  	s2 =	sld [smem:$0x3FD9]  }
0x1: {  	s3 =	sld [smem:$0x3FFE];
	_ =	sdelay $0x1  }
0x2: {  	s1 =	srdreg.scid  }
0x3: {  	s0 =	sand.u32 $0x1, s1  }
0x4: {  	s18 =	sshll.u32 s0, $0xA;
	s2 =	sadd.s32 s3, s2  }
0x5: {  	s2 =	sadd.s32 s2, s18  }
0x6: {  	[smem:$0x3FC6] =	sst s2  }
0x7: {  	_ = 	snop  }
0x8: {  	s2 =	sld [smem:$0x3FD0];
	(tm) =	ssettm $0x1  }
0x9: {  	s19 =	sld [smem:$0x3FFB];
	_ =	sdelay $0x3  }
0xa: {  	_ =	strace s19  }
0xb: {  	s3 =	sld [smem:$0x3FFC];
	_ =	sdelay $0x3  }
0xc: {  	_ =	strace s3  }
0xd: {  	s3 =	sld [smem:$0x3FFD];
	_ =	sdelay $0x3  }
0xe: {  	_ =	strace s3  }
0xf: {  	_ =	strace $0x8FFFFFFF  }
0x10: {  	s20 =	sld [smem:$0x3FDB];
	_ =	sdelay $0x1  }
0x11: {  	s4 =	simm.s32 $_scs_section_size  }
0x12: {  	s5 =	simm.s32 $_size__tile_overlayer_lowered;
	s6 =	simm.s32 $_tile_overlayer_lowered  }
0x13: {  	s23 =	simm.s32 $0x1BFF;
	s22 =	sshll.u32 s6, $0x1;
	s3 =	sadd.s32 s4, s20  }
0x14: {  	s7 =	simm.s32 $0x0;
	s21 =	sshll.u32 s5, $0x1;
	s5 =	sadd.s32 s22, s3  }
0x15: {  	[timem:s7], [sflag:s23] =	dma.local [hbm:s5], s21  }
0x16: {  	_ =	swait.ge [sflag:s23], s21  }
0x17: {  	s4 =	ssub.s32 $0x0, s21;
	[sflag:s23] =	ssyncset.done $0x0  }
0x18: {  	[sflag:s23] =	ssyncadd.s32 s4;
	_ =	sdelay $0x1  }
0x19: {  	s24 =	simm.s32 $0x1B8B  }
0x1a: {  	_ =	swait.ge [sflag:s24], $0x1  }
0x1b: {  	[sflag:s24] =	ssyncset.done $0x0  }
0x1c: {  	s26 =	simm.s32 $0x1B8E;
	s25 =	sld [smem:$0x3FFE];
	[sflag:s24] =	ssyncadd.s32 $0xFFFFFFFF  }
0x1d: {  	s27 =	simm.s32 $execute0_lowered;
	[smem:$0x3FD2] =	sst s26  }
0x1e: {  	s5 =	sshll.u32 s27, $0x1;
	_ =	strace $0x80000049;
	[dreg:$0x1] =	wrdreg $0xFFFFFFFF  }
0x1f: {  	s28 =	simm.s32 $_size_execute0_lowered;
	s3 =	sadd.s32 s3, s5;
	[dreg:$0x0] =	wrdreg $0x0  }
0x20: {  	s5 =	sshll.u32 s28, $0x1;
	[dreg:$0x2] =	wrdreg s3  }
0x21: {  	[dreg:$0x3] =	wrdreg s5  }
0x22: {  	[dreg:$0x4] =	wrdreg $0xC0  }
0x23: {  	_ =	task [dreg:s7], $0x5FFFF  }
0x24: {  	[dreg:$0x1] =	wrdreg $0xFFFFFFFF  }
0x25: {  	[dreg:$0x0] =	wrdreg $0x60  }
0x26: {  	[dreg:$0x2] =	wrdreg s25  }
0x27: {  	[dreg:$0x3] =	wrdreg s2  }
0x28: {  	[dreg:$0x4] =	wrdreg $0x9  }
0x29: {  	_ =	task.clear_ibuf [dreg:s7], $0x5FFFF;
	_ =	strace $0x90000049  }
0x2a: {  	s29 =	simm.s32 $0x9;
	_ =	strace $0x8000004B  }
0x2b: {  	_ =	swait.ge [sflag:s29], $0x1  }
0x2c: {  	[sflag:s29] =	ssyncadd.s32 $0xFFFFFFFF  }
0x2d: {  	_ =	strace $0x9000004B  }
0x2e: {  	_ =	sfence  }
0x2f: {  	s30 =	sld [smem:$0x0];
	_ =	sdelay $0x2  }
0x30: {  	s31 =	sshll.u32 s1, $0xD;
	s1 =	sshrl.u32 s1, $0x2  }
0x31: {  	s3 =	sand.u32 $0x4000, s31;
	s1 =	sadd.s32 s1, s30  }
0x32: {  	s0 =	sor.u32 s3, s0;
	s1 =	sshll.u32 s1, $0x11  }
0x33: {  	s0 =	sor.u32 s1, s0  }
0x34: {  	s0 =	sadd.s32 $0x8F2B, s0  }
0x35: {  	[sflag:s0] =	ssyncadd.remote.s32 $0x1  }
0x36: {  	_ =	sfence.sel $0xFFFF  }
0x37: {  	[dreg:$0x0] =	wrdreg $0xFFFFFFFF;
	(pc) =	sbr.abs _section_cstart, $3  }
0x38: {  	[dreg:$0x1] =	wrdreg $0xFFFFFFFF  }
0x39: {  	_ =	task.clear_ibuf [dreg:s7], $0x2FFFF;
	_ =	strace $0x9FFFFFFF  }
0x3a: {  	(tm) =	ssettm $0x7FFFFFFF  }
0x3b: {  	_ =	shalt  }
tec
execute0_lowered:
.L_overlay_start_1:
0x0: {  	(tag) =	ssettag $0x1  }
0x1: {  	s0 =	srdreg.scid  }
0x2: {  	s1 =	sshll.u32 s0, $0x4  }
0x3: {  	s0 =	stileid.u32;
	s1 =	sand.u32 $0x10, s1  }
0x4: {  	s1 =	sor.u32 s0, s1  }
0x5: {  	s6 =	rddreg [dreg:$0x0];
	s4 =	simm.s32 $0x1;
	s2 =	sshll.u32 s1, $0x7  }
0x6: {  	s7 =	simm.s32 $0x2;
	s12 =	simm.s32 $0x0;
	s1 =	ssub.s32 $0x4000, s2  }
0x7: {  	s8 =	simm.s32 $0x20000;
	s13 =	simm.s32 $0x0;
	s3 =	sand.u32 $0xF80, s1  }
0x8: {  	s9 =	simm.s32 $0x0;
	s5 =	sshrl.u32 s1, $0xC;
	p0 =	sne.s32 s3, $0x0  }
.Ltmp0:
0x9: {  	s1 =	rddreg [dreg:$0x2];
	s4 =	simm.s32 @!p0 $0x0;
	(pc) =	sbr.rel .LBB1_1-.Ltmp0, $4  }
0xa: {  	s11 =	simm.s32 $0x0;
	s3 =	rddreg [dreg:$0x1];
	s5 =	sadd.s32 s4, s5  }
0xb: {  	_ =	strace $0x8000004A;
	s4 =	simm.s32 $0x1;
	s5 =	smul.u32 $0x32, s5  }
0xc: {  	s6 =	sadd.s32 $0xA00, s6;
	s10 =	smov.u32 s2;
	[sflag:s4] =	ssyncpa.u1 $0x0  }
0xd: {  	p0 =	por $0x0, $0x0;
	[sflag:s7] =	ssyncpa.u1 $0x0;
	s7 =	sor.u32 $0x1, s5  }
.LBB1_4:
0xe: {  	s16 =	sshll.u32 s13, $0x3;
	s17 =	sand.u32 $0x78, s13  }
0xf: {  	s30 =	sand.u32 $0x1F800, s13;
	s12 =	sshll.u32 s12, $0x11;
	s16 =	sand.u32 $0x3C00, s16  }
0x10: {  	[tilespmem:s15+$0x810 ss:$0x81] =	vst.msk $0xffff, v2;
	s31 =	sand.u32 $0x7, s13;
	s16 =	sor.u32 s17, s16;
	s17 =	sadd.s32 s3, s30  }
0x11: {  	[tilespmem:s15+$0x1020 ss:$0x81] =	vst.msk $0xffff, v0;
	s13 =	sshll.u32 s31, $0x12;
	s12 =	sadd.s32 s12, s17;
	s16 =	sshrl.u32 s16, $0x3  }
0x12: {  	[tilespmem:s15+$0x0 ss:$0x81] =	vst.msk $0xffff, v1;
	s13 =	sor.u32 $0x400, s13;
	s12 =	sadd.s32 s16, s12  }
0x13: {  	[hbm4b:s12+s13] =	stream.strided.scatter [tilespmem:s14], [sflag:$0x2], $0x2000, s8, s13, $0x20;
	[tilespmem:$0x8080] =	vst v63  }
.LBB1_5:
0x14: {  	s14 =	sadd.s32 $0x1, s9  }
0x15: {  	s12 =	sadd.s32 $0x1000, s10;
	s16 =	smov.u32 s10;
	p2 =	sgt.s32 s14, $0x31  }
0x16: {  	s16 =	smov.u32 @p2 s12  }
0x17: {  	s14 =	simm.s32 @p2 $0x0;
	p2 =	sgt.s32 s16, $0x3FFF  }
0x18: {  	s16 =	smov.u32 @p2 s2;
	p2 =	sne.s32 s11, s7  }
.Ltmp1:
0x19: {  	p1 =	slt.u32 s11, $0x2;
	(pc) =	sbr.rel @!p2 .LBB1_6-.Ltmp1, $4  }
0x1a: {  	s15 =	simm.s32 @!p1 $0x2  }
0x1b: {  	s13 =	smov.u32 s10;
	p0 =	por !p0, !p0;
	_ =	swait.ge @!p1 [sflag:s15], $0x2000  }
0x1c: {  	s12 =	smov.u32 s9;
	[sflag:s15] =	ssyncset.done @!p1 $0x0;
	s9 =	smov.u32 s14  }
0x1d: {  	s11 =	sadd.s32 $0x1, s11;
	[sflag:s15] =	ssyncadd.s32 @!p1 $0xFFFFE000;
	s10 =	smov.u32 s16  }
.LBB1_1:
0x1e: {  	p1 =	sge.u32 s11, s5  }
0x1f: {  	s14 =	sand.u32 @!p1 $0x1FFFFFF, s9  }
0x20: {  	s15 =	smulhi.u32 @!p1 $0x4924925, s14;
	_ =	sdelay $0x1  }
0x21: {  	s15 =	smul.u32 @!p1 $0x38, s15  }
0x22: {  	s16 =	sxor.u32 @!p1 $0xFFFFFFFF, s11;
	s17 =	smul.u32 @!p1 $0x380, s10  }
0x23: {  	s31 =	sadd.s32 $0xFFFFFFFF, s11;
	s16 =	sshll.u32 @!p1 s16, $0xD;
	s14 =	ssub.s32 @!p1 s14, s15  }
0x24: {  	s15 =	sand.u32 @!p1 $0x2000, s16;
	s16 =	sadd.s32 @!p1 s6, s17;
	s14 =	sshll.u32 @!p1 s14, $0x4  }
0x25: {  	s17 =	simm.s32 @!p1 $0x1C00;
	s14 =	sadd.s32 @!p1 s14, s16;
	s16 =	simm.s32 @!p1 $0x40  }
0x26: {  	[tilespmem:s15], [sflag:$0x1] =	stream.strided.gather @!p1 [hbm4b:s14+s16], $0x2000, s17, s16, $0x38;
	[tilespmem:$0x8080] =	vst v63  }
0x27: {  	p1 =	sge.u32 s31, s5  }
.Ltmp2:
0x28: {  	_ = 	snop;
	(pc) =	sbr.rel @p1 .LBB1_5-.Ltmp2, $1  }
0x29: {  	_ =	sdelay $0x3  }
0x2a: {  	s14 =	simm.s32 $0x1  }
0x2b: {  	_ =	swait.ge [sflag:s4], $0x2000;
	s14 =	simm.s32 @!p0 $0x0  }
0x2c: {  	[sflag:s4] =	ssyncset.done $0x0;
	s15 =	sshll.u32 s14, $0xD  }
0x2d: {  	[sflag:s4] =	ssyncadd.s32 $0xFFFFE000;
	s18 =	sor.u32 $0x20, s15  }
0x2e: {  	s14 =	smul.u32 $0x8100, s14;
	v3 =	vld [tilespmem:s18+$0x10]  }
0x2f: {  	s30 =	sand.u32 $0x1, s11;
	v2 =	vld [tilespmem:s18+$0xFFFFFFF0]  }
0x30: {  	s15 =	smul.u32 $0x8100, s30;
	s14 =	sshrl.u32 s14, $0x2;
	v0 =	vld [tilespmem:s18+$0x0]  }
0x31: {  	v1 =	vld [tilespmem:s18+$0xFFFFFFE0];
	s16 =	sor.u32 $0x4000, s14  }
0x32: {  	s31 =	sshrl.u32 s15, $0x2;
	s15 =	sadd.s32 $0x0, s16  }
0x33: {  	s17 =	simm.s32 $0x4;
	s18 =	sadd.s32 $0x40, s18;
	s14 =	sor.u32 $0x4000, s31;
	[tilespmem:s15+$0x1830 ss:$0x81] =	vst.msk $0xffff, v3  }
.LBB1_3:
0x34: {  	v3 =	vld [tilespmem:s18+$0x10];
	p1 =	sne.s32 s17, $0x1FC;
	[tilespmem:s15+$0x810 ss:$0x81] =	vst.msk $0xffff, v2;
	s19 =	smov.u32 s17;
	s17 =	sadd.s32 $0x4, s17  }
.Ltmp3:
0x35: {  	v2 =	vld [tilespmem:s18+$0xFFFFFFF0];
	[tilespmem:s15+$0x1020 ss:$0x81] =	vst.msk $0xffff, v0;
	(pc) =	sbr.rel @p1 .LBB1_3-.Ltmp3, $4  }
0x36: {  	v0 =	vld [tilespmem:s18+$0x0];
	[tilespmem:s15+$0x0 ss:$0x81] =	vst.msk $0xffff, v1  }
0x37: {  	s15 =	sshra.s32 s19, $0x2;
	v1 =	vld [tilespmem:s18+$0xFFFFFFE0]  }
0x38: {  	s15 =	sadd.s32 s15, s16  }
0x39: {  	s18 =	sadd.s32 $0x40, s18;
	[tilespmem:s15+$0x1830 ss:$0x81] =	vst.msk $0xffff, v3  }
.Ltmp4:
0x3a: {  	_ = 	snop;
	(pc) =	sbr.rel .LBB1_4-.Ltmp4, $1  }
0x3b: {  	_ =	sdelay $0x3  }
.LBB1_6:
0x3c: {  	_ =	sfence.sel $0x180000  }
0x3d: {  	s2 =	simm.s32 $0x1;
	[bflag:$0x0] =	sbarrier.arrive $0xFFFF  }
0x3e: {  	s31 =	simm.s32 $0x2;
	[sflag:s2] =	ssyncpa.u1 $0x1  }
0x3f: {  	[sflag:s31] =	ssyncpa.u1 $0x1  }
0x40: {  	p0 =	sne.s32 s0, $0x0;
	_ =	strace $0x9000004A  }
0x41: {  	s0 =	sadd.s32 @!p0 $0x100000, s1;
	[bflag:$0x2] =	sbarrier.arrive $0xFFFF  }
0x42: {  	[sflag:s0] =	ssyncadd.tile.s32 @!p0 $0x1;
	_ =	shalt  }
.Lfunc_end1:
_tile_overlayer_lowered:
.L_overlay_start_2:
0x43: {  	(tag) =	ssettag $0x2  }
0x44: {  	s0 =	rddreg [dreg:$0x0];
	s2 =	stileid.u32  }
0x45: {  	s1 =	rddreg [dreg:$0x1];
	p0 =	sne.s32 s2, $0x0  }
0x46: {  	s3 =	rddreg [dreg:$0x2];
	[bflag:$0x3] =	sbarrier.arrive $0xFFFF;
	s2 =	simm.s32 @!p0 $0x1C01  }
0x47: {  	[timem:s3], [sflag:s2] =	dma.local @!p0 [hbm:s0], s1  }
0x48: {  	s0 =	simm.s32 @!p0 $0x1  }
0x49: {  	_ =	swait.ge @!p0 [sflag:s0], s1  }
0x4a: {  	s1 =	ssub.s32 @!p0 $0x0, s1;
	[sflag:s0] =	ssyncset.done @!p0 $0x0  }
0x4b: {  	[sflag:s0] =	ssyncadd.s32 @!p0 s1  }
0x4c: {  	[bflag:$0x3] =	sbarrier.arrive $0xFFFF  }
0x4d: {  	_ =	shalt  }

</sc_bundles>
